<compile_context>
chip_gen: v7x
topology: tpu7x:2x2x1
jax: 0.10.2.dev20260603
libtpu: 0.0.44.dev20260713+nightly
codegen_flags: <defaults>
</compile_context>

<pallas_src>
import functools

import jax
import jax.numpy as jnp
from jax import lax
from jax.experimental import pallas as pl
from jax.experimental.pallas import tpu as pltpu
from jax.experimental.pallas import tpu_sc as plsc

N = 10000
E = 320000
CZ = 128
CE = 16
H = 8
C = 16
DIN = 2 * CZ + CE

NC = 2
NS = 16
NW = NC * NS
PW = 128
HH = H // NC
MW = HH * C

NHALF = 2
EH = E // NHALF
GCH = 40
SCH = 80
NP = 10240
NPS = NP // NS

_F32 = jnp.float32

_mesh = plsc.VectorSubcoreMesh(
    core_axis_name="c", subcore_axis_name="s", num_cores=NC, num_subcores=NS
)


_HW = CZ // 2


def _pack(v):
    a = lax.bitcast_convert_type(v[:, :_HW], jnp.int32)
    b = lax.bitcast_convert_type(v[:, _HW:], jnp.int32)
    a = jnp.bitwise_and(a + 0x8000, -65536)
    b = lax.shift_right_logical(b + 0x8000, 16)
    b = jnp.bitwise_and(b, 0xFFFF)
    return lax.bitcast_convert_type(jnp.bitwise_or(a, b), _F32)


def _unpack(p):
    w = lax.bitcast_convert_type(p, jnp.int32)
    hi = lax.bitcast_convert_type(jnp.bitwise_and(w, -65536), _F32)
    lo = lax.bitcast_convert_type(lax.shift_left(w, 16), _F32)
    return jnp.concatenate([hi, lo], axis=1)


def _node_tab_body(x_ref, wq_ref, bq_ref, out_ref):
    q = jnp.dot(x_ref[...], wq_ref[...], preferred_element_type=_F32)
    q = (q + bq_ref[...]) * 0.25
    out_ref[...] = jnp.concatenate([_pack(x_ref[...]), _pack(q)], axis=1)


def _node_tab(x, Wq, bq):
    bn = 2000
    return pl.pallas_call(
        _node_tab_body,
        grid=(N // bn,),
        in_specs=[
            pl.BlockSpec((bn, CZ), lambda i: (i, 0)),
            pl.BlockSpec((CZ, CZ), lambda i: (0, 0)),
            pl.BlockSpec((1, CZ), lambda i: (0, 0)),
        ],
        out_specs=pl.BlockSpec((bn, CZ), lambda i: (i, 0)),
        out_shape=jax.ShapeDtypeStruct((N, CZ), _F32),
    )(x, Wq, bq.reshape(1, CZ))


def _make_gather(ne, gch):
    epw = ne // NW
    gnch = epw // gch
    assert epw % gch == 0 and gnch % 2 == 1 and gch % 8 == 0

    def body(src_hbm, dst_hbm, xt_hbm, dt_hbm, g1_hbm, g2_hbm,
             sia, dia, b1a, b2a, sib, dib, b1b, b2b,
             sia_s, sga1, sga2, sib_s, sgb1, sgb2, swa, swb):
        wid = lax.axis_index("s") * NC + lax.axis_index("c")
        base = wid * epw

        def fire_idx(c, si, di, sem):
            off = base + c * gch
            pltpu.async_copy(src_hbm.at[pl.ds(off, gch)], si, sem)
            pltpu.async_copy(dst_hbm.at[pl.ds(off, gch)], di, sem)

        def drain_idx(c, si, di, sem):
            off = base + c * gch
            pltpu.make_async_copy(src_hbm.at[pl.ds(off, gch)], si, sem).wait()
            pltpu.make_async_copy(dst_hbm.at[pl.ds(off, gch)], di, sem).wait()

        def fire_rows(si, di, bb1, bb2, s1, s2):
            pltpu.async_copy(xt_hbm.at[si], bb1, s1)
            pltpu.async_copy(dt_hbm.at[di], bb2, s2)

        def drain_rows(si, di, bb1, bb2, s1, s2):
            pltpu.make_async_copy(xt_hbm.at[si], bb1, s1).wait()
            pltpu.make_async_copy(dt_hbm.at[di], bb2, s2).wait()

        def fire_wb(c, bb1, bb2, semw):
            off = base + c * gch
            pltpu.async_copy(bb1, g1_hbm.at[pl.ds(off, gch)], semw)
            pltpu.async_copy(bb2, g2_hbm.at[pl.ds(off, gch)], semw)

        def drain_wb(c, bb1, bb2, semw):
            off = base + c * gch
            pltpu.make_async_copy(bb1, g1_hbm.at[pl.ds(off, gch)], semw).wait()
            pltpu.make_async_copy(bb2, g2_hbm.at[pl.ds(off, gch)], semw).wait()

        seta = (sia, dia, b1a, b2a, sia_s, sga1, sga2, swa)
        setb = (sib, dib, b1b, b2b, sib_s, sgb1, sgb2, swb)

        def half_step(c, cur, nxt):
            si, di, bb1, bb2, sis, s1, s2, sw = cur
            nsi, ndi, nb1, nb2, nsis, ns1, ns2, nsw = nxt

            @pl.when(c > 0)
            def _():
                drain_wb(c - 1, nb1, nb2, nsw)

            fire_rows(nsi, ndi, nb1, nb2, ns1, ns2)
            drain_rows(si, di, bb1, bb2, s1, s2)
            fire_wb(c, bb1, bb2, sw)

            @pl.when(c + 2 < gnch)
            def _():
                fire_idx(c + 2, si, di, sis)
                drain_idx(c + 2, si, di, sis)

        fire_idx(0, sia, dia, sia_s)
        fire_idx(1, sib, dib, sib_s)
        drain_idx(0, sia, dia, sia_s)
        fire_rows(sia, dia, b1a, b2a, sga1, sga2)
        drain_idx(1, sib, dib, sib_s)

        def step(o, carry):
            c = 2 * o
            half_step(c, seta, setb)
            half_step(c + 1, setb, seta)
            return carry

        lax.fori_loop(0, (gnch - 1) // 2, step, 0)
        drain_rows(sia, dia, b1a, b2a, sga1, sga2)
        fire_wb(gnch - 1, b1a, b2a, swa)
        drain_wb(gnch - 2, b1b, b2b, swb)
        drain_wb(gnch - 1, b1a, b2a, swa)

    return functools.partial(
        pl.kernel,
        body,
        out_type=[
            jax.ShapeDtypeStruct((ne, CZ), _F32),
            jax.ShapeDtypeStruct((ne, CZ), _F32),
        ],
        mesh=_mesh,
        scratch_types=[
            pltpu.VMEM((gch,), jnp.int32),
            pltpu.VMEM((gch,), jnp.int32),
            pltpu.VMEM((gch, CZ), _F32),
            pltpu.VMEM((gch, CZ), _F32),
            pltpu.VMEM((gch,), jnp.int32),
            pltpu.VMEM((gch,), jnp.int32),
            pltpu.VMEM((gch, CZ), _F32),
            pltpu.VMEM((gch, CZ), _F32),
            pltpu.SemaphoreType.DMA,
            pltpu.SemaphoreType.DMA,
            pltpu.SemaphoreType.DMA,
            pltpu.SemaphoreType.DMA,
            pltpu.SemaphoreType.DMA,
            pltpu.SemaphoreType.DMA,
            pltpu.SemaphoreType.DMA,
            pltpu.SemaphoreType.DMA,
        ],
    )()


_gather_half = _make_gather(EH, GCH)


def _edge_body(ea_ref, g1_ref, g2_ref, lng_ref, lnb_ref,
               wk_ref, bk_ref, wv_ref, bv_ref, out_ref):
    hi = g1_ref[...]
    d2 = g2_ref[...]
    hj = _unpack(d2[:, :_HW])
    qd = _unpack(d2[:, _HW:])
    xf = jnp.concatenate([ea_ref[...], hi, hj], axis=1)
    mu = jnp.mean(xf, axis=1, keepdims=True)
    xc = xf - mu
    var = jnp.mean(xc * xc, axis=1, keepdims=True)
    xn = xc * lax.rsqrt(var + 1e-5) * lng_ref[...] + lnb_ref[...]
    key = jnp.dot(xn, wk_ref[...], preferred_element_type=_F32) + bk_ref[...]
    val = jnp.dot(xn, wv_ref[...], preferred_element_type=_F32) + bv_ref[...]
    hm = (lax.broadcasted_iota(jnp.int32, (CZ, H), 0) // C
          == lax.broadcasted_iota(jnp.int32, (CZ, H), 1)).astype(_F32)
    hmT = (lax.broadcasted_iota(jnp.int32, (H, CZ), 1) // C
           == lax.broadcasted_iota(jnp.int32, (H, CZ), 0)).astype(_F32)
    logits = jnp.dot(qd * key, hm, preferred_element_type=_F32)
    ex = jnp.exp(logits)
    m = val * jnp.dot(ex, hmT, preferred_element_type=_F32)
    pad = jnp.zeros((m.shape[0], PW - MW - HH), _F32)
    row0 = jnp.concatenate([m[:, :MW], ex[:, :HH], pad], axis=1)
    row1 = jnp.concatenate([m[:, MW:], ex[:, HH:], pad], axis=1)
    out_ref[...] = jnp.stack([row0, row1], axis=0)


def _edge_math(edge_attr, g1, g2, ln_g, ln_b, Wk, bk, Wv, bv):
    be = 4000
    ne = g1.shape[0]
    return pl.pallas_call(
        _edge_body,
        grid=(ne // be,),
        in_specs=[
            pl.BlockSpec((be, CE), lambda i: (i, 0)),
            pl.BlockSpec((be, CZ), lambda i: (i, 0)),
            pl.BlockSpec((be, CZ), lambda i: (i, 0)),
            pl.BlockSpec((1, DIN), lambda i: (0, 0)),
            pl.BlockSpec((1, DIN), lambda i: (0, 0)),
            pl.BlockSpec((DIN, CZ), lambda i: (0, 0)),
            pl.BlockSpec((1, CZ), lambda i: (0, 0)),
            pl.BlockSpec((DIN, CZ), lambda i: (0, 0)),
            pl.BlockSpec((1, CZ), lambda i: (0, 0)),
        ],
        out_specs=pl.BlockSpec((NC, be, PW), lambda i: (0, i, 0)),
        out_shape=jax.ShapeDtypeStruct((NC, ne, PW), _F32),
    )(edge_attr, g1, g2, ln_g.reshape(1, DIN), ln_b.reshape(1, DIN),
      Wk, bk.reshape(1, CZ), Wv, bv.reshape(1, CZ))


_NSET = 4


def _make_scatter(ne, sch):
    eps = ne // NS
    snch = eps // sch
    tail = snch % _NSET
    assert eps % sch == 0 and sch % 8 == 0 and tail < _NSET

    def body(dst_hbm, pay_hbm, zer_hbm, out_hbm, *scr):
        dis = scr[0:_NSET]
        pbs = scr[_NSET:2 * _NSET]
        acc = scr[2 * _NSET]
        sls = scr[2 * _NSET + 1:3 * _NSET + 1]
        sas = scr[3 * _NSET + 1:4 * _NSET + 1]
        cid = lax.axis_index("c")
        sid = lax.axis_index("s")
        pltpu.sync_copy(zer_hbm, acc.at[pl.ds(sid * NPS, NPS)])
        plsc.subcore_barrier()
        base = sid * eps

        def fire_load(c, j):
            off = base + c * sch
            pltpu.async_copy(dst_hbm.at[pl.ds(off, sch)], dis[j], sls[j])
            pltpu.async_copy(pay_hbm.at[cid, pl.ds(off, sch)], pbs[j], sls[j])

        def drain_load(c, j):
            off = base + c * sch
            pltpu.make_async_copy(
                dst_hbm.at[pl.ds(off, sch)], dis[j], sls[j]).wait()
            pltpu.make_async_copy(
                pay_hbm.at[cid, pl.ds(off, sch)], pbs[j], sls[j]).wait()

        def fire_add(j):
            pltpu.async_copy(pbs[j], acc.at[dis[j]], sas[j], add=True)

        def drain_add(j):
            pltpu.make_async_copy(pbs[j], acc.at[dis[j]], sas[j]).wait()

        for j in range(_NSET):
            fire_load(j, j)

        def step(o, carry):
            c = _NSET * o
            for j in range(_NSET):
                drain_load(c + j, j)
                fire_add(j)
            for j in range(_NSET):
                drain_add(j)

                @pl.when(c + j + _NSET < snch)
                def _():
                    fire_load(c + j + _NSET, j)
            return carry

        lax.fori_loop(0, snch // _NSET, step, 0)
        for j in range(tail):
            c = snch - tail + j
            drain_load(c, j)
            fire_add(j)
        for j in range(tail):
            drain_add(j)
        plsc.subcore_barrier()
        pltpu.sync_copy(acc.at[pl.ds(sid * NPS, NPS)],
                        out_hbm.at[cid, pl.ds(sid * NPS, NPS)])

    return functools.partial(
        pl.kernel,
        body,
        out_type=jax.ShapeDtypeStruct((NC, NP, PW), _F32),
        mesh=_mesh,
        scratch_types=(
            [pltpu.VMEM((sch,), jnp.int32) for _ in range(_NSET)]
            + [pltpu.VMEM((sch, PW), _F32) for _ in range(_NSET)]
            + [pltpu.VMEM_SHARED((NP, PW), _F32)]
            + [pltpu.SemaphoreType.DMA for _ in range(2 * _NSET)]
        ),
    )()


_scatter_half = _make_scatter(EH, SCH)


def _final_body(p_ref, w1_ref, b1_ref, w2_ref, b2_ref, out_ref):
    p0 = p_ref[0] + p_ref[2]
    p1 = p_ref[1] + p_ref[3]
    msum = jnp.concatenate([p0[:, :MW], p1[:, :MW]], axis=1)
    den = jnp.concatenate([p0[:, MW:MW + HH], p1[:, MW:MW + HH]], axis=1)
    hmT = (lax.broadcasted_iota(jnp.int32, (H, CZ), 1) // C
           == lax.broadcasted_iota(jnp.int32, (H, CZ), 0)).astype(_F32)
    dexp = jnp.dot(den, hmT, preferred_element_type=_F32)
    out_x = msum / jnp.maximum(dexp, 1e-30)
    h = jnp.dot(out_x, w1_ref[...], preferred_element_type=_F32) + b1_ref[...]
    h = h * jax.nn.sigmoid(h)
    out_ref[...] = (jnp.dot(h, w2_ref[...], preferred_element_type=_F32)
                    + b2_ref[...])


def _final(parts, W1, b1, W2, b2):
    bn = 2000
    return pl.pallas_call(
        _final_body,
        grid=(N // bn,),
        in_specs=[
            pl.BlockSpec((2 * NC, bn, PW), lambda i: (0, i, 0)),
            pl.BlockSpec((CZ, 2 * CZ), lambda i: (0, 0)),
            pl.BlockSpec((1, 2 * CZ), lambda i: (0, 0)),
            pl.BlockSpec((2 * CZ, CZ), lambda i: (0, 0)),
            pl.BlockSpec((1, CZ), lambda i: (0, 0)),
        ],
        out_specs=pl.BlockSpec((bn, CZ), lambda i: (i, 0)),
        out_shape=jax.ShapeDtypeStruct((N, CZ), _F32),
    )(parts, W1, b1.reshape(1, 2 * CZ), W2, b2.reshape(1, CZ))


def kernel(x, edge_index, edge_attr, ln_g, ln_b, Wq, bq, Wk, bk, Wv, bv,
           W1, b1, W2, b2):
    src = edge_index[0]
    dst = edge_index[1]
    dtab = _node_tab(x, Wq, bq)
    zeros = jnp.zeros((NPS, PW), _F32)
    parts = []
    for hf in range(NHALF):
        sl = slice(hf * EH, (hf + 1) * EH)
        g1, g2 = _gather_half(src[sl], dst[sl], x, dtab)
        pay = _edge_math(edge_attr[sl], g1, g2, ln_g, ln_b, Wk, bk, Wv, bv)
        parts.append(_scatter_half(dst[sl], pay, zeros))
    stacked = jnp.concatenate([parts[0], parts[1]], axis=0)
    return _final(stacked, W1, b1, W2, b2)

# --- scband reference (transcript-rebuilt; emitter-appended) ---
"""Pipeline reference for scband-attention-layer-21131239096479 (READ-ONLY COPY).

The authoritative reference and input builder live on the scoring server;
editing this copy changes nothing except your own understanding.
"""

import jax, jax.numpy as jnp
import numpy as np

N = 10000
E = 320000
CZ = 128
CE = 16
H = 8
C = 16
DIN = 2 * CZ + CE  # 272


def setup_inputs(seed: int = 0) -> dict:
    key = jax.random.key(seed)
    ks = [jax.random.fold_in(key, i) for i in range(20)]
    x = jax.random.normal(ks[0], (N, CZ), dtype=jnp.float32)
    edge_index = jax.random.randint(ks[1], (2, E), 0, N, dtype=jnp.int32)
    edge_attr = jax.random.normal(ks[2], (E, CE), dtype=jnp.float32)
    ln_g = jnp.ones((DIN,), dtype=jnp.float32)
    ln_b = jnp.zeros((DIN,), dtype=jnp.float32)
    Wq = jax.random.normal(ks[3], (CZ, H * C), dtype=jnp.float32) * 0.05
    bq = jnp.zeros((H * C,), dtype=jnp.float32)
    Wk = jax.random.normal(ks[4], (DIN, H * C), dtype=jnp.float32) * 0.05
    bk = jnp.zeros((H * C,), dtype=jnp.float32)
    Wv = jax.random.normal(ks[5], (DIN, H * C), dtype=jnp.float32) * 0.05
    bv = jnp.zeros((H * C,), dtype=jnp.float32)
    W1 = jax.random.normal(ks[6], (CZ, 2 * CZ), dtype=jnp.float32) * 0.05
    b1 = jnp.zeros((2 * CZ,), dtype=jnp.float32)
    W2 = jax.random.normal(ks[7], (2 * CZ, CZ), dtype=jnp.float32) * 0.05
    b2 = jnp.zeros((CZ,), dtype=jnp.float32)
    return {"x": x, "edge_index": edge_index, "edge_attr": edge_attr,
            "ln_g": ln_g, "ln_b": ln_b, "Wq": Wq, "bq": bq, "Wk": Wk, "bk": bk,
            "Wv": Wv, "bv": bv, "W1": W1, "b1": b1, "W2": W2, "b2": b2}


def _layernorm(v, g, b):
    mu = jnp.mean(v, axis=-1, keepdims=True)
    var = jnp.var(v, axis=-1, keepdims=True)
    return (v - mu) / jnp.sqrt(var + 1e-5) * g + b


def reference(x, edge_index, edge_attr, ln_g, ln_b, Wq, bq, Wk, bk, Wv, bv, W1, b1, W2, b2):
    src = edge_index[0]
    dst = edge_index[1]
    hi = x[src]
    hj = x[dst]
    x_feat = jnp.concatenate([edge_attr, hi, hj], axis=-1)
    x_feat = _layernorm(x_feat, ln_g, ln_b)
    query = (x @ Wq + bq).reshape(-1, H, C)
    key_ = (x_feat @ Wk + bk).reshape(-1, H, C)
    value = (x_feat @ Wv + bv).reshape(-1, H, C)
    logits = jnp.sum(query[dst] * key_ / np.sqrt(C), axis=-1)  # [E, H]
    mx = jax.ops.segment_max(logits, dst, num_segments=N)  # [N, H]
    ex = jnp.exp(logits - mx[dst])
    denom = jax.ops.segment_sum(ex, dst, num_segments=N)
    alpha = ex / denom[dst]  # dropout p=0.0, eval mode -> identity
    m = alpha[..., None] * value  # [E, H, C]
    out_x = jax.ops.segment_sum(m, dst, num_segments=N)  # [N, H, C]
    out_x = out_x.reshape(-1, H * C)
    h = out_x @ W1 + b1
    h = h * jax.nn.sigmoid(h)  # SiLU
    out = h @ W2 + b2
    return out

if __name__ == "__main__":
    import jax
    _d = setup_inputs()
    print(jax.jit(kernel)(*tuple(_d.values())))

</pallas_src>

<mosaic_0001>
#map = affine_map<(d0, d1) -> (0)>
#map1 = affine_map<(d0, d1) -> (0, 0)>
module attributes {stable_mosaic.version = 14 : i64} {
  func.func @body(%arg0: i32, %arg1: i32, %arg2: memref<160000xi32, #tpu.memory_space<hbm>>, %arg3: memref<160000xi32, #tpu.memory_space<hbm>>, %arg4: memref<10000x128xf32, #tpu.memory_space<hbm>>, %arg5: memref<10000x128xf32, #tpu.memory_space<hbm>>, %arg6: memref<160000x128xf32, #tpu.memory_space<hbm>>, %arg7: memref<160000x128xf32, #tpu.memory_space<hbm>>, %arg8: memref<40xi32, #tpu.memory_space<vmem>>, %arg9: memref<40xi32, #tpu.memory_space<vmem>>, %arg10: memref<40x128xf32, #tpu.memory_space<vmem>>, %arg11: memref<40x128xf32, #tpu.memory_space<vmem>>, %arg12: memref<40xi32, #tpu.memory_space<vmem>>, %arg13: memref<40xi32, #tpu.memory_space<vmem>>, %arg14: memref<40x128xf32, #tpu.memory_space<vmem>>, %arg15: memref<40x128xf32, #tpu.memory_space<vmem>>, %arg16: memref<!tpu.dma_semaphore, #tpu.memory_space<semaphore_mem>>, %arg17: memref<!tpu.dma_semaphore, #tpu.memory_space<semaphore_mem>>, %arg18: memref<!tpu.dma_semaphore, #tpu.memory_space<semaphore_mem>>, %arg19: memref<!tpu.dma_semaphore, #tpu.memory_space<semaphore_mem>>, %arg20: memref<!tpu.dma_semaphore, #tpu.memory_space<semaphore_mem>>, %arg21: memref<!tpu.dma_semaphore, #tpu.memory_space<semaphore_mem>>, %arg22: memref<!tpu.dma_semaphore, #tpu.memory_space<semaphore_mem>>, %arg23: memref<!tpu.dma_semaphore, #tpu.memory_space<semaphore_mem>>) attributes {dimension_semantics = [#tpu.dimension_semantics<core_parallel>, #tpu.dimension_semantics<subcore_parallel>], iteration_bounds = array<i64: 2, 16>, scalar_prefetch = 0 : i64, scratch_operands = 16 : i64, tpu.core_type = #tpu.core_type<sc_vector_subcore>, window_params = [{transform_indices = #map}, {transform_indices = #map}, {transform_indices = #map1}, {transform_indices = #map1}, {transform_indices = #map1}, {transform_indices = #map1}]} {
    %mul3A = arith.constant 2 : i32
    %mul3A_0 = arith.muli %arg1, %mul3A : i32
    %add3A = arith.addi %mul3A_0, %arg0 : i32
    %mul3A_1 = arith.constant 5000 : i32
    %mul3A_2 = arith.muli %add3A, %mul3A_1 : i32
    %add3A_3 = arith.constant 0 : i32
    %add3A_4 = arith.addi %mul3A_2, %add3A_3 : i32
    %dma_start3A = tpu.memref_slice %arg2[%add3A_4] : memref<160000xi32, #tpu.memory_space<hbm>> -> memref<40xi32, #tpu.memory_space<hbm>>
    %dma_start3A_5 = tpu.memref_slice %arg2[%add3A_4] : memref<160000xi32, #tpu.memory_space<hbm>> -> memref<40xi32, #tpu.memory_space<hbm>>
    tpu.enqueue_dma source(%dma_start3A_5 : memref<40xi32, #tpu.memory_space<hbm>>) target(%arg8 : memref<40xi32, #tpu.memory_space<vmem>>) target_semaphore(%arg16 : memref<!tpu.dma_semaphore, #tpu.memory_space<semaphore_mem>>)
    %dma_start3A_6 = tpu.memref_slice %arg3[%add3A_4] : memref<160000xi32, #tpu.memory_space<hbm>> -> memref<40xi32, #tpu.memory_space<hbm>>
    %dma_start3A_7 = tpu.memref_slice %arg3[%add3A_4] : memref<160000xi32, #tpu.memory_space<hbm>> -> memref<40xi32, #tpu.memory_space<hbm>>
    tpu.enqueue_dma source(%dma_start3A_7 : memref<40xi32, #tpu.memory_space<hbm>>) target(%arg9 : memref<40xi32, #tpu.memory_space<vmem>>) target_semaphore(%arg16 : memref<!tpu.dma_semaphore, #tpu.memory_space<semaphore_mem>>)
    %add3A_8 = arith.constant 40 : i32
    %add3A_9 = arith.addi %mul3A_2, %add3A_8 : i32
    %dma_start3A_10 = tpu.memref_slice %arg2[%add3A_9] : memref<160000xi32, #tpu.memory_space<hbm>> -> memref<40xi32, #tpu.memory_space<hbm>>
    %dma_start3A_11 = tpu.memref_slice %arg2[%add3A_9] : memref<160000xi32, #tpu.memory_space<hbm>> -> memref<40xi32, #tpu.memory_space<hbm>>
    tpu.enqueue_dma source(%dma_start3A_11 : memref<40xi32, #tpu.memory_space<hbm>>) target(%arg12 : memref<40xi32, #tpu.memory_space<vmem>>) target_semaphore(%arg19 : memref<!tpu.dma_semaphore, #tpu.memory_space<semaphore_mem>>)
    %dma_start3A_12 = tpu.memref_slice %arg3[%add3A_9] : memref<160000xi32, #tpu.memory_space<hbm>> -> memref<40xi32, #tpu.memory_space<hbm>>
    %dma_start3A_13 = tpu.memref_slice %arg3[%add3A_9] : memref<160000xi32, #tpu.memory_space<hbm>> -> memref<40xi32, #tpu.memory_space<hbm>>
    tpu.enqueue_dma source(%dma_start3A_13 : memref<40xi32, #tpu.memory_space<hbm>>) target(%arg13 : memref<40xi32, #tpu.memory_space<vmem>>) target_semaphore(%arg19 : memref<!tpu.dma_semaphore, #tpu.memory_space<semaphore_mem>>)
    %add3A_14 = arith.constant 0 : i32
    %add3A_15 = arith.addi %mul3A_2, %add3A_14 : i32
    %dma_wait3A = tpu.memref_slice %arg2[%add3A_15] : memref<160000xi32, #tpu.memory_space<hbm>> -> memref<40xi32, #tpu.memory_space<hbm>>
    %dma_wait3A_16 = tpu.memref_slice %arg2[%add3A_15] : memref<160000xi32, #tpu.memory_space<hbm>> -> memref<40xi32, #tpu.memory_space<hbm>>
    tpu.wait_dma2 semaphore(%arg16 : memref<!tpu.dma_semaphore, #tpu.memory_space<semaphore_mem>>) src(%dma_wait3A_16 : memref<40xi32, #tpu.memory_space<hbm>>) dst(%arg8 : memref<40xi32, #tpu.memory_space<vmem>>)
    %dma_wait3A_17 = tpu.memref_slice %arg3[%add3A_15] : memref<160000xi32, #tpu.memory_space<hbm>> -> memref<40xi32, #tpu.memory_space<hbm>>
    %dma_wait3A_18 = tpu.memref_slice %arg3[%add3A_15] : memref<160000xi32, #tpu.memory_space<hbm>> -> memref<40xi32, #tpu.memory_space<hbm>>
    tpu.wait_dma2 semaphore(%arg16 : memref<!tpu.dma_semaphore, #tpu.memory_space<semaphore_mem>>) src(%dma_wait3A_18 : memref<40xi32, #tpu.memory_space<hbm>>) dst(%arg9 : memref<40xi32, #tpu.memory_space<vmem>>)
    %dma_start3A_19 = arith.constant 0 : i32
    %dma_start3A_20 = arith.constant 0 : i32
    %dma_start3A_21 = tpu.memref_slice %arg4[%dma_start3A_19, %dma_start3A_20] : memref<10000x128xf32, #tpu.memory_space<hbm>> -> memref<10000x128xf32, #tpu.memory_space<hbm>>
    tpu.enqueue_indirect_dma source(%dma_start3A_21 : memref<10000x128xf32, #tpu.memory_space<hbm>>) target(%arg10 : memref<40x128xf32, #tpu.memory_space<vmem>>) offsets(%arg8 : memref<40xi32, #tpu.memory_space<vmem>>) semaphore(%arg17 : memref<!tpu.dma_semaphore, #tpu.memory_space<semaphore_mem>>)
    %dma_start3A_22 = arith.constant 0 : i32
    %dma_start3A_23 = arith.constant 0 : i32
    %dma_start3A_24 = tpu.memref_slice %arg5[%dma_start3A_22, %dma_start3A_23] : memref<10000x128xf32, #tpu.memory_space<hbm>> -> memref<10000x128xf32, #tpu.memory_space<hbm>>
    tpu.enqueue_indirect_dma source(%dma_start3A_24 : memref<10000x128xf32, #tpu.memory_space<hbm>>) target(%arg11 : memref<40x128xf32, #tpu.memory_space<vmem>>) offsets(%arg9 : memref<40xi32, #tpu.memory_space<vmem>>) semaphore(%arg18 : memref<!tpu.dma_semaphore, #tpu.memory_space<semaphore_mem>>)
    %add3A_25 = arith.constant 40 : i32
    %add3A_26 = arith.addi %mul3A_2, %add3A_25 : i32
    %dma_wait3A_27 = tpu.memref_slice %arg2[%add3A_26] : memref<160000xi32, #tpu.memory_space<hbm>> -> memref<40xi32, #tpu.memory_space<hbm>>
    %dma_wait3A_28 = tpu.memref_slice %arg2[%add3A_26] : memref<160000xi32, #tpu.memory_space<hbm>> -> memref<40xi32, #tpu.memory_space<hbm>>
    tpu.wait_dma2 semaphore(%arg19 : memref<!tpu.dma_semaphore, #tpu.memory_space<semaphore_mem>>) src(%dma_wait3A_28 : memref<40xi32, #tpu.memory_space<hbm>>) dst(%arg12 : memref<40xi32, #tpu.memory_space<vmem>>)
    %dma_wait3A_29 = tpu.memref_slice %arg3[%add3A_26] : memref<160000xi32, #tpu.memory_space<hbm>> -> memref<40xi32, #tpu.memory_space<hbm>>
    %dma_wait3A_30 = tpu.memref_slice %arg3[%add3A_26] : memref<160000xi32, #tpu.memory_space<hbm>> -> memref<40xi32, #tpu.memory_space<hbm>>
    tpu.wait_dma2 semaphore(%arg19 : memref<!tpu.dma_semaphore, #tpu.memory_space<semaphore_mem>>) src(%dma_wait3A_30 : memref<40xi32, #tpu.memory_space<hbm>>) dst(%arg13 : memref<40xi32, #tpu.memory_space<vmem>>)
    %scan3A = arith.constant 0 : i32
    %scan3A_31 = arith.constant 0 : i32
    %scan3A_32 = arith.constant 62 : i32
    %scan3A_33 = arith.addi %scan3A_31, %scan3A_32 : i32
    %scan3A_34 = arith.constant 1 : i32
    scf.for %scan3A_72 = %scan3A_31 to %scan3A_33 step %scan3A_34  : i32 {
      %mul3A_73 = arith.constant 2 : i32
      %mul3A_74 = arith.muli %mul3A_73, %scan3A_72 : i32
      %gt3A = arith.constant 0 : i32
      %gt3A_75 = arith.cmpi sgt, %mul3A_74, %gt3A : i32
      %convert_element_type3A = arith.extui %gt3A_75 : i1 to i32
      %cond3A = arith.constant 0 : i32
      %cond3A_76 = arith.cmpi ne, %convert_element_type3A, %cond3A : i32
      scf.if %cond3A_76 {
        %sub3A = arith.constant 1 : i32
        %sub3A_143 = arith.subi %mul3A_74, %sub3A : i32
        %mul3A_144 = arith.constant 40 : i32
        %mul3A_145 = arith.muli %sub3A_143, %mul3A_144 : i32
        %add3A_146 = arith.addi %mul3A_2, %mul3A_145 : i32
        %dma_wait3A_147 = arith.constant 0 : i32
        %dma_wait3A_148 = tpu.memref_slice %arg6[%add3A_146, %dma_wait3A_147] : memref<160000x128xf32, #tpu.memory_space<hbm>> -> memref<40x128xf32, #tpu.memory_space<hbm>>
        %dma_wait3A_149 = arith.constant 0 : i32
        %dma_wait3A_150 = tpu.memref_slice %arg6[%add3A_146, %dma_wait3A_149] : memref<160000x128xf32, #tpu.memory_space<hbm>> -> memref<40x128xf32, #tpu.memory_space<hbm>>
        tpu.wait_dma2 semaphore(%arg23 : memref<!tpu.dma_semaphore, #tpu.memory_space<semaphore_mem>>) src(%arg14 : memref<40x128xf32, #tpu.memory_space<vmem>>) dst(%dma_wait3A_150 : memref<40x128xf32, #tpu.memory_space<hbm>>)
        %dma_wait3A_151 = arith.constant 0 : i32
        %dma_wait3A_152 = tpu.memref_slice %arg7[%add3A_146, %dma_wait3A_151] : memref<160000x128xf32, #tpu.memory_space<hbm>> -> memref<40x128xf32, #tpu.memory_space<hbm>>
        %dma_wait3A_153 = arith.constant 0 : i32
        %dma_wait3A_154 = tpu.memref_slice %arg7[%add3A_146, %dma_wait3A_153] : memref<160000x128xf32, #tpu.memory_space<hbm>> -> memref<40x128xf32, #tpu.memory_space<hbm>>
        tpu.wait_dma2 semaphore(%arg23 : memref<!tpu.dma_semaphore, #tpu.memory_space<semaphore_mem>>) src(%arg15 : memref<40x128xf32, #tpu.memory_space<vmem>>) dst(%dma_wait3A_154 : memref<40x128xf32, #tpu.memory_space<hbm>>)
      } else {
      }
      %dma_start3A_77 = arith.constant 0 : i32
      %dma_start3A_78 = arith.constant 0 : i32
      %dma_start3A_79 = tpu.memref_slice %arg4[%dma_start3A_77, %dma_start3A_78] : memref<10000x128xf32, #tpu.memory_space<hbm>> -> memref<10000x128xf32, #tpu.memory_space<hbm>>
      tpu.enqueue_indirect_dma source(%dma_start3A_79 : memref<10000x128xf32, #tpu.memory_space<hbm>>) target(%arg14 : memref<40x128xf32, #tpu.memory_space<vmem>>) offsets(%arg12 : memref<40xi32, #tpu.memory_space<vmem>>) semaphore(%arg20 : memref<!tpu.dma_semaphore, #tpu.memory_space<semaphore_mem>>)
      %dma_start3A_80 = arith.constant 0 : i32
      %dma_start3A_81 = arith.constant 0 : i32
      %dma_start3A_82 = tpu.memref_slice %arg5[%dma_start3A_80, %dma_start3A_81] : memref<10000x128xf32, #tpu.memory_space<hbm>> -> memref<10000x128xf32, #tpu.memory_space<hbm>>
      tpu.enqueue_indirect_dma source(%dma_start3A_82 : memref<10000x128xf32, #tpu.memory_space<hbm>>) target(%arg15 : memref<40x128xf32, #tpu.memory_space<vmem>>) offsets(%arg13 : memref<40xi32, #tpu.memory_space<vmem>>) semaphore(%arg21 : memref<!tpu.dma_semaphore, #tpu.memory_space<semaphore_mem>>)
      %dma_wait3A_83 = arith.constant 0 : i32
      %dma_wait3A_84 = arith.constant 0 : i32
      %dma_wait3A_85 = tpu.memref_slice %arg4[%dma_wait3A_83, %dma_wait3A_84] : memref<10000x128xf32, #tpu.memory_space<hbm>> -> memref<10000x128xf32, #tpu.memory_space<hbm>>
      tpu.wait_indirect_dma semaphore(%arg17 : memref<!tpu.dma_semaphore, #tpu.memory_space<semaphore_mem>>) src(%dma_wait3A_85 : memref<10000x128xf32, #tpu.memory_space<hbm>>) dst(%arg10 : memref<40x128xf32, #tpu.memory_space<vmem>>)
      %dma_wait3A_86 = arith.constant 0 : i32
      %dma_wait3A_87 = arith.constant 0 : i32
      %dma_wait3A_88 = tpu.memref_slice %arg5[%dma_wait3A_86, %dma_wait3A_87] : memref<10000x128xf32, #tpu.memory_space<hbm>> -> memref<10000x128xf32, #tpu.memory_space<hbm>>
      tpu.wait_indirect_dma semaphore(%arg18 : memref<!tpu.dma_semaphore, #tpu.memory_space<semaphore_mem>>) src(%dma_wait3A_88 : memref<10000x128xf32, #tpu.memory_space<hbm>>) dst(%arg11 : memref<40x128xf32, #tpu.memory_space<vmem>>)
      %mul3A_89 = arith.constant 40 : i32
      %mul3A_90 = arith.muli %mul3A_74, %mul3A_89 : i32
      %add3A_91 = arith.addi %mul3A_2, %mul3A_90 : i32
      %dma_start3A_92 = arith.constant 0 : i32
      %dma_start3A_93 = tpu.memref_slice %arg6[%add3A_91, %dma_start3A_92] : memref<160000x128xf32, #tpu.memory_space<hbm>> -> memref<40x128xf32, #tpu.memory_space<hbm>>
      %dma_start3A_94 = arith.constant 0 : i32
      %dma_start3A_95 = tpu.memref_slice %arg6[%add3A_91, %dma_start3A_94] : memref<160000x128xf32, #tpu.memory_space<hbm>> -> memref<40x128xf32, #tpu.memory_space<hbm>>
      tpu.enqueue_dma source(%arg10 : memref<40x128xf32, #tpu.memory_space<vmem>>) target(%dma_start3A_95 : memref<40x128xf32, #tpu.memory_space<hbm>>) target_semaphore(%arg22 : memref<!tpu.dma_semaphore, #tpu.memory_space<semaphore_mem>>)
      %dma_start3A_96 = arith.constant 0 : i32
      %dma_start3A_97 = tpu.memref_slice %arg7[%add3A_91, %dma_start3A_96] : memref<160000x128xf32, #tpu.memory_space<hbm>> -> memref<40x128xf32, #tpu.memory_space<hbm>>
      %dma_start3A_98 = arith.constant 0 : i32
      %dma_start3A_99 = tpu.memref_slice %arg7[%add3A_91, %dma_start3A_98] : memref<160000x128xf32, #tpu.memory_space<hbm>> -> memref<40x128xf32, #tpu.memory_space<hbm>>
      tpu.enqueue_dma source(%arg11 : memref<40x128xf32, #tpu.memory_space<vmem>>) target(%dma_start3A_99 : memref<40x128xf32, #tpu.memory_space<hbm>>) target_semaphore(%arg22 : memref<!tpu.dma_semaphore, #tpu.memory_space<semaphore_mem>>)
      %add3A_100 = arith.constant 2 : i32
      %add3A_101 = arith.addi %mul3A_74, %add3A_100 : i32
      %lt3A = arith.constant 125 : i32
      %lt3A_102 = arith.cmpi slt, %add3A_101, %lt3A : i32
      %convert_element_type3A_103 = arith.extui %lt3A_102 : i1 to i32
      %cond3A_104 = arith.constant 0 : i32
      %cond3A_105 = arith.cmpi ne, %convert_element_type3A_103, %cond3A_104 : i32
      scf.if %cond3A_105 {
        %add3A_143 = arith.constant 2 : i32
        %add3A_144 = arith.addi %mul3A_74, %add3A_143 : i32
        %mul3A_145 = arith.constant 40 : i32
        %mul3A_146 = arith.muli %add3A_144, %mul3A_145 : i32
        %add3A_147 = arith.addi %mul3A_2, %mul3A_146 : i32
        %dma_start3A_148 = tpu.memref_slice %arg2[%add3A_147] : memref<160000xi32, #tpu.memory_space<hbm>> -> memref<40xi32, #tpu.memory_space<hbm>>
        %dma_start3A_149 = tpu.memref_slice %arg2[%add3A_147] : memref<160000xi32, #tpu.memory_space<hbm>> -> memref<40xi32, #tpu.memory_space<hbm>>
        tpu.enqueue_dma source(%dma_start3A_149 : memref<40xi32, #tpu.memory_space<hbm>>) target(%arg8 : memref<40xi32, #tpu.memory_space<vmem>>) target_semaphore(%arg16 : memref<!tpu.dma_semaphore, #tpu.memory_space<semaphore_mem>>)
        %dma_start3A_150 = tpu.memref_slice %arg3[%add3A_147] : memref<160000xi32, #tpu.memory_space<hbm>> -> memref<40xi32, #tpu.memory_space<hbm>>
        %dma_start3A_151 = tpu.memref_slice %arg3[%add3A_147] : memref<160000xi32, #tpu.memory_space<hbm>> -> memref<40xi32, #tpu.memory_space<hbm>>
        tpu.enqueue_dma source(%dma_start3A_151 : memref<40xi32, #tpu.memory_space<hbm>>) target(%arg9 : memref<40xi32, #tpu.memory_space<vmem>>) target_semaphore(%arg16 : memref<!tpu.dma_semaphore, #tpu.memory_space<semaphore_mem>>)
        %add3A_152 = arith.constant 2 : i32
        %add3A_153 = arith.addi %mul3A_74, %add3A_152 : i32
        %mul3A_154 = arith.constant 40 : i32
        %mul3A_155 = arith.muli %add3A_153, %mul3A_154 : i32
        %add3A_156 = arith.addi %mul3A_2, %mul3A_155 : i32
        %dma_wait3A_157 = tpu.memref_slice %arg2[%add3A_156] : memref<160000xi32, #tpu.memory_space<hbm>> -> memref<40xi32, #tpu.memory_space<hbm>>
        %dma_wait3A_158 = tpu.memref_slice %arg2[%add3A_156] : memref<160000xi32, #tpu.memory_space<hbm>> -> memref<40xi32, #tpu.memory_space<hbm>>
        tpu.wait_dma2 semaphore(%arg16 : memref<!tpu.dma_semaphore, #tpu.memory_space<semaphore_mem>>) src(%dma_wait3A_158 : memref<40xi32, #tpu.memory_space<hbm>>) dst(%arg8 : memref<40xi32, #tpu.memory_space<vmem>>)
        %dma_wait3A_159 = tpu.memref_slice %arg3[%add3A_156] : memref<160000xi32, #tpu.memory_space<hbm>> -> memref<40xi32, #tpu.memory_space<hbm>>
        %dma_wait3A_160 = tpu.memref_slice %arg3[%add3A_156] : memref<160000xi32, #tpu.memory_space<hbm>> -> memref<40xi32, #tpu.memory_space<hbm>>
        tpu.wait_dma2 semaphore(%arg16 : memref<!tpu.dma_semaphore, #tpu.memory_space<semaphore_mem>>) src(%dma_wait3A_160 : memref<40xi32, #tpu.memory_space<hbm>>) dst(%arg9 : memref<40xi32, #tpu.memory_space<vmem>>)
      } else {
      }
      %add3A_106 = arith.constant 1 : i32
      %add3A_107 = arith.addi %mul3A_74, %add3A_106 : i32
      %gt3A_108 = arith.constant 0 : i32
      %gt3A_109 = arith.cmpi sgt, %add3A_107, %gt3A_108 : i32
      %convert_element_type3A_110 = arith.extui %gt3A_109 : i1 to i32
      %cond3A_111 = arith.constant 0 : i32
      %cond3A_112 = arith.cmpi ne, %convert_element_type3A_110, %cond3A_111 : i32
      scf.if %cond3A_112 {
        %sub3A = arith.constant 1 : i32
        %sub3A_143 = arith.subi %add3A_107, %sub3A : i32
        %mul3A_144 = arith.constant 40 : i32
        %mul3A_145 = arith.muli %sub3A_143, %mul3A_144 : i32
        %add3A_146 = arith.addi %mul3A_2, %mul3A_145 : i32
        %dma_wait3A_147 = arith.constant 0 : i32
        %dma_wait3A_148 = tpu.memref_slice %arg6[%add3A_146, %dma_wait3A_147] : memref<160000x128xf32, #tpu.memory_space<hbm>> -> memref<40x128xf32, #tpu.memory_space<hbm>>
        %dma_wait3A_149 = arith.constant 0 : i32
        %dma_wait3A_150 = tpu.memref_slice %arg6[%add3A_146, %dma_wait3A_149] : memref<160000x128xf32, #tpu.memory_space<hbm>> -> memref<40x128xf32, #tpu.memory_space<hbm>>
        tpu.wait_dma2 semaphore(%arg22 : memref<!tpu.dma_semaphore, #tpu.memory_space<semaphore_mem>>) src(%arg10 : memref<40x128xf32, #tpu.memory_space<vmem>>) dst(%dma_wait3A_150 : memref<40x128xf32, #tpu.memory_space<hbm>>)
        %dma_wait3A_151 = arith.constant 0 : i32
        %dma_wait3A_152 = tpu.memref_slice %arg7[%add3A_146, %dma_wait3A_151] : memref<160000x128xf32, #tpu.memory_space<hbm>> -> memref<40x128xf32, #tpu.memory_space<hbm>>
        %dma_wait3A_153 = arith.constant 0 : i32
        %dma_wait3A_154 = tpu.memref_slice %arg7[%add3A_146, %dma_wait3A_153] : memref<160000x128xf32, #tpu.memory_space<hbm>> -> memref<40x128xf32, #tpu.memory_space<hbm>>
        tpu.wait_dma2 semaphore(%arg22 : memref<!tpu.dma_semaphore, #tpu.memory_space<semaphore_mem>>) src(%arg11 : memref<40x128xf32, #tpu.memory_space<vmem>>) dst(%dma_wait3A_154 : memref<40x128xf32, #tpu.memory_space<hbm>>)
      } else {
      }
      %dma_start3A_113 = arith.constant 0 : i32
      %dma_start3A_114 = arith.constant 0 : i32
      %dma_start3A_115 = tpu.memref_slice %arg4[%dma_start3A_113, %dma_start3A_114] : memref<10000x128xf32, #tpu.memory_space<hbm>> -> memref<10000x128xf32, #tpu.memory_space<hbm>>
      tpu.enqueue_indirect_dma source(%dma_start3A_115 : memref<10000x128xf32, #tpu.memory_space<hbm>>) target(%arg10 : memref<40x128xf32, #tpu.memory_space<vmem>>) offsets(%arg8 : memref<40xi32, #tpu.memory_space<vmem>>) semaphore(%arg17 : memref<!tpu.dma_semaphore, #tpu.memory_space<semaphore_mem>>)
      %dma_start3A_116 = arith.constant 0 : i32
      %dma_start3A_117 = arith.constant 0 : i32
      %dma_start3A_118 = tpu.memref_slice %arg5[%dma_start3A_116, %dma_start3A_117] : memref<10000x128xf32, #tpu.memory_space<hbm>> -> memref<10000x128xf32, #tpu.memory_space<hbm>>
      tpu.enqueue_indirect_dma source(%dma_start3A_118 : memref<10000x128xf32, #tpu.memory_space<hbm>>) target(%arg11 : memref<40x128xf32, #tpu.memory_space<vmem>>) offsets(%arg9 : memref<40xi32, #tpu.memory_space<vmem>>) semaphore(%arg18 : memref<!tpu.dma_semaphore, #tpu.memory_space<semaphore_mem>>)
      %dma_wait3A_119 = arith.constant 0 : i32
      %dma_wait3A_120 = arith.constant 0 : i32
      %dma_wait3A_121 = tpu.memref_slice %arg4[%dma_wait3A_119, %dma_wait3A_120] : memref<10000x128xf32, #tpu.memory_space<hbm>> -> memref<10000x128xf32, #tpu.memory_space<hbm>>
      tpu.wait_indirect_dma semaphore(%arg20 : memref<!tpu.dma_semaphore, #tpu.memory_space<semaphore_mem>>) src(%dma_wait3A_121 : memref<10000x128xf32, #tpu.memory_space<hbm>>) dst(%arg14 : memref<40x128xf32, #tpu.memory_space<vmem>>)
      %dma_wait3A_122 = arith.constant 0 : i32
      %dma_wait3A_123 = arith.constant 0 : i32
      %dma_wait3A_124 = tpu.memref_slice %arg5[%dma_wait3A_122, %dma_wait3A_123] : memref<10000x128xf32, #tpu.memory_space<hbm>> -> memref<10000x128xf32, #tpu.memory_space<hbm>>
      tpu.wait_indirect_dma semaphore(%arg21 : memref<!tpu.dma_semaphore, #tpu.memory_space<semaphore_mem>>) src(%dma_wait3A_124 : memref<10000x128xf32, #tpu.memory_space<hbm>>) dst(%arg15 : memref<40x128xf32, #tpu.memory_space<vmem>>)
      %mul3A_125 = arith.constant 40 : i32
      %mul3A_126 = arith.muli %add3A_107, %mul3A_125 : i32
      %add3A_127 = arith.addi %mul3A_2, %mul3A_126 : i32
      %dma_start3A_128 = arith.constant 0 : i32
      %dma_start3A_129 = tpu.memref_slice %arg6[%add3A_127, %dma_start3A_128] : memref<160000x128xf32, #tpu.memory_space<hbm>> -> memref<40x128xf32, #tpu.memory_space<hbm>>
      %dma_start3A_130 = arith.constant 0 : i32
      %dma_start3A_131 = tpu.memref_slice %arg6[%add3A_127, %dma_start3A_130] : memref<160000x128xf32, #tpu.memory_space<hbm>> -> memref<40x128xf32, #tpu.memory_space<hbm>>
      tpu.enqueue_dma source(%arg14 : memref<40x128xf32, #tpu.memory_space<vmem>>) target(%dma_start3A_131 : memref<40x128xf32, #tpu.memory_space<hbm>>) target_semaphore(%arg23 : memref<!tpu.dma_semaphore, #tpu.memory_space<semaphore_mem>>)
      %dma_start3A_132 = arith.constant 0 : i32
      %dma_start3A_133 = tpu.memref_slice %arg7[%add3A_127, %dma_start3A_132] : memref<160000x128xf32, #tpu.memory_space<hbm>> -> memref<40x128xf32, #tpu.memory_space<hbm>>
      %dma_start3A_134 = arith.constant 0 : i32
      %dma_start3A_135 = tpu.memref_slice %arg7[%add3A_127, %dma_start3A_134] : memref<160000x128xf32, #tpu.memory_space<hbm>> -> memref<40x128xf32, #tpu.memory_space<hbm>>
      tpu.enqueue_dma source(%arg15 : memref<40x128xf32, #tpu.memory_space<vmem>>) target(%dma_start3A_135 : memref<40x128xf32, #tpu.memory_space<hbm>>) target_semaphore(%arg23 : memref<!tpu.dma_semaphore, #tpu.memory_space<semaphore_mem>>)
      %add3A_136 = arith.constant 2 : i32
      %add3A_137 = arith.addi %add3A_107, %add3A_136 : i32
      %lt3A_138 = arith.constant 125 : i32
      %lt3A_139 = arith.cmpi slt, %add3A_137, %lt3A_138 : i32
      %convert_element_type3A_140 = arith.extui %lt3A_139 : i1 to i32
      %cond3A_141 = arith.constant 0 : i32
      %cond3A_142 = arith.cmpi ne, %convert_element_type3A_140, %cond3A_141 : i32
      scf.if %cond3A_142 {
        %add3A_143 = arith.constant 2 : i32
        %add3A_144 = arith.addi %add3A_107, %add3A_143 : i32
        %mul3A_145 = arith.constant 40 : i32
        %mul3A_146 = arith.muli %add3A_144, %mul3A_145 : i32
        %add3A_147 = arith.addi %mul3A_2, %mul3A_146 : i32
        %dma_start3A_148 = tpu.memref_slice %arg2[%add3A_147] : memref<160000xi32, #tpu.memory_space<hbm>> -> memref<40xi32, #tpu.memory_space<hbm>>
        %dma_start3A_149 = tpu.memref_slice %arg2[%add3A_147] : memref<160000xi32, #tpu.memory_space<hbm>> -> memref<40xi32, #tpu.memory_space<hbm>>
        tpu.enqueue_dma source(%dma_start3A_149 : memref<40xi32, #tpu.memory_space<hbm>>) target(%arg12 : memref<40xi32, #tpu.memory_space<vmem>>) target_semaphore(%arg19 : memref<!tpu.dma_semaphore, #tpu.memory_space<semaphore_mem>>)
        %dma_start3A_150 = tpu.memref_slice %arg3[%add3A_147] : memref<160000xi32, #tpu.memory_space<hbm>> -> memref<40xi32, #tpu.memory_space<hbm>>
        %dma_start3A_151 = tpu.memref_slice %arg3[%add3A_147] : memref<160000xi32, #tpu.memory_space<hbm>> -> memref<40xi32, #tpu.memory_space<hbm>>
        tpu.enqueue_dma source(%dma_start3A_151 : memref<40xi32, #tpu.memory_space<hbm>>) target(%arg13 : memref<40xi32, #tpu.memory_space<vmem>>) target_semaphore(%arg19 : memref<!tpu.dma_semaphore, #tpu.memory_space<semaphore_mem>>)
        %add3A_152 = arith.constant 2 : i32
        %add3A_153 = arith.addi %add3A_107, %add3A_152 : i32
        %mul3A_154 = arith.constant 40 : i32
        %mul3A_155 = arith.muli %add3A_153, %mul3A_154 : i32
        %add3A_156 = arith.addi %mul3A_2, %mul3A_155 : i32
        %dma_wait3A_157 = tpu.memref_slice %arg2[%add3A_156] : memref<160000xi32, #tpu.memory_space<hbm>> -> memref<40xi32, #tpu.memory_space<hbm>>
        %dma_wait3A_158 = tpu.memref_slice %arg2[%add3A_156] : memref<160000xi32, #tpu.memory_space<hbm>> -> memref<40xi32, #tpu.memory_space<hbm>>
        tpu.wait_dma2 semaphore(%arg19 : memref<!tpu.dma_semaphore, #tpu.memory_space<semaphore_mem>>) src(%dma_wait3A_158 : memref<40xi32, #tpu.memory_space<hbm>>) dst(%arg12 : memref<40xi32, #tpu.memory_space<vmem>>)
        %dma_wait3A_159 = tpu.memref_slice %arg3[%add3A_156] : memref<160000xi32, #tpu.memory_space<hbm>> -> memref<40xi32, #tpu.memory_space<hbm>>
        %dma_wait3A_160 = tpu.memref_slice %arg3[%add3A_156] : memref<160000xi32, #tpu.memory_space<hbm>> -> memref<40xi32, #tpu.memory_space<hbm>>
        tpu.wait_dma2 semaphore(%arg19 : memref<!tpu.dma_semaphore, #tpu.memory_space<semaphore_mem>>) src(%dma_wait3A_160 : memref<40xi32, #tpu.memory_space<hbm>>) dst(%arg13 : memref<40xi32, #tpu.memory_space<vmem>>)
      } else {
      }
    }
    %scan3A_35 = arith.constant 62 : i32
    %dma_wait3A_36 = arith.constant 0 : i32
    %dma_wait3A_37 = arith.constant 0 : i32
    %dma_wait3A_38 = tpu.memref_slice %arg4[%dma_wait3A_36, %dma_wait3A_37] : memref<10000x128xf32, #tpu.memory_space<hbm>> -> memref<10000x128xf32, #tpu.memory_space<hbm>>
    tpu.wait_indirect_dma semaphore(%arg17 : memref<!tpu.dma_semaphore, #tpu.memory_space<semaphore_mem>>) src(%dma_wait3A_38 : memref<10000x128xf32, #tpu.memory_space<hbm>>) dst(%arg10 : memref<40x128xf32, #tpu.memory_space<vmem>>)
    %dma_wait3A_39 = arith.constant 0 : i32
    %dma_wait3A_40 = arith.constant 0 : i32
    %dma_wait3A_41 = tpu.memref_slice %arg5[%dma_wait3A_39, %dma_wait3A_40] : memref<10000x128xf32, #tpu.memory_space<hbm>> -> memref<10000x128xf32, #tpu.memory_space<hbm>>
    tpu.wait_indirect_dma semaphore(%arg18 : memref<!tpu.dma_semaphore, #tpu.memory_space<semaphore_mem>>) src(%dma_wait3A_41 : memref<10000x128xf32, #tpu.memory_space<hbm>>) dst(%arg11 : memref<40x128xf32, #tpu.memory_space<vmem>>)
    %add3A_42 = arith.constant 4960 : i32
    %add3A_43 = arith.addi %mul3A_2, %add3A_42 : i32
    %dma_start3A_44 = arith.constant 0 : i32
    %dma_start3A_45 = tpu.memref_slice %arg6[%add3A_43, %dma_start3A_44] : memref<160000x128xf32, #tpu.memory_space<hbm>> -> memref<40x128xf32, #tpu.memory_space<hbm>>
    %dma_start3A_46 = arith.constant 0 : i32
    %dma_start3A_47 = tpu.memref_slice %arg6[%add3A_43, %dma_start3A_46] : memref<160000x128xf32, #tpu.memory_space<hbm>> -> memref<40x128xf32, #tpu.memory_space<hbm>>
    tpu.enqueue_dma source(%arg10 : memref<40x128xf32, #tpu.memory_space<vmem>>) target(%dma_start3A_47 : memref<40x128xf32, #tpu.memory_space<hbm>>) target_semaphore(%arg22 : memref<!tpu.dma_semaphore, #tpu.memory_space<semaphore_mem>>)
    %dma_start3A_48 = arith.constant 0 : i32
    %dma_start3A_49 = tpu.memref_slice %arg7[%add3A_43, %dma_start3A_48] : memref<160000x128xf32, #tpu.memory_space<hbm>> -> memref<40x128xf32, #tpu.memory_space<hbm>>
    %dma_start3A_50 = arith.constant 0 : i32
    %dma_start3A_51 = tpu.memref_slice %arg7[%add3A_43, %dma_start3A_50] : memref<160000x128xf32, #tpu.memory_space<hbm>> -> memref<40x128xf32, #tpu.memory_space<hbm>>
    tpu.enqueue_dma source(%arg11 : memref<40x128xf32, #tpu.memory_space<vmem>>) target(%dma_start3A_51 : memref<40x128xf32, #tpu.memory_space<hbm>>) target_semaphore(%arg22 : memref<!tpu.dma_semaphore, #tpu.memory_space<semaphore_mem>>)
    %add3A_52 = arith.constant 4920 : i32
    %add3A_53 = arith.addi %mul3A_2, %add3A_52 : i32
    %dma_wait3A_54 = arith.constant 0 : i32
    %dma_wait3A_55 = tpu.memref_slice %arg6[%add3A_53, %dma_wait3A_54] : memref<160000x128xf32, #tpu.memory_space<hbm>> -> memref<40x128xf32, #tpu.memory_space<hbm>>
    %dma_wait3A_56 = arith.constant 0 : i32
    %dma_wait3A_57 = tpu.memref_slice %arg6[%add3A_53, %dma_wait3A_56] : memref<160000x128xf32, #tpu.memory_space<hbm>> -> memref<40x128xf32, #tpu.memory_space<hbm>>
    tpu.wait_dma2 semaphore(%arg23 : memref<!tpu.dma_semaphore, #tpu.memory_space<semaphore_mem>>) src(%arg14 : memref<40x128xf32, #tpu.memory_space<vmem>>) dst(%dma_wait3A_57 : memref<40x128xf32, #tpu.memory_space<hbm>>)
    %dma_wait3A_58 = arith.constant 0 : i32
    %dma_wait3A_59 = tpu.memref_slice %arg7[%add3A_53, %dma_wait3A_58] : memref<160000x128xf32, #tpu.memory_space<hbm>> -> memref<40x128xf32, #tpu.memory_space<hbm>>
    %dma_wait3A_60 = arith.constant 0 : i32
    %dma_wait3A_61 = tpu.memref_slice %arg7[%add3A_53, %dma_wait3A_60] : memref<160000x128xf32, #tpu.memory_space<hbm>> -> memref<40x128xf32, #tpu.memory_space<hbm>>
    tpu.wait_dma2 semaphore(%arg23 : memref<!tpu.dma_semaphore, #tpu.memory_space<semaphore_mem>>) src(%arg15 : memref<40x128xf32, #tpu.memory_space<vmem>>) dst(%dma_wait3A_61 : memref<40x128xf32, #tpu.memory_space<hbm>>)
    %add3A_62 = arith.constant 4960 : i32
    %add3A_63 = arith.addi %mul3A_2, %add3A_62 : i32
    %dma_wait3A_64 = arith.constant 0 : i32
    %dma_wait3A_65 = tpu.memref_slice %arg6[%add3A_63, %dma_wait3A_64] : memref<160000x128xf32, #tpu.memory_space<hbm>> -> memref<40x128xf32, #tpu.memory_space<hbm>>
    %dma_wait3A_66 = arith.constant 0 : i32
    %dma_wait3A_67 = tpu.memref_slice %arg6[%add3A_63, %dma_wait3A_66] : memref<160000x128xf32, #tpu.memory_space<hbm>> -> memref<40x128xf32, #tpu.memory_space<hbm>>
    tpu.wait_dma2 semaphore(%arg22 : memref<!tpu.dma_semaphore, #tpu.memory_space<semaphore_mem>>) src(%arg10 : memref<40x128xf32, #tpu.memory_space<vmem>>) dst(%dma_wait3A_67 : memref<40x128xf32, #tpu.memory_space<hbm>>)
    %dma_wait3A_68 = arith.constant 0 : i32
    %dma_wait3A_69 = tpu.memref_slice %arg7[%add3A_63, %dma_wait3A_68] : memref<160000x128xf32, #tpu.memory_space<hbm>> -> memref<40x128xf32, #tpu.memory_space<hbm>>
    %dma_wait3A_70 = arith.constant 0 : i32
    %dma_wait3A_71 = tpu.memref_slice %arg7[%add3A_63, %dma_wait3A_70] : memref<160000x128xf32, #tpu.memory_space<hbm>> -> memref<40x128xf32, #tpu.memory_space<hbm>>
    tpu.wait_dma2 semaphore(%arg22 : memref<!tpu.dma_semaphore, #tpu.memory_space<semaphore_mem>>) src(%arg11 : memref<40x128xf32, #tpu.memory_space<vmem>>) dst(%dma_wait3A_71 : memref<40x128xf32, #tpu.memory_space<hbm>>)
    return
  }
}

#map = affine_map<(d0, d1) -> (0)>
#map1 = affine_map<(d0, d1) -> (0, 0, 0)>
#map2 = affine_map<(d0, d1) -> (0, 0)>
module attributes {stable_mosaic.version = 14 : i64} {
  func.func @body(%arg0: i32, %arg1: i32, %arg2: memref<160000xi32, #tpu.memory_space<hbm>>, %arg3: memref<2x160000x128xf32, #tpu.memory_space<hbm>>, %arg4: memref<640x128xf32, #tpu.memory_space<hbm>>, %arg5: memref<2x10240x128xf32, #tpu.memory_space<hbm>>, %arg6: memref<80xi32, #tpu.memory_space<vmem>>, %arg7: memref<80xi32, #tpu.memory_space<vmem>>, %arg8: memref<80xi32, #tpu.memory_space<vmem>>, %arg9: memref<80xi32, #tpu.memory_space<vmem>>, %arg10: memref<80x128xf32, #tpu.memory_space<vmem>>, %arg11: memref<80x128xf32, #tpu.memory_space<vmem>>, %arg12: memref<80x128xf32, #tpu.memory_space<vmem>>, %arg13: memref<80x128xf32, #tpu.memory_space<vmem>>, %arg14: memref<10240x128xf32, #tpu.memory_space<vmem_shared>>, %arg15: memref<!tpu.dma_semaphore, #tpu.memory_space<semaphore_mem>>, %arg16: memref<!tpu.dma_semaphore, #tpu.memory_space<semaphore_mem>>, %arg17: memref<!tpu.dma_semaphore, #tpu.memory_space<semaphore_mem>>, %arg18: memref<!tpu.dma_semaphore, #tpu.memory_space<semaphore_mem>>, %arg19: memref<!tpu.dma_semaphore, #tpu.memory_space<semaphore_mem>>, %arg20: memref<!tpu.dma_semaphore, #tpu.memory_space<semaphore_mem>>, %arg21: memref<!tpu.dma_semaphore, #tpu.memory_space<semaphore_mem>>, %arg22: memref<!tpu.dma_semaphore, #tpu.memory_space<semaphore_mem>>) attributes {dimension_semantics = [#tpu.dimension_semantics<core_parallel>, #tpu.dimension_semantics<subcore_parallel>], iteration_bounds = array<i64: 2, 16>, scalar_prefetch = 0 : i64, scratch_operands = 17 : i64, tpu.core_type = #tpu.core_type<sc_vector_subcore>, window_params = [{transform_indices = #map}, {transform_indices = #map1}, {transform_indices = #map2}, {transform_indices = #map1}]} {
    %mul3A = arith.constant 640 : i32
    %mul3A_0 = arith.muli %arg1, %mul3A : i32
    "tpu.region"() ({
      %run_scoped3A = tpu.sem_alloc : memref<!tpu.dma_semaphore, #tpu.memory_space<semaphore_mem>>
      %dma_start3A_66 = arith.constant 0 : i32
      %dma_start3A_67 = tpu.memref_slice %arg14[%mul3A_0, %dma_start3A_66] : memref<10240x128xf32, #tpu.memory_space<vmem_shared>> -> memref<640x128xf32, #tpu.memory_space<vmem_shared>>
      tpu.enqueue_dma source(%arg4 : memref<640x128xf32, #tpu.memory_space<hbm>>) target(%dma_start3A_67 : memref<640x128xf32, #tpu.memory_space<vmem_shared>>) target_semaphore(%run_scoped3A : memref<!tpu.dma_semaphore, #tpu.memory_space<semaphore_mem>>)
      %dma_wait3A_68 = arith.constant 0 : i32
      %dma_wait3A_69 = tpu.memref_slice %arg14[%mul3A_0, %dma_wait3A_68] : memref<10240x128xf32, #tpu.memory_space<vmem_shared>> -> memref<640x128xf32, #tpu.memory_space<vmem_shared>>
      tpu.wait_dma2 semaphore(%run_scoped3A : memref<!tpu.dma_semaphore, #tpu.memory_space<semaphore_mem>>) src(%arg4 : memref<640x128xf32, #tpu.memory_space<hbm>>) dst(%dma_wait3A_69 : memref<640x128xf32, #tpu.memory_space<vmem_shared>>)
      tpu.yield
    }) : () -> ()
    %barrier3A = arith.constant 0 : index
    tpu.barrier barrier_id(%barrier3A)
    %mul3A_1 = arith.constant 10000 : i32
    %mul3A_2 = arith.muli %arg1, %mul3A_1 : i32
    %add3A = arith.constant 0 : i32
    %add3A_3 = arith.addi %mul3A_2, %add3A : i32
    %dma_start3A = tpu.memref_slice %arg2[%add3A_3] : memref<160000xi32, #tpu.memory_space<hbm>> -> memref<80xi32, #tpu.memory_space<hbm>>
    %dma_start3A_4 = tpu.memref_slice %arg2[%add3A_3] : memref<160000xi32, #tpu.memory_space<hbm>> -> memref<80xi32, #tpu.memory_space<hbm>>
    tpu.enqueue_dma source(%dma_start3A_4 : memref<80xi32, #tpu.memory_space<hbm>>) target(%arg6 : memref<80xi32, #tpu.memory_space<vmem>>) target_semaphore(%arg15 : memref<!tpu.dma_semaphore, #tpu.memory_space<semaphore_mem>>)
    %dma_start3A_5 = arith.constant 0 : i32
    %dma_start3A_6 = tpu.memref_slice %arg3[%arg0, %add3A_3, %dma_start3A_5] : memref<2x160000x128xf32, #tpu.memory_space<hbm>> -> memref<1x80x128xf32, #tpu.memory_space<hbm>>
    %dma_start3A_7 = tpu.memref_squeeze %dma_start3A_6 : memref<1x80x128xf32, #tpu.memory_space<hbm>> -> memref<80x128xf32, #tpu.memory_space<hbm>>
    %dma_start3A_8 = arith.constant 0 : i32
    %dma_start3A_9 = tpu.memref_slice %arg3[%arg0, %add3A_3, %dma_start3A_8] : memref<2x160000x128xf32, #tpu.memory_space<hbm>> -> memref<1x80x128xf32, #tpu.memory_space<hbm>>
    %dma_start3A_10 = tpu.memref_squeeze %dma_start3A_9 : memref<1x80x128xf32, #tpu.memory_space<hbm>> -> memref<80x128xf32, #tpu.memory_space<hbm>>
    tpu.enqueue_dma source(%dma_start3A_10 : memref<80x128xf32, #tpu.memory_space<hbm>>) target(%arg10 : memref<80x128xf32, #tpu.memory_space<vmem>>) target_semaphore(%arg15 : memref<!tpu.dma_semaphore, #tpu.memory_space<semaphore_mem>>)
    %add3A_11 = arith.constant 80 : i32
    %add3A_12 = arith.addi %mul3A_2, %add3A_11 : i32
    %dma_start3A_13 = tpu.memref_slice %arg2[%add3A_12] : memref<160000xi32, #tpu.memory_space<hbm>> -> memref<80xi32, #tpu.memory_space<hbm>>
    %dma_start3A_14 = tpu.memref_slice %arg2[%add3A_12] : memref<160000xi32, #tpu.memory_space<hbm>> -> memref<80xi32, #tpu.memory_space<hbm>>
    tpu.enqueue_dma source(%dma_start3A_14 : memref<80xi32, #tpu.memory_space<hbm>>) target(%arg7 : memref<80xi32, #tpu.memory_space<vmem>>) target_semaphore(%arg16 : memref<!tpu.dma_semaphore, #tpu.memory_space<semaphore_mem>>)
    %dma_start3A_15 = arith.constant 0 : i32
    %dma_start3A_16 = tpu.memref_slice %arg3[%arg0, %add3A_12, %dma_start3A_15] : memref<2x160000x128xf32, #tpu.memory_space<hbm>> -> memref<1x80x128xf32, #tpu.memory_space<hbm>>
    %dma_start3A_17 = tpu.memref_squeeze %dma_start3A_16 : memref<1x80x128xf32, #tpu.memory_space<hbm>> -> memref<80x128xf32, #tpu.memory_space<hbm>>
    %dma_start3A_18 = arith.constant 0 : i32
    %dma_start3A_19 = tpu.memref_slice %arg3[%arg0, %add3A_12, %dma_start3A_18] : memref<2x160000x128xf32, #tpu.memory_space<hbm>> -> memref<1x80x128xf32, #tpu.memory_space<hbm>>
    %dma_start3A_20 = tpu.memref_squeeze %dma_start3A_19 : memref<1x80x128xf32, #tpu.memory_space<hbm>> -> memref<80x128xf32, #tpu.memory_space<hbm>>
    tpu.enqueue_dma source(%dma_start3A_20 : memref<80x128xf32, #tpu.memory_space<hbm>>) target(%arg11 : memref<80x128xf32, #tpu.memory_space<vmem>>) target_semaphore(%arg16 : memref<!tpu.dma_semaphore, #tpu.memory_space<semaphore_mem>>)
    %add3A_21 = arith.constant 160 : i32
    %add3A_22 = arith.addi %mul3A_2, %add3A_21 : i32
    %dma_start3A_23 = tpu.memref_slice %arg2[%add3A_22] : memref<160000xi32, #tpu.memory_space<hbm>> -> memref<80xi32, #tpu.memory_space<hbm>>
    %dma_start3A_24 = tpu.memref_slice %arg2[%add3A_22] : memref<160000xi32, #tpu.memory_space<hbm>> -> memref<80xi32, #tpu.memory_space<hbm>>
    tpu.enqueue_dma source(%dma_start3A_24 : memref<80xi32, #tpu.memory_space<hbm>>) target(%arg8 : memref<80xi32, #tpu.memory_space<vmem>>) target_semaphore(%arg17 : memref<!tpu.dma_semaphore, #tpu.memory_space<semaphore_mem>>)
    %dma_start3A_25 = arith.constant 0 : i32
    %dma_start3A_26 = tpu.memref_slice %arg3[%arg0, %add3A_22, %dma_start3A_25] : memref<2x160000x128xf32, #tpu.memory_space<hbm>> -> memref<1x80x128xf32, #tpu.memory_space<hbm>>
    %dma_start3A_27 = tpu.memref_squeeze %dma_start3A_26 : memref<1x80x128xf32, #tpu.memory_space<hbm>> -> memref<80x128xf32, #tpu.memory_space<hbm>>
    %dma_start3A_28 = arith.constant 0 : i32
    %dma_start3A_29 = tpu.memref_slice %arg3[%arg0, %add3A_22, %dma_start3A_28] : memref<2x160000x128xf32, #tpu.memory_space<hbm>> -> memref<1x80x128xf32, #tpu.memory_space<hbm>>
    %dma_start3A_30 = tpu.memref_squeeze %dma_start3A_29 : memref<1x80x128xf32, #tpu.memory_space<hbm>> -> memref<80x128xf32, #tpu.memory_space<hbm>>
    tpu.enqueue_dma source(%dma_start3A_30 : memref<80x128xf32, #tpu.memory_space<hbm>>) target(%arg12 : memref<80x128xf32, #tpu.memory_space<vmem>>) target_semaphore(%arg17 : memref<!tpu.dma_semaphore, #tpu.memory_space<semaphore_mem>>)
    %add3A_31 = arith.constant 240 : i32
    %add3A_32 = arith.addi %mul3A_2, %add3A_31 : i32
    %dma_start3A_33 = tpu.memref_slice %arg2[%add3A_32] : memref<160000xi32, #tpu.memory_space<hbm>> -> memref<80xi32, #tpu.memory_space<hbm>>
    %dma_start3A_34 = tpu.memref_slice %arg2[%add3A_32] : memref<160000xi32, #tpu.memory_space<hbm>> -> memref<80xi32, #tpu.memory_space<hbm>>
    tpu.enqueue_dma source(%dma_start3A_34 : memref<80xi32, #tpu.memory_space<hbm>>) target(%arg9 : memref<80xi32, #tpu.memory_space<vmem>>) target_semaphore(%arg18 : memref<!tpu.dma_semaphore, #tpu.memory_space<semaphore_mem>>)
    %dma_start3A_35 = arith.constant 0 : i32
    %dma_start3A_36 = tpu.memref_slice %arg3[%arg0, %add3A_32, %dma_start3A_35] : memref<2x160000x128xf32, #tpu.memory_space<hbm>> -> memref<1x80x128xf32, #tpu.memory_space<hbm>>
    %dma_start3A_37 = tpu.memref_squeeze %dma_start3A_36 : memref<1x80x128xf32, #tpu.memory_space<hbm>> -> memref<80x128xf32, #tpu.memory_space<hbm>>
    %dma_start3A_38 = arith.constant 0 : i32
    %dma_start3A_39 = tpu.memref_slice %arg3[%arg0, %add3A_32, %dma_start3A_38] : memref<2x160000x128xf32, #tpu.memory_space<hbm>> -> memref<1x80x128xf32, #tpu.memory_space<hbm>>
    %dma_start3A_40 = tpu.memref_squeeze %dma_start3A_39 : memref<1x80x128xf32, #tpu.memory_space<hbm>> -> memref<80x128xf32, #tpu.memory_space<hbm>>
    tpu.enqueue_dma source(%dma_start3A_40 : memref<80x128xf32, #tpu.memory_space<hbm>>) target(%arg13 : memref<80x128xf32, #tpu.memory_space<vmem>>) target_semaphore(%arg18 : memref<!tpu.dma_semaphore, #tpu.memory_space<semaphore_mem>>)
    %scan3A = arith.constant 0 : i32
    %scan3A_41 = arith.constant 0 : i32
    %scan3A_42 = arith.constant 31 : i32
    %scan3A_43 = arith.addi %scan3A_41, %scan3A_42 : i32
    %scan3A_44 = arith.constant 1 : i32
    scf.for %scan3A_66 = %scan3A_41 to %scan3A_43 step %scan3A_44  : i32 {
      %mul3A_67 = arith.constant 4 : i32
      %mul3A_68 = arith.muli %mul3A_67, %scan3A_66 : i32
      %add3A_69 = arith.constant 0 : i32
      %add3A_70 = arith.addi %mul3A_68, %add3A_69 : i32
      %mul3A_71 = arith.constant 80 : i32
      %mul3A_72 = arith.muli %add3A_70, %mul3A_71 : i32
      %add3A_73 = arith.addi %mul3A_2, %mul3A_72 : i32
      %dma_wait3A_74 = tpu.memref_slice %arg2[%add3A_73] : memref<160000xi32, #tpu.memory_space<hbm>> -> memref<80xi32, #tpu.memory_space<hbm>>
      %dma_wait3A_75 = tpu.memref_slice %arg2[%add3A_73] : memref<160000xi32, #tpu.memory_space<hbm>> -> memref<80xi32, #tpu.memory_space<hbm>>
      tpu.wait_dma2 semaphore(%arg15 : memref<!tpu.dma_semaphore, #tpu.memory_space<semaphore_mem>>) src(%dma_wait3A_75 : memref<80xi32, #tpu.memory_space<hbm>>) dst(%arg6 : memref<80xi32, #tpu.memory_space<vmem>>)
      %dma_wait3A_76 = arith.constant 0 : i32
      %dma_wait3A_77 = tpu.memref_slice %arg3[%arg0, %add3A_73, %dma_wait3A_76] : memref<2x160000x128xf32, #tpu.memory_space<hbm>> -> memref<1x80x128xf32, #tpu.memory_space<hbm>>
      %dma_wait3A_78 = tpu.memref_squeeze %dma_wait3A_77 : memref<1x80x128xf32, #tpu.memory_space<hbm>> -> memref<80x128xf32, #tpu.memory_space<hbm>>
      %dma_wait3A_79 = arith.constant 0 : i32
      %dma_wait3A_80 = tpu.memref_slice %arg3[%arg0, %add3A_73, %dma_wait3A_79] : memref<2x160000x128xf32, #tpu.memory_space<hbm>> -> memref<1x80x128xf32, #tpu.memory_space<hbm>>
      %dma_wait3A_81 = tpu.memref_squeeze %dma_wait3A_80 : memref<1x80x128xf32, #tpu.memory_space<hbm>> -> memref<80x128xf32, #tpu.memory_space<hbm>>
      tpu.wait_dma2 semaphore(%arg15 : memref<!tpu.dma_semaphore, #tpu.memory_space<semaphore_mem>>) src(%dma_wait3A_81 : memref<80x128xf32, #tpu.memory_space<hbm>>) dst(%arg10 : memref<80x128xf32, #tpu.memory_space<vmem>>)
      %dma_start3A_82 = arith.constant 0 : i32
      %dma_start3A_83 = arith.constant 0 : i32
      %dma_start3A_84 = tpu.memref_slice %arg14[%dma_start3A_82, %dma_start3A_83] : memref<10240x128xf32, #tpu.memory_space<vmem_shared>> -> memref<10240x128xf32, #tpu.memory_space<vmem_shared>>
      tpu.enqueue_indirect_dma source(%arg10 : memref<80x128xf32, #tpu.memory_space<vmem>>) target(%dma_start3A_84 : memref<10240x128xf32, #tpu.memory_space<vmem_shared>>) offsets(%arg6 : memref<80xi32, #tpu.memory_space<vmem>>) semaphore(%arg19 : memref<!tpu.dma_semaphore, #tpu.memory_space<semaphore_mem>>) {add = true}
      %add3A_85 = arith.constant 1 : i32
      %add3A_86 = arith.addi %mul3A_68, %add3A_85 : i32
      %mul3A_87 = arith.constant 80 : i32
      %mul3A_88 = arith.muli %add3A_86, %mul3A_87 : i32
      %add3A_89 = arith.addi %mul3A_2, %mul3A_88 : i32
      %dma_wait3A_90 = tpu.memref_slice %arg2[%add3A_89] : memref<160000xi32, #tpu.memory_space<hbm>> -> memref<80xi32, #tpu.memory_space<hbm>>
      %dma_wait3A_91 = tpu.memref_slice %arg2[%add3A_89] : memref<160000xi32, #tpu.memory_space<hbm>> -> memref<80xi32, #tpu.memory_space<hbm>>
      tpu.wait_dma2 semaphore(%arg16 : memref<!tpu.dma_semaphore, #tpu.memory_space<semaphore_mem>>) src(%dma_wait3A_91 : memref<80xi32, #tpu.memory_space<hbm>>) dst(%arg7 : memref<80xi32, #tpu.memory_space<vmem>>)
      %dma_wait3A_92 = arith.constant 0 : i32
      %dma_wait3A_93 = tpu.memref_slice %arg3[%arg0, %add3A_89, %dma_wait3A_92] : memref<2x160000x128xf32, #tpu.memory_space<hbm>> -> memref<1x80x128xf32, #tpu.memory_space<hbm>>
      %dma_wait3A_94 = tpu.memref_squeeze %dma_wait3A_93 : memref<1x80x128xf32, #tpu.memory_space<hbm>> -> memref<80x128xf32, #tpu.memory_space<hbm>>
      %dma_wait3A_95 = arith.constant 0 : i32
      %dma_wait3A_96 = tpu.memref_slice %arg3[%arg0, %add3A_89, %dma_wait3A_95] : memref<2x160000x128xf32, #tpu.memory_space<hbm>> -> memref<1x80x128xf32, #tpu.memory_space<hbm>>
      %dma_wait3A_97 = tpu.memref_squeeze %dma_wait3A_96 : memref<1x80x128xf32, #tpu.memory_space<hbm>> -> memref<80x128xf32, #tpu.memory_space<hbm>>
      tpu.wait_dma2 semaphore(%arg16 : memref<!tpu.dma_semaphore, #tpu.memory_space<semaphore_mem>>) src(%dma_wait3A_97 : memref<80x128xf32, #tpu.memory_space<hbm>>) dst(%arg11 : memref<80x128xf32, #tpu.memory_space<vmem>>)
      %dma_start3A_98 = arith.constant 0 : i32
      %dma_start3A_99 = arith.constant 0 : i32
      %dma_start3A_100 = tpu.memref_slice %arg14[%dma_start3A_98, %dma_start3A_99] : memref<10240x128xf32, #tpu.memory_space<vmem_shared>> -> memref<10240x128xf32, #tpu.memory_space<vmem_shared>>
      tpu.enqueue_indirect_dma source(%arg11 : memref<80x128xf32, #tpu.memory_space<vmem>>) target(%dma_start3A_100 : memref<10240x128xf32, #tpu.memory_space<vmem_shared>>) offsets(%arg7 : memref<80xi32, #tpu.memory_space<vmem>>) semaphore(%arg20 : memref<!tpu.dma_semaphore, #tpu.memory_space<semaphore_mem>>) {add = true}
      %add3A_101 = arith.constant 2 : i32
      %add3A_102 = arith.addi %mul3A_68, %add3A_101 : i32
      %mul3A_103 = arith.constant 80 : i32
      %mul3A_104 = arith.muli %add3A_102, %mul3A_103 : i32
      %add3A_105 = arith.addi %mul3A_2, %mul3A_104 : i32
      %dma_wait3A_106 = tpu.memref_slice %arg2[%add3A_105] : memref<160000xi32, #tpu.memory_space<hbm>> -> memref<80xi32, #tpu.memory_space<hbm>>
      %dma_wait3A_107 = tpu.memref_slice %arg2[%add3A_105] : memref<160000xi32, #tpu.memory_space<hbm>> -> memref<80xi32, #tpu.memory_space<hbm>>
      tpu.wait_dma2 semaphore(%arg17 : memref<!tpu.dma_semaphore, #tpu.memory_space<semaphore_mem>>) src(%dma_wait3A_107 : memref<80xi32, #tpu.memory_space<hbm>>) dst(%arg8 : memref<80xi32, #tpu.memory_space<vmem>>)
      %dma_wait3A_108 = arith.constant 0 : i32
      %dma_wait3A_109 = tpu.memref_slice %arg3[%arg0, %add3A_105, %dma_wait3A_108] : memref<2x160000x128xf32, #tpu.memory_space<hbm>> -> memref<1x80x128xf32, #tpu.memory_space<hbm>>
      %dma_wait3A_110 = tpu.memref_squeeze %dma_wait3A_109 : memref<1x80x128xf32, #tpu.memory_space<hbm>> -> memref<80x128xf32, #tpu.memory_space<hbm>>
      %dma_wait3A_111 = arith.constant 0 : i32
      %dma_wait3A_112 = tpu.memref_slice %arg3[%arg0, %add3A_105, %dma_wait3A_111] : memref<2x160000x128xf32, #tpu.memory_space<hbm>> -> memref<1x80x128xf32, #tpu.memory_space<hbm>>
      %dma_wait3A_113 = tpu.memref_squeeze %dma_wait3A_112 : memref<1x80x128xf32, #tpu.memory_space<hbm>> -> memref<80x128xf32, #tpu.memory_space<hbm>>
      tpu.wait_dma2 semaphore(%arg17 : memref<!tpu.dma_semaphore, #tpu.memory_space<semaphore_mem>>) src(%dma_wait3A_113 : memref<80x128xf32, #tpu.memory_space<hbm>>) dst(%arg12 : memref<80x128xf32, #tpu.memory_space<vmem>>)
      %dma_start3A_114 = arith.constant 0 : i32
      %dma_start3A_115 = arith.constant 0 : i32
      %dma_start3A_116 = tpu.memref_slice %arg14[%dma_start3A_114, %dma_start3A_115] : memref<10240x128xf32, #tpu.memory_space<vmem_shared>> -> memref<10240x128xf32, #tpu.memory_space<vmem_shared>>
      tpu.enqueue_indirect_dma source(%arg12 : memref<80x128xf32, #tpu.memory_space<vmem>>) target(%dma_start3A_116 : memref<10240x128xf32, #tpu.memory_space<vmem_shared>>) offsets(%arg8 : memref<80xi32, #tpu.memory_space<vmem>>) semaphore(%arg21 : memref<!tpu.dma_semaphore, #tpu.memory_space<semaphore_mem>>) {add = true}
      %add3A_117 = arith.constant 3 : i32
      %add3A_118 = arith.addi %mul3A_68, %add3A_117 : i32
      %mul3A_119 = arith.constant 80 : i32
      %mul3A_120 = arith.muli %add3A_118, %mul3A_119 : i32
      %add3A_121 = arith.addi %mul3A_2, %mul3A_120 : i32
      %dma_wait3A_122 = tpu.memref_slice %arg2[%add3A_121] : memref<160000xi32, #tpu.memory_space<hbm>> -> memref<80xi32, #tpu.memory_space<hbm>>
      %dma_wait3A_123 = tpu.memref_slice %arg2[%add3A_121] : memref<160000xi32, #tpu.memory_space<hbm>> -> memref<80xi32, #tpu.memory_space<hbm>>
      tpu.wait_dma2 semaphore(%arg18 : memref<!tpu.dma_semaphore, #tpu.memory_space<semaphore_mem>>) src(%dma_wait3A_123 : memref<80xi32, #tpu.memory_space<hbm>>) dst(%arg9 : memref<80xi32, #tpu.memory_space<vmem>>)
      %dma_wait3A_124 = arith.constant 0 : i32
      %dma_wait3A_125 = tpu.memref_slice %arg3[%arg0, %add3A_121, %dma_wait3A_124] : memref<2x160000x128xf32, #tpu.memory_space<hbm>> -> memref<1x80x128xf32, #tpu.memory_space<hbm>>
      %dma_wait3A_126 = tpu.memref_squeeze %dma_wait3A_125 : memref<1x80x128xf32, #tpu.memory_space<hbm>> -> memref<80x128xf32, #tpu.memory_space<hbm>>
      %dma_wait3A_127 = arith.constant 0 : i32
      %dma_wait3A_128 = tpu.memref_slice %arg3[%arg0, %add3A_121, %dma_wait3A_127] : memref<2x160000x128xf32, #tpu.memory_space<hbm>> -> memref<1x80x128xf32, #tpu.memory_space<hbm>>
      %dma_wait3A_129 = tpu.memref_squeeze %dma_wait3A_128 : memref<1x80x128xf32, #tpu.memory_space<hbm>> -> memref<80x128xf32, #tpu.memory_space<hbm>>
      tpu.wait_dma2 semaphore(%arg18 : memref<!tpu.dma_semaphore, #tpu.memory_space<semaphore_mem>>) src(%dma_wait3A_129 : memref<80x128xf32, #tpu.memory_space<hbm>>) dst(%arg13 : memref<80x128xf32, #tpu.memory_space<vmem>>)
      %dma_start3A_130 = arith.constant 0 : i32
      %dma_start3A_131 = arith.constant 0 : i32
      %dma_start3A_132 = tpu.memref_slice %arg14[%dma_start3A_130, %dma_start3A_131] : memref<10240x128xf32, #tpu.memory_space<vmem_shared>> -> memref<10240x128xf32, #tpu.memory_space<vmem_shared>>
      tpu.enqueue_indirect_dma source(%arg13 : memref<80x128xf32, #tpu.memory_space<vmem>>) target(%dma_start3A_132 : memref<10240x128xf32, #tpu.memory_space<vmem_shared>>) offsets(%arg9 : memref<80xi32, #tpu.memory_space<vmem>>) semaphore(%arg22 : memref<!tpu.dma_semaphore, #tpu.memory_space<semaphore_mem>>) {add = true}
      %dma_wait3A_133 = arith.constant 0 : i32
      %dma_wait3A_134 = arith.constant 0 : i32
      %dma_wait3A_135 = tpu.memref_slice %arg14[%dma_wait3A_133, %dma_wait3A_134] : memref<10240x128xf32, #tpu.memory_space<vmem_shared>> -> memref<10240x128xf32, #tpu.memory_space<vmem_shared>>
      tpu.wait_indirect_dma semaphore(%arg19 : memref<!tpu.dma_semaphore, #tpu.memory_space<semaphore_mem>>) src(%arg10 : memref<80x128xf32, #tpu.memory_space<vmem>>) dst(%dma_wait3A_135 : memref<10240x128xf32, #tpu.memory_space<vmem_shared>>)
      %add3A_136 = arith.constant 0 : i32
      %add3A_137 = arith.addi %mul3A_68, %add3A_136 : i32
      %add3A_138 = arith.constant 4 : i32
      %add3A_139 = arith.addi %add3A_137, %add3A_138 : i32
      %lt3A = arith.constant 125 : i32
      %lt3A_140 = arith.cmpi slt, %add3A_139, %lt3A : i32
      %convert_element_type3A = arith.extui %lt3A_140 : i1 to i32
      %cond3A = arith.constant 0 : i32
      %cond3A_141 = arith.cmpi ne, %convert_element_type3A, %cond3A : i32
      scf.if %cond3A_141 {
        %add3A_178 = arith.constant 0 : i32
        %add3A_179 = arith.addi %mul3A_68, %add3A_178 : i32
        %add3A_180 = arith.constant 4 : i32
        %add3A_181 = arith.addi %add3A_179, %add3A_180 : i32
        %mul3A_182 = arith.constant 80 : i32
        %mul3A_183 = arith.muli %add3A_181, %mul3A_182 : i32
        %add3A_184 = arith.addi %mul3A_2, %mul3A_183 : i32
        %dma_start3A_185 = tpu.memref_slice %arg2[%add3A_184] : memref<160000xi32, #tpu.memory_space<hbm>> -> memref<80xi32, #tpu.memory_space<hbm>>
        %dma_start3A_186 = tpu.memref_slice %arg2[%add3A_184] : memref<160000xi32, #tpu.memory_space<hbm>> -> memref<80xi32, #tpu.memory_space<hbm>>
        tpu.enqueue_dma source(%dma_start3A_186 : memref<80xi32, #tpu.memory_space<hbm>>) target(%arg6 : memref<80xi32, #tpu.memory_space<vmem>>) target_semaphore(%arg15 : memref<!tpu.dma_semaphore, #tpu.memory_space<semaphore_mem>>)
        %dma_start3A_187 = arith.constant 0 : i32
        %dma_start3A_188 = tpu.memref_slice %arg3[%arg0, %add3A_184, %dma_start3A_187] : memref<2x160000x128xf32, #tpu.memory_space<hbm>> -> memref<1x80x128xf32, #tpu.memory_space<hbm>>
        %dma_start3A_189 = tpu.memref_squeeze %dma_start3A_188 : memref<1x80x128xf32, #tpu.memory_space<hbm>> -> memref<80x128xf32, #tpu.memory_space<hbm>>
        %dma_start3A_190 = arith.constant 0 : i32
        %dma_start3A_191 = tpu.memref_slice %arg3[%arg0, %add3A_184, %dma_start3A_190] : memref<2x160000x128xf32, #tpu.memory_space<hbm>> -> memref<1x80x128xf32, #tpu.memory_space<hbm>>
        %dma_start3A_192 = tpu.memref_squeeze %dma_start3A_191 : memref<1x80x128xf32, #tpu.memory_space<hbm>> -> memref<80x128xf32, #tpu.memory_space<hbm>>
        tpu.enqueue_dma source(%dma_start3A_192 : memref<80x128xf32, #tpu.memory_space<hbm>>) target(%arg10 : memref<80x128xf32, #tpu.memory_space<vmem>>) target_semaphore(%arg15 : memref<!tpu.dma_semaphore, #tpu.memory_space<semaphore_mem>>)
      } else {
      }
      %dma_wait3A_142 = arith.constant 0 : i32
      %dma_wait3A_143 = arith.constant 0 : i32
      %dma_wait3A_144 = tpu.memref_slice %arg14[%dma_wait3A_142, %dma_wait3A_143] : memref<10240x128xf32, #tpu.memory_space<vmem_shared>> -> memref<10240x128xf32, #tpu.memory_space<vmem_shared>>
      tpu.wait_indirect_dma semaphore(%arg20 : memref<!tpu.dma_semaphore, #tpu.memory_space<semaphore_mem>>) src(%arg11 : memref<80x128xf32, #tpu.memory_space<vmem>>) dst(%dma_wait3A_144 : memref<10240x128xf32, #tpu.memory_space<vmem_shared>>)
      %add3A_145 = arith.constant 1 : i32
      %add3A_146 = arith.addi %mul3A_68, %add3A_145 : i32
      %add3A_147 = arith.constant 4 : i32
      %add3A_148 = arith.addi %add3A_146, %add3A_147 : i32
      %lt3A_149 = arith.constant 125 : i32
      %lt3A_150 = arith.cmpi slt, %add3A_148, %lt3A_149 : i32
      %convert_element_type3A_151 = arith.extui %lt3A_150 : i1 to i32
      %cond3A_152 = arith.constant 0 : i32
      %cond3A_153 = arith.cmpi ne, %convert_element_type3A_151, %cond3A_152 : i32
      scf.if %cond3A_153 {
        %add3A_178 = arith.constant 1 : i32
        %add3A_179 = arith.addi %mul3A_68, %add3A_178 : i32
        %add3A_180 = arith.constant 4 : i32
        %add3A_181 = arith.addi %add3A_179, %add3A_180 : i32
        %mul3A_182 = arith.constant 80 : i32
        %mul3A_183 = arith.muli %add3A_181, %mul3A_182 : i32
        %add3A_184 = arith.addi %mul3A_2, %mul3A_183 : i32
        %dma_start3A_185 = tpu.memref_slice %arg2[%add3A_184] : memref<160000xi32, #tpu.memory_space<hbm>> -> memref<80xi32, #tpu.memory_space<hbm>>
        %dma_start3A_186 = tpu.memref_slice %arg2[%add3A_184] : memref<160000xi32, #tpu.memory_space<hbm>> -> memref<80xi32, #tpu.memory_space<hbm>>
        tpu.enqueue_dma source(%dma_start3A_186 : memref<80xi32, #tpu.memory_space<hbm>>) target(%arg7 : memref<80xi32, #tpu.memory_space<vmem>>) target_semaphore(%arg16 : memref<!tpu.dma_semaphore, #tpu.memory_space<semaphore_mem>>)
        %dma_start3A_187 = arith.constant 0 : i32
        %dma_start3A_188 = tpu.memref_slice %arg3[%arg0, %add3A_184, %dma_start3A_187] : memref<2x160000x128xf32, #tpu.memory_space<hbm>> -> memref<1x80x128xf32, #tpu.memory_space<hbm>>
        %dma_start3A_189 = tpu.memref_squeeze %dma_start3A_188 : memref<1x80x128xf32, #tpu.memory_space<hbm>> -> memref<80x128xf32, #tpu.memory_space<hbm>>
        %dma_start3A_190 = arith.constant 0 : i32
        %dma_start3A_191 = tpu.memref_slice %arg3[%arg0, %add3A_184, %dma_start3A_190] : memref<2x160000x128xf32, #tpu.memory_space<hbm>> -> memref<1x80x128xf32, #tpu.memory_space<hbm>>
        %dma_start3A_192 = tpu.memref_squeeze %dma_start3A_191 : memref<1x80x128xf32, #tpu.memory_space<hbm>> -> memref<80x128xf32, #tpu.memory_space<hbm>>
        tpu.enqueue_dma source(%dma_start3A_192 : memref<80x128xf32, #tpu.memory_space<hbm>>) target(%arg11 : memref<80x128xf32, #tpu.memory_space<vmem>>) target_semaphore(%arg16 : memref<!tpu.dma_semaphore, #tpu.memory_space<semaphore_mem>>)
      } else {
      }
      %dma_wait3A_154 = arith.constant 0 : i32
      %dma_wait3A_155 = arith.constant 0 : i32
      %dma_wait3A_156 = tpu.memref_slice %arg14[%dma_wait3A_154, %dma_wait3A_155] : memref<10240x128xf32, #tpu.memory_space<vmem_shared>> -> memref<10240x128xf32, #tpu.memory_space<vmem_shared>>
      tpu.wait_indirect_dma semaphore(%arg21 : memref<!tpu.dma_semaphore, #tpu.memory_space<semaphore_mem>>) src(%arg12 : memref<80x128xf32, #tpu.memory_space<vmem>>) dst(%dma_wait3A_156 : memref<10240x128xf32, #tpu.memory_space<vmem_shared>>)
      %add3A_157 = arith.constant 2 : i32
      %add3A_158 = arith.addi %mul3A_68, %add3A_157 : i32
      %add3A_159 = arith.constant 4 : i32
      %add3A_160 = arith.addi %add3A_158, %add3A_159 : i32
      %lt3A_161 = arith.constant 125 : i32
      %lt3A_162 = arith.cmpi slt, %add3A_160, %lt3A_161 : i32
      %convert_element_type3A_163 = arith.extui %lt3A_162 : i1 to i32
      %cond3A_164 = arith.constant 0 : i32
      %cond3A_165 = arith.cmpi ne, %convert_element_type3A_163, %cond3A_164 : i32
      scf.if %cond3A_165 {
        %add3A_178 = arith.constant 2 : i32
        %add3A_179 = arith.addi %mul3A_68, %add3A_178 : i32
        %add3A_180 = arith.constant 4 : i32
        %add3A_181 = arith.addi %add3A_179, %add3A_180 : i32
        %mul3A_182 = arith.constant 80 : i32
        %mul3A_183 = arith.muli %add3A_181, %mul3A_182 : i32
        %add3A_184 = arith.addi %mul3A_2, %mul3A_183 : i32
        %dma_start3A_185 = tpu.memref_slice %arg2[%add3A_184] : memref<160000xi32, #tpu.memory_space<hbm>> -> memref<80xi32, #tpu.memory_space<hbm>>
        %dma_start3A_186 = tpu.memref_slice %arg2[%add3A_184] : memref<160000xi32, #tpu.memory_space<hbm>> -> memref<80xi32, #tpu.memory_space<hbm>>
        tpu.enqueue_dma source(%dma_start3A_186 : memref<80xi32, #tpu.memory_space<hbm>>) target(%arg8 : memref<80xi32, #tpu.memory_space<vmem>>) target_semaphore(%arg17 : memref<!tpu.dma_semaphore, #tpu.memory_space<semaphore_mem>>)
        %dma_start3A_187 = arith.constant 0 : i32
        %dma_start3A_188 = tpu.memref_slice %arg3[%arg0, %add3A_184, %dma_start3A_187] : memref<2x160000x128xf32, #tpu.memory_space<hbm>> -> memref<1x80x128xf32, #tpu.memory_space<hbm>>
        %dma_start3A_189 = tpu.memref_squeeze %dma_start3A_188 : memref<1x80x128xf32, #tpu.memory_space<hbm>> -> memref<80x128xf32, #tpu.memory_space<hbm>>
        %dma_start3A_190 = arith.constant 0 : i32
        %dma_start3A_191 = tpu.memref_slice %arg3[%arg0, %add3A_184, %dma_start3A_190] : memref<2x160000x128xf32, #tpu.memory_space<hbm>> -> memref<1x80x128xf32, #tpu.memory_space<hbm>>
        %dma_start3A_192 = tpu.memref_squeeze %dma_start3A_191 : memref<1x80x128xf32, #tpu.memory_space<hbm>> -> memref<80x128xf32, #tpu.memory_space<hbm>>
        tpu.enqueue_dma source(%dma_start3A_192 : memref<80x128xf32, #tpu.memory_space<hbm>>) target(%arg12 : memref<80x128xf32, #tpu.memory_space<vmem>>) target_semaphore(%arg17 : memref<!tpu.dma_semaphore, #tpu.memory_space<semaphore_mem>>)
      } else {
      }
      %dma_wait3A_166 = arith.constant 0 : i32
      %dma_wait3A_167 = arith.constant 0 : i32
      %dma_wait3A_168 = tpu.memref_slice %arg14[%dma_wait3A_166, %dma_wait3A_167] : memref<10240x128xf32, #tpu.memory_space<vmem_shared>> -> memref<10240x128xf32, #tpu.memory_space<vmem_shared>>
      tpu.wait_indirect_dma semaphore(%arg22 : memref<!tpu.dma_semaphore, #tpu.memory_space<semaphore_mem>>) src(%arg13 : memref<80x128xf32, #tpu.memory_space<vmem>>) dst(%dma_wait3A_168 : memref<10240x128xf32, #tpu.memory_space<vmem_shared>>)
      %add3A_169 = arith.constant 3 : i32
      %add3A_170 = arith.addi %mul3A_68, %add3A_169 : i32
      %add3A_171 = arith.constant 4 : i32
      %add3A_172 = arith.addi %add3A_170, %add3A_171 : i32
      %lt3A_173 = arith.constant 125 : i32
      %lt3A_174 = arith.cmpi slt, %add3A_172, %lt3A_173 : i32
      %convert_element_type3A_175 = arith.extui %lt3A_174 : i1 to i32
      %cond3A_176 = arith.constant 0 : i32
      %cond3A_177 = arith.cmpi ne, %convert_element_type3A_175, %cond3A_176 : i32
      scf.if %cond3A_177 {
        %add3A_178 = arith.constant 3 : i32
        %add3A_179 = arith.addi %mul3A_68, %add3A_178 : i32
        %add3A_180 = arith.constant 4 : i32
        %add3A_181 = arith.addi %add3A_179, %add3A_180 : i32
        %mul3A_182 = arith.constant 80 : i32
        %mul3A_183 = arith.muli %add3A_181, %mul3A_182 : i32
        %add3A_184 = arith.addi %mul3A_2, %mul3A_183 : i32
        %dma_start3A_185 = tpu.memref_slice %arg2[%add3A_184] : memref<160000xi32, #tpu.memory_space<hbm>> -> memref<80xi32, #tpu.memory_space<hbm>>
        %dma_start3A_186 = tpu.memref_slice %arg2[%add3A_184] : memref<160000xi32, #tpu.memory_space<hbm>> -> memref<80xi32, #tpu.memory_space<hbm>>
        tpu.enqueue_dma source(%dma_start3A_186 : memref<80xi32, #tpu.memory_space<hbm>>) target(%arg9 : memref<80xi32, #tpu.memory_space<vmem>>) target_semaphore(%arg18 : memref<!tpu.dma_semaphore, #tpu.memory_space<semaphore_mem>>)
        %dma_start3A_187 = arith.constant 0 : i32
        %dma_start3A_188 = tpu.memref_slice %arg3[%arg0, %add3A_184, %dma_start3A_187] : memref<2x160000x128xf32, #tpu.memory_space<hbm>> -> memref<1x80x128xf32, #tpu.memory_space<hbm>>
        %dma_start3A_189 = tpu.memref_squeeze %dma_start3A_188 : memref<1x80x128xf32, #tpu.memory_space<hbm>> -> memref<80x128xf32, #tpu.memory_space<hbm>>
        %dma_start3A_190 = arith.constant 0 : i32
        %dma_start3A_191 = tpu.memref_slice %arg3[%arg0, %add3A_184, %dma_start3A_190] : memref<2x160000x128xf32, #tpu.memory_space<hbm>> -> memref<1x80x128xf32, #tpu.memory_space<hbm>>
        %dma_start3A_192 = tpu.memref_squeeze %dma_start3A_191 : memref<1x80x128xf32, #tpu.memory_space<hbm>> -> memref<80x128xf32, #tpu.memory_space<hbm>>
        tpu.enqueue_dma source(%dma_start3A_192 : memref<80x128xf32, #tpu.memory_space<hbm>>) target(%arg13 : memref<80x128xf32, #tpu.memory_space<vmem>>) target_semaphore(%arg18 : memref<!tpu.dma_semaphore, #tpu.memory_space<semaphore_mem>>)
      } else {
      }
    }
    %scan3A_45 = arith.constant 31 : i32
    %add3A_46 = arith.constant 9920 : i32
    %add3A_47 = arith.addi %mul3A_2, %add3A_46 : i32
    %dma_wait3A = tpu.memref_slice %arg2[%add3A_47] : memref<160000xi32, #tpu.memory_space<hbm>> -> memref<80xi32, #tpu.memory_space<hbm>>
    %dma_wait3A_48 = tpu.memref_slice %arg2[%add3A_47] : memref<160000xi32, #tpu.memory_space<hbm>> -> memref<80xi32, #tpu.memory_space<hbm>>
    tpu.wait_dma2 semaphore(%arg15 : memref<!tpu.dma_semaphore, #tpu.memory_space<semaphore_mem>>) src(%dma_wait3A_48 : memref<80xi32, #tpu.memory_space<hbm>>) dst(%arg6 : memref<80xi32, #tpu.memory_space<vmem>>)
    %dma_wait3A_49 = arith.constant 0 : i32
    %dma_wait3A_50 = tpu.memref_slice %arg3[%arg0, %add3A_47, %dma_wait3A_49] : memref<2x160000x128xf32, #tpu.memory_space<hbm>> -> memref<1x80x128xf32, #tpu.memory_space<hbm>>
    %dma_wait3A_51 = tpu.memref_squeeze %dma_wait3A_50 : memref<1x80x128xf32, #tpu.memory_space<hbm>> -> memref<80x128xf32, #tpu.memory_space<hbm>>
    %dma_wait3A_52 = arith.constant 0 : i32
    %dma_wait3A_53 = tpu.memref_slice %arg3[%arg0, %add3A_47, %dma_wait3A_52] : memref<2x160000x128xf32, #tpu.memory_space<hbm>> -> memref<1x80x128xf32, #tpu.memory_space<hbm>>
    %dma_wait3A_54 = tpu.memref_squeeze %dma_wait3A_53 : memref<1x80x128xf32, #tpu.memory_space<hbm>> -> memref<80x128xf32, #tpu.memory_space<hbm>>
    tpu.wait_dma2 semaphore(%arg15 : memref<!tpu.dma_semaphore, #tpu.memory_space<semaphore_mem>>) src(%dma_wait3A_54 : memref<80x128xf32, #tpu.memory_space<hbm>>) dst(%arg10 : memref<80x128xf32, #tpu.memory_space<vmem>>)
    %dma_start3A_55 = arith.constant 0 : i32
    %dma_start3A_56 = arith.constant 0 : i32
    %dma_start3A_57 = tpu.memref_slice %arg14[%dma_start3A_55, %dma_start3A_56] : memref<10240x128xf32, #tpu.memory_space<vmem_shared>> -> memref<10240x128xf32, #tpu.memory_space<vmem_shared>>
    tpu.enqueue_indirect_dma source(%arg10 : memref<80x128xf32, #tpu.memory_space<vmem>>) target(%dma_start3A_57 : memref<10240x128xf32, #tpu.memory_space<vmem_shared>>) offsets(%arg6 : memref<80xi32, #tpu.memory_space<vmem>>) semaphore(%arg19 : memref<!tpu.dma_semaphore, #tpu.memory_space<semaphore_mem>>) {add = true}
    %dma_wait3A_58 = arith.constant 0 : i32
    %dma_wait3A_59 = arith.constant 0 : i32
    %dma_wait3A_60 = tpu.memref_slice %arg14[%dma_wait3A_58, %dma_wait3A_59] : memref<10240x128xf32, #tpu.memory_space<vmem_shared>> -> memref<10240x128xf32, #tpu.memory_space<vmem_shared>>
    tpu.wait_indirect_dma semaphore(%arg19 : memref<!tpu.dma_semaphore, #tpu.memory_space<semaphore_mem>>) src(%arg10 : memref<80x128xf32, #tpu.memory_space<vmem>>) dst(%dma_wait3A_60 : memref<10240x128xf32, #tpu.memory_space<vmem_shared>>)
    %barrier3A_61 = arith.constant 0 : index
    tpu.barrier barrier_id(%barrier3A_61)
    %mul3A_62 = arith.constant 640 : i32
    %mul3A_63 = arith.muli %arg1, %mul3A_62 : i32
    %mul3A_64 = arith.constant 640 : i32
    %mul3A_65 = arith.muli %arg1, %mul3A_64 : i32
    "tpu.region"() ({
      %run_scoped3A = tpu.sem_alloc : memref<!tpu.dma_semaphore, #tpu.memory_space<semaphore_mem>>
      %dma_start3A_66 = arith.constant 0 : i32
      %dma_start3A_67 = tpu.memref_slice %arg5[%arg0, %mul3A_65, %dma_start3A_66] : memref<2x10240x128xf32, #tpu.memory_space<hbm>> -> memref<1x640x128xf32, #tpu.memory_space<hbm>>
      %dma_start3A_68 = tpu.memref_squeeze %dma_start3A_67 : memref<1x640x128xf32, #tpu.memory_space<hbm>> -> memref<640x128xf32, #tpu.memory_space<hbm>>
      %dma_start3A_69 = arith.constant 0 : i32
      %dma_start3A_70 = tpu.memref_slice %arg14[%mul3A_63, %dma_start3A_69] : memref<10240x128xf32, #tpu.memory_space<vmem_shared>> -> memref<640x128xf32, #tpu.memory_space<vmem_shared>>
      tpu.enqueue_dma source(%dma_start3A_70 : memref<640x128xf32, #tpu.memory_space<vmem_shared>>) target(%dma_start3A_68 : memref<640x128xf32, #tpu.memory_space<hbm>>) target_semaphore(%run_scoped3A : memref<!tpu.dma_semaphore, #tpu.memory_space<semaphore_mem>>)
      %dma_wait3A_71 = arith.constant 0 : i32
      %dma_wait3A_72 = tpu.memref_slice %arg5[%arg0, %mul3A_65, %dma_wait3A_71] : memref<2x10240x128xf32, #tpu.memory_space<hbm>> -> memref<1x640x128xf32, #tpu.memory_space<hbm>>
      %dma_wait3A_73 = tpu.memref_squeeze %dma_wait3A_72 : memref<1x640x128xf32, #tpu.memory_space<hbm>> -> memref<640x128xf32, #tpu.memory_space<hbm>>
      %dma_wait3A_74 = arith.constant 0 : i32
      %dma_wait3A_75 = tpu.memref_slice %arg14[%mul3A_63, %dma_wait3A_74] : memref<10240x128xf32, #tpu.memory_space<vmem_shared>> -> memref<640x128xf32, #tpu.memory_space<vmem_shared>>
      tpu.wait_dma2 semaphore(%run_scoped3A : memref<!tpu.dma_semaphore, #tpu.memory_space<semaphore_mem>>) src(%dma_wait3A_75 : memref<640x128xf32, #tpu.memory_space<vmem_shared>>) dst(%dma_wait3A_73 : memref<640x128xf32, #tpu.memory_space<hbm>>)
      tpu.yield
    }) : () -> ()
    return
  }
}

#map = affine_map<(d0, d1) -> (0)>
#map1 = affine_map<(d0, d1) -> (0, 0)>
module attributes {stable_mosaic.version = 14 : i64} {
  func.func @body(%arg0: i32, %arg1: i32, %arg2: memref<160000xi32, #tpu.memory_space<hbm>>, %arg3: memref<160000xi32, #tpu.memory_space<hbm>>, %arg4: memref<10000x128xf32, #tpu.memory_space<hbm>>, %arg5: memref<10000x128xf32, #tpu.memory_space<hbm>>, %arg6: memref<160000x128xf32, #tpu.memory_space<hbm>>, %arg7: memref<160000x128xf32, #tpu.memory_space<hbm>>, %arg8: memref<40xi32, #tpu.memory_space<vmem>>, %arg9: memref<40xi32, #tpu.memory_space<vmem>>, %arg10: memref<40x128xf32, #tpu.memory_space<vmem>>, %arg11: memref<40x128xf32, #tpu.memory_space<vmem>>, %arg12: memref<40xi32, #tpu.memory_space<vmem>>, %arg13: memref<40xi32, #tpu.memory_space<vmem>>, %arg14: memref<40x128xf32, #tpu.memory_space<vmem>>, %arg15: memref<40x128xf32, #tpu.memory_space<vmem>>, %arg16: memref<!tpu.dma_semaphore, #tpu.memory_space<semaphore_mem>>, %arg17: memref<!tpu.dma_semaphore, #tpu.memory_space<semaphore_mem>>, %arg18: memref<!tpu.dma_semaphore, #tpu.memory_space<semaphore_mem>>, %arg19: memref<!tpu.dma_semaphore, #tpu.memory_space<semaphore_mem>>, %arg20: memref<!tpu.dma_semaphore, #tpu.memory_space<semaphore_mem>>, %arg21: memref<!tpu.dma_semaphore, #tpu.memory_space<semaphore_mem>>, %arg22: memref<!tpu.dma_semaphore, #tpu.memory_space<semaphore_mem>>, %arg23: memref<!tpu.dma_semaphore, #tpu.memory_space<semaphore_mem>>) attributes {dimension_semantics = [#tpu.dimension_semantics<core_parallel>, #tpu.dimension_semantics<subcore_parallel>], iteration_bounds = array<i64: 2, 16>, scalar_prefetch = 0 : i64, scratch_operands = 16 : i64, tpu.core_type = #tpu.core_type<sc_vector_subcore>, window_params = [{transform_indices = #map}, {transform_indices = #map}, {transform_indices = #map1}, {transform_indices = #map1}, {transform_indices = #map1}, {transform_indices = #map1}]} {
    %mul3A = arith.constant 2 : i32
    %mul3A_0 = arith.muli %arg1, %mul3A : i32
    %add3A = arith.addi %mul3A_0, %arg0 : i32
    %mul3A_1 = arith.constant 5000 : i32
    %mul3A_2 = arith.muli %add3A, %mul3A_1 : i32
    %add3A_3 = arith.constant 0 : i32
    %add3A_4 = arith.addi %mul3A_2, %add3A_3 : i32
    %dma_start3A = tpu.memref_slice %arg2[%add3A_4] : memref<160000xi32, #tpu.memory_space<hbm>> -> memref<40xi32, #tpu.memory_space<hbm>>
    %dma_start3A_5 = tpu.memref_slice %arg2[%add3A_4] : memref<160000xi32, #tpu.memory_space<hbm>> -> memref<40xi32, #tpu.memory_space<hbm>>
    tpu.enqueue_dma source(%dma_start3A_5 : memref<40xi32, #tpu.memory_space<hbm>>) target(%arg8 : memref<40xi32, #tpu.memory_space<vmem>>) target_semaphore(%arg16 : memref<!tpu.dma_semaphore, #tpu.memory_space<semaphore_mem>>)
    %dma_start3A_6 = tpu.memref_slice %arg3[%add3A_4] : memref<160000xi32, #tpu.memory_space<hbm>> -> memref<40xi32, #tpu.memory_space<hbm>>
    %dma_start3A_7 = tpu.memref_slice %arg3[%add3A_4] : memref<160000xi32, #tpu.memory_space<hbm>> -> memref<40xi32, #tpu.memory_space<hbm>>
    tpu.enqueue_dma source(%dma_start3A_7 : memref<40xi32, #tpu.memory_space<hbm>>) target(%arg9 : memref<40xi32, #tpu.memory_space<vmem>>) target_semaphore(%arg16 : memref<!tpu.dma_semaphore, #tpu.memory_space<semaphore_mem>>)
    %add3A_8 = arith.constant 40 : i32
    %add3A_9 = arith.addi %mul3A_2, %add3A_8 : i32
    %dma_start3A_10 = tpu.memref_slice %arg2[%add3A_9] : memref<160000xi32, #tpu.memory_space<hbm>> -> memref<40xi32, #tpu.memory_space<hbm>>
    %dma_start3A_11 = tpu.memref_slice %arg2[%add3A_9] : memref<160000xi32, #tpu.memory_space<hbm>> -> memref<40xi32, #tpu.memory_space<hbm>>
    tpu.enqueue_dma source(%dma_start3A_11 : memref<40xi32, #tpu.memory_space<hbm>>) target(%arg12 : memref<40xi32, #tpu.memory_space<vmem>>) target_semaphore(%arg19 : memref<!tpu.dma_semaphore, #tpu.memory_space<semaphore_mem>>)
    %dma_start3A_12 = tpu.memref_slice %arg3[%add3A_9] : memref<160000xi32, #tpu.memory_space<hbm>> -> memref<40xi32, #tpu.memory_space<hbm>>
    %dma_start3A_13 = tpu.memref_slice %arg3[%add3A_9] : memref<160000xi32, #tpu.memory_space<hbm>> -> memref<40xi32, #tpu.memory_space<hbm>>
    tpu.enqueue_dma source(%dma_start3A_13 : memref<40xi32, #tpu.memory_space<hbm>>) target(%arg13 : memref<40xi32, #tpu.memory_space<vmem>>) target_semaphore(%arg19 : memref<!tpu.dma_semaphore, #tpu.memory_space<semaphore_mem>>)
    %add3A_14 = arith.constant 0 : i32
    %add3A_15 = arith.addi %mul3A_2, %add3A_14 : i32
    %dma_wait3A = tpu.memref_slice %arg2[%add3A_15] : memref<160000xi32, #tpu.memory_space<hbm>> -> memref<40xi32, #tpu.memory_space<hbm>>
    %dma_wait3A_16 = tpu.memref_slice %arg2[%add3A_15] : memref<160000xi32, #tpu.memory_space<hbm>> -> memref<40xi32, #tpu.memory_space<hbm>>
    tpu.wait_dma2 semaphore(%arg16 : memref<!tpu.dma_semaphore, #tpu.memory_space<semaphore_mem>>) src(%dma_wait3A_16 : memref<40xi32, #tpu.memory_space<hbm>>) dst(%arg8 : memref<40xi32, #tpu.memory_space<vmem>>)
    %dma_wait3A_17 = tpu.memref_slice %arg3[%add3A_15] : memref<160000xi32, #tpu.memory_space<hbm>> -> memref<40xi32, #tpu.memory_space<hbm>>
    %dma_wait3A_18 = tpu.memref_slice %arg3[%add3A_15] : memref<160000xi32, #tpu.memory_space<hbm>> -> memref<40xi32, #tpu.memory_space<hbm>>
    tpu.wait_dma2 semaphore(%arg16 : memref<!tpu.dma_semaphore, #tpu.memory_space<semaphore_mem>>) src(%dma_wait3A_18 : memref<40xi32, #tpu.memory_space<hbm>>) dst(%arg9 : memref<40xi32, #tpu.memory_space<vmem>>)
    %dma_start3A_19 = arith.constant 0 : i32
    %dma_start3A_20 = arith.constant 0 : i32
    %dma_start3A_21 = tpu.memref_slice %arg4[%dma_start3A_19, %dma_start3A_20] : memref<10000x128xf32, #tpu.memory_space<hbm>> -> memref<10000x128xf32, #tpu.memory_space<hbm>>
    tpu.enqueue_indirect_dma source(%dma_start3A_21 : memref<10000x128xf32, #tpu.memory_space<hbm>>) target(%arg10 : memref<40x128xf32, #tpu.memory_space<vmem>>) offsets(%arg8 : memref<40xi32, #tpu.memory_space<vmem>>) semaphore(%arg17 : memref<!tpu.dma_semaphore, #tpu.memory_space<semaphore_mem>>)
    %dma_start3A_22 = arith.constant 0 : i32
    %dma_start3A_23 = arith.constant 0 : i32
    %dma_start3A_24 = tpu.memref_slice %arg5[%dma_start3A_22, %dma_start3A_23] : memref<10000x128xf32, #tpu.memory_space<hbm>> -> memref<10000x128xf32, #tpu.memory_space<hbm>>
    tpu.enqueue_indirect_dma source(%dma_start3A_24 : memref<10000x128xf32, #tpu.memory_space<hbm>>) target(%arg11 : memref<40x128xf32, #tpu.memory_space<vmem>>) offsets(%arg9 : memref<40xi32, #tpu.memory_space<vmem>>) semaphore(%arg18 : memref<!tpu.dma_semaphore, #tpu.memory_space<semaphore_mem>>)
    %add3A_25 = arith.constant 40 : i32
    %add3A_26 = arith.addi %mul3A_2, %add3A_25 : i32
    %dma_wait3A_27 = tpu.memref_slice %arg2[%add3A_26] : memref<160000xi32, #tpu.memory_space<hbm>> -> memref<40xi32, #tpu.memory_space<hbm>>
    %dma_wait3A_28 = tpu.memref_slice %arg2[%add3A_26] : memref<160000xi32, #tpu.memory_space<hbm>> -> memref<40xi32, #tpu.memory_space<hbm>>
    tpu.wait_dma2 semaphore(%arg19 : memref<!tpu.dma_semaphore, #tpu.memory_space<semaphore_mem>>) src(%dma_wait3A_28 : memref<40xi32, #tpu.memory_space<hbm>>) dst(%arg12 : memref<40xi32, #tpu.memory_space<vmem>>)
    %dma_wait3A_29 = tpu.memref_slice %arg3[%add3A_26] : memref<160000xi32, #tpu.memory_space<hbm>> -> memref<40xi32, #tpu.memory_space<hbm>>
    %dma_wait3A_30 = tpu.memref_slice %arg3[%add3A_26] : memref<160000xi32, #tpu.memory_space<hbm>> -> memref<40xi32, #tpu.memory_space<hbm>>
    tpu.wait_dma2 semaphore(%arg19 : memref<!tpu.dma_semaphore, #tpu.memory_space<semaphore_mem>>) src(%dma_wait3A_30 : memref<40xi32, #tpu.memory_space<hbm>>) dst(%arg13 : memref<40xi32, #tpu.memory_space<vmem>>)
    %scan3A = arith.constant 0 : i32
    %scan3A_31 = arith.constant 0 : i32
    %scan3A_32 = arith.constant 62 : i32
    %scan3A_33 = arith.addi %scan3A_31, %scan3A_32 : i32
    %scan3A_34 = arith.constant 1 : i32
    scf.for %scan3A_72 = %scan3A_31 to %scan3A_33 step %scan3A_34  : i32 {
      %mul3A_73 = arith.constant 2 : i32
      %mul3A_74 = arith.muli %mul3A_73, %scan3A_72 : i32
      %gt3A = arith.constant 0 : i32
      %gt3A_75 = arith.cmpi sgt, %mul3A_74, %gt3A : i32
      %convert_element_type3A = arith.extui %gt3A_75 : i1 to i32
      %cond3A = arith.constant 0 : i32
      %cond3A_76 = arith.cmpi ne, %convert_element_type3A, %cond3A : i32
      scf.if %cond3A_76 {
        %sub3A = arith.constant 1 : i32
        %sub3A_143 = arith.subi %mul3A_74, %sub3A : i32
        %mul3A_144 = arith.constant 40 : i32
        %mul3A_145 = arith.muli %sub3A_143, %mul3A_144 : i32
        %add3A_146 = arith.addi %mul3A_2, %mul3A_145 : i32
        %dma_wait3A_147 = arith.constant 0 : i32
        %dma_wait3A_148 = tpu.memref_slice %arg6[%add3A_146, %dma_wait3A_147] : memref<160000x128xf32, #tpu.memory_space<hbm>> -> memref<40x128xf32, #tpu.memory_space<hbm>>
        %dma_wait3A_149 = arith.constant 0 : i32
        %dma_wait3A_150 = tpu.memref_slice %arg6[%add3A_146, %dma_wait3A_149] : memref<160000x128xf32, #tpu.memory_space<hbm>> -> memref<40x128xf32, #tpu.memory_space<hbm>>
        tpu.wait_dma2 semaphore(%arg23 : memref<!tpu.dma_semaphore, #tpu.memory_space<semaphore_mem>>) src(%arg14 : memref<40x128xf32, #tpu.memory_space<vmem>>) dst(%dma_wait3A_150 : memref<40x128xf32, #tpu.memory_space<hbm>>)
        %dma_wait3A_151 = arith.constant 0 : i32
        %dma_wait3A_152 = tpu.memref_slice %arg7[%add3A_146, %dma_wait3A_151] : memref<160000x128xf32, #tpu.memory_space<hbm>> -> memref<40x128xf32, #tpu.memory_space<hbm>>
        %dma_wait3A_153 = arith.constant 0 : i32
        %dma_wait3A_154 = tpu.memref_slice %arg7[%add3A_146, %dma_wait3A_153] : memref<160000x128xf32, #tpu.memory_space<hbm>> -> memref<40x128xf32, #tpu.memory_space<hbm>>
        tpu.wait_dma2 semaphore(%arg23 : memref<!tpu.dma_semaphore, #tpu.memory_space<semaphore_mem>>) src(%arg15 : memref<40x128xf32, #tpu.memory_space<vmem>>) dst(%dma_wait3A_154 : memref<40x128xf32, #tpu.memory_space<hbm>>)
      } else {
      }
      %dma_start3A_77 = arith.constant 0 : i32
      %dma_start3A_78 = arith.constant 0 : i32
      %dma_start3A_79 = tpu.memref_slice %arg4[%dma_start3A_77, %dma_start3A_78] : memref<10000x128xf32, #tpu.memory_space<hbm>> -> memref<10000x128xf32, #tpu.memory_space<hbm>>
      tpu.enqueue_indirect_dma source(%dma_start3A_79 : memref<10000x128xf32, #tpu.memory_space<hbm>>) target(%arg14 : memref<40x128xf32, #tpu.memory_space<vmem>>) offsets(%arg12 : memref<40xi32, #tpu.memory_space<vmem>>) semaphore(%arg20 : memref<!tpu.dma_semaphore, #tpu.memory_space<semaphore_mem>>)
      %dma_start3A_80 = arith.constant 0 : i32
      %dma_start3A_81 = arith.constant 0 : i32
      %dma_start3A_82 = tpu.memref_slice %arg5[%dma_start3A_80, %dma_start3A_81] : memref<10000x128xf32, #tpu.memory_space<hbm>> -> memref<10000x128xf32, #tpu.memory_space<hbm>>
      tpu.enqueue_indirect_dma source(%dma_start3A_82 : memref<10000x128xf32, #tpu.memory_space<hbm>>) target(%arg15 : memref<40x128xf32, #tpu.memory_space<vmem>>) offsets(%arg13 : memref<40xi32, #tpu.memory_space<vmem>>) semaphore(%arg21 : memref<!tpu.dma_semaphore, #tpu.memory_space<semaphore_mem>>)
      %dma_wait3A_83 = arith.constant 0 : i32
      %dma_wait3A_84 = arith.constant 0 : i32
      %dma_wait3A_85 = tpu.memref_slice %arg4[%dma_wait3A_83, %dma_wait3A_84] : memref<10000x128xf32, #tpu.memory_space<hbm>> -> memref<10000x128xf32, #tpu.memory_space<hbm>>
      tpu.wait_indirect_dma semaphore(%arg17 : memref<!tpu.dma_semaphore, #tpu.memory_space<semaphore_mem>>) src(%dma_wait3A_85 : memref<10000x128xf32, #tpu.memory_space<hbm>>) dst(%arg10 : memref<40x128xf32, #tpu.memory_space<vmem>>)
      %dma_wait3A_86 = arith.constant 0 : i32
      %dma_wait3A_87 = arith.constant 0 : i32
      %dma_wait3A_88 = tpu.memref_slice %arg5[%dma_wait3A_86, %dma_wait3A_87] : memref<10000x128xf32, #tpu.memory_space<hbm>> -> memref<10000x128xf32, #tpu.memory_space<hbm>>
      tpu.wait_indirect_dma semaphore(%arg18 : memref<!tpu.dma_semaphore, #tpu.memory_space<semaphore_mem>>) src(%dma_wait3A_88 : memref<10000x128xf32, #tpu.memory_space<hbm>>) dst(%arg11 : memref<40x128xf32, #tpu.memory_space<vmem>>)
      %mul3A_89 = arith.constant 40 : i32
      %mul3A_90 = arith.muli %mul3A_74, %mul3A_89 : i32
      %add3A_91 = arith.addi %mul3A_2, %mul3A_90 : i32
      %dma_start3A_92 = arith.constant 0 : i32
      %dma_start3A_93 = tpu.memref_slice %arg6[%add3A_91, %dma_start3A_92] : memref<160000x128xf32, #tpu.memory_space<hbm>> -> memref<40x128xf32, #tpu.memory_space<hbm>>
      %dma_start3A_94 = arith.constant 0 : i32
      %dma_start3A_95 = tpu.memref_slice %arg6[%add3A_91, %dma_start3A_94] : memref<160000x128xf32, #tpu.memory_space<hbm>> -> memref<40x128xf32, #tpu.memory_space<hbm>>
      tpu.enqueue_dma source(%arg10 : memref<40x128xf32, #tpu.memory_space<vmem>>) target(%dma_start3A_95 : memref<40x128xf32, #tpu.memory_space<hbm>>) target_semaphore(%arg22 : memref<!tpu.dma_semaphore, #tpu.memory_space<semaphore_mem>>)
      %dma_start3A_96 = arith.constant 0 : i32
      %dma_start3A_97 = tpu.memref_slice %arg7[%add3A_91, %dma_start3A_96] : memref<160000x128xf32, #tpu.memory_space<hbm>> -> memref<40x128xf32, #tpu.memory_space<hbm>>
      %dma_start3A_98 = arith.constant 0 : i32
      %dma_start3A_99 = tpu.memref_slice %arg7[%add3A_91, %dma_start3A_98] : memref<160000x128xf32, #tpu.memory_space<hbm>> -> memref<40x128xf32, #tpu.memory_space<hbm>>
      tpu.enqueue_dma source(%arg11 : memref<40x128xf32, #tpu.memory_space<vmem>>) target(%dma_start3A_99 : memref<40x128xf32, #tpu.memory_space<hbm>>) target_semaphore(%arg22 : memref<!tpu.dma_semaphore, #tpu.memory_space<semaphore_mem>>)
      %add3A_100 = arith.constant 2 : i32
      %add3A_101 = arith.addi %mul3A_74, %add3A_100 : i32
      %lt3A = arith.constant 125 : i32
      %lt3A_102 = arith.cmpi slt, %add3A_101, %lt3A : i32
      %convert_element_type3A_103 = arith.extui %lt3A_102 : i1 to i32
      %cond3A_104 = arith.constant 0 : i32
      %cond3A_105 = arith.cmpi ne, %convert_element_type3A_103, %cond3A_104 : i32
      scf.if %cond3A_105 {
        %add3A_143 = arith.constant 2 : i32
        %add3A_144 = arith.addi %mul3A_74, %add3A_143 : i32
        %mul3A_145 = arith.constant 40 : i32
        %mul3A_146 = arith.muli %add3A_144, %mul3A_145 : i32
        %add3A_147 = arith.addi %mul3A_2, %mul3A_146 : i32
        %dma_start3A_148 = tpu.memref_slice %arg2[%add3A_147] : memref<160000xi32, #tpu.memory_space<hbm>> -> memref<40xi32, #tpu.memory_space<hbm>>
        %dma_start3A_149 = tpu.memref_slice %arg2[%add3A_147] : memref<160000xi32, #tpu.memory_space<hbm>> -> memref<40xi32, #tpu.memory_space<hbm>>
        tpu.enqueue_dma source(%dma_start3A_149 : memref<40xi32, #tpu.memory_space<hbm>>) target(%arg8 : memref<40xi32, #tpu.memory_space<vmem>>) target_semaphore(%arg16 : memref<!tpu.dma_semaphore, #tpu.memory_space<semaphore_mem>>)
        %dma_start3A_150 = tpu.memref_slice %arg3[%add3A_147] : memref<160000xi32, #tpu.memory_space<hbm>> -> memref<40xi32, #tpu.memory_space<hbm>>
        %dma_start3A_151 = tpu.memref_slice %arg3[%add3A_147] : memref<160000xi32, #tpu.memory_space<hbm>> -> memref<40xi32, #tpu.memory_space<hbm>>
        tpu.enqueue_dma source(%dma_start3A_151 : memref<40xi32, #tpu.memory_space<hbm>>) target(%arg9 : memref<40xi32, #tpu.memory_space<vmem>>) target_semaphore(%arg16 : memref<!tpu.dma_semaphore, #tpu.memory_space<semaphore_mem>>)
        %add3A_152 = arith.constant 2 : i32
        %add3A_153 = arith.addi %mul3A_74, %add3A_152 : i32
        %mul3A_154 = arith.constant 40 : i32
        %mul3A_155 = arith.muli %add3A_153, %mul3A_154 : i32
        %add3A_156 = arith.addi %mul3A_2, %mul3A_155 : i32
        %dma_wait3A_157 = tpu.memref_slice %arg2[%add3A_156] : memref<160000xi32, #tpu.memory_space<hbm>> -> memref<40xi32, #tpu.memory_space<hbm>>
        %dma_wait3A_158 = tpu.memref_slice %arg2[%add3A_156] : memref<160000xi32, #tpu.memory_space<hbm>> -> memref<40xi32, #tpu.memory_space<hbm>>
        tpu.wait_dma2 semaphore(%arg16 : memref<!tpu.dma_semaphore, #tpu.memory_space<semaphore_mem>>) src(%dma_wait3A_158 : memref<40xi32, #tpu.memory_space<hbm>>) dst(%arg8 : memref<40xi32, #tpu.memory_space<vmem>>)
        %dma_wait3A_159 = tpu.memref_slice %arg3[%add3A_156] : memref<160000xi32, #tpu.memory_space<hbm>> -> memref<40xi32, #tpu.memory_space<hbm>>
        %dma_wait3A_160 = tpu.memref_slice %arg3[%add3A_156] : memref<160000xi32, #tpu.memory_space<hbm>> -> memref<40xi32, #tpu.memory_space<hbm>>
        tpu.wait_dma2 semaphore(%arg16 : memref<!tpu.dma_semaphore, #tpu.memory_space<semaphore_mem>>) src(%dma_wait3A_160 : memref<40xi32, #tpu.memory_space<hbm>>) dst(%arg9 : memref<40xi32, #tpu.memory_space<vmem>>)
      } else {
      }
      %add3A_106 = arith.constant 1 : i32
      %add3A_107 = arith.addi %mul3A_74, %add3A_106 : i32
      %gt3A_108 = arith.constant 0 : i32
      %gt3A_109 = arith.cmpi sgt, %add3A_107, %gt3A_108 : i32
      %convert_element_type3A_110 = arith.extui %gt3A_109 : i1 to i32
      %cond3A_111 = arith.constant 0 : i32
      %cond3A_112 = arith.cmpi ne, %convert_element_type3A_110, %cond3A_111 : i32
      scf.if %cond3A_112 {
        %sub3A = arith.constant 1 : i32
        %sub3A_143 = arith.subi %add3A_107, %sub3A : i32
        %mul3A_144 = arith.constant 40 : i32
        %mul3A_145 = arith.muli %sub3A_143, %mul3A_144 : i32
        %add3A_146 = arith.addi %mul3A_2, %mul3A_145 : i32
        %dma_wait3A_147 = arith.constant 0 : i32
        %dma_wait3A_148 = tpu.memref_slice %arg6[%add3A_146, %dma_wait3A_147] : memref<160000x128xf32, #tpu.memory_space<hbm>> -> memref<40x128xf32, #tpu.memory_space<hbm>>
        %dma_wait3A_149 = arith.constant 0 : i32
        %dma_wait3A_150 = tpu.memref_slice %arg6[%add3A_146, %dma_wait3A_149] : memref<160000x128xf32, #tpu.memory_space<hbm>> -> memref<40x128xf32, #tpu.memory_space<hbm>>
        tpu.wait_dma2 semaphore(%arg22 : memref<!tpu.dma_semaphore, #tpu.memory_space<semaphore_mem>>) src(%arg10 : memref<40x128xf32, #tpu.memory_space<vmem>>) dst(%dma_wait3A_150 : memref<40x128xf32, #tpu.memory_space<hbm>>)
        %dma_wait3A_151 = arith.constant 0 : i32
        %dma_wait3A_152 = tpu.memref_slice %arg7[%add3A_146, %dma_wait3A_151] : memref<160000x128xf32, #tpu.memory_space<hbm>> -> memref<40x128xf32, #tpu.memory_space<hbm>>
        %dma_wait3A_153 = arith.constant 0 : i32
        %dma_wait3A_154 = tpu.memref_slice %arg7[%add3A_146, %dma_wait3A_153] : memref<160000x128xf32, #tpu.memory_space<hbm>> -> memref<40x128xf32, #tpu.memory_space<hbm>>
        tpu.wait_dma2 semaphore(%arg22 : memref<!tpu.dma_semaphore, #tpu.memory_space<semaphore_mem>>) src(%arg11 : memref<40x128xf32, #tpu.memory_space<vmem>>) dst(%dma_wait3A_154 : memref<40x128xf32, #tpu.memory_space<hbm>>)
      } else {
      }
      %dma_start3A_113 = arith.constant 0 : i32
      %dma_start3A_114 = arith.constant 0 : i32
      %dma_start3A_115 = tpu.memref_slice %arg4[%dma_start3A_113, %dma_start3A_114] : memref<10000x128xf32, #tpu.memory_space<hbm>> -> memref<10000x128xf32, #tpu.memory_space<hbm>>
      tpu.enqueue_indirect_dma source(%dma_start3A_115 : memref<10000x128xf32, #tpu.memory_space<hbm>>) target(%arg10 : memref<40x128xf32, #tpu.memory_space<vmem>>) offsets(%arg8 : memref<40xi32, #tpu.memory_space<vmem>>) semaphore(%arg17 : memref<!tpu.dma_semaphore, #tpu.memory_space<semaphore_mem>>)
      %dma_start3A_116 = arith.constant 0 : i32
      %dma_start3A_117 = arith.constant 0 : i32
      %dma_start3A_118 = tpu.memref_slice %arg5[%dma_start3A_116, %dma_start3A_117] : memref<10000x128xf32, #tpu.memory_space<hbm>> -> memref<10000x128xf32, #tpu.memory_space<hbm>>
      tpu.enqueue_indirect_dma source(%dma_start3A_118 : memref<10000x128xf32, #tpu.memory_space<hbm>>) target(%arg11 : memref<40x128xf32, #tpu.memory_space<vmem>>) offsets(%arg9 : memref<40xi32, #tpu.memory_space<vmem>>) semaphore(%arg18 : memref<!tpu.dma_semaphore, #tpu.memory_space<semaphore_mem>>)
      %dma_wait3A_119 = arith.constant 0 : i32
      %dma_wait3A_120 = arith.constant 0 : i32
      %dma_wait3A_121 = tpu.memref_slice %arg4[%dma_wait3A_119, %dma_wait3A_120] : memref<10000x128xf32, #tpu.memory_space<hbm>> -> memref<10000x128xf32, #tpu.memory_space<hbm>>
      tpu.wait_indirect_dma semaphore(%arg20 : memref<!tpu.dma_semaphore, #tpu.memory_space<semaphore_mem>>) src(%dma_wait3A_121 : memref<10000x128xf32, #tpu.memory_space<hbm>>) dst(%arg14 : memref<40x128xf32, #tpu.memory_space<vmem>>)
      %dma_wait3A_122 = arith.constant 0 : i32
      %dma_wait3A_123 = arith.constant 0 : i32
      %dma_wait3A_124 = tpu.memref_slice %arg5[%dma_wait3A_122, %dma_wait3A_123] : memref<10000x128xf32, #tpu.memory_space<hbm>> -> memref<10000x128xf32, #tpu.memory_space<hbm>>
      tpu.wait_indirect_dma semaphore(%arg21 : memref<!tpu.dma_semaphore, #tpu.memory_space<semaphore_mem>>) src(%dma_wait3A_124 : memref<10000x128xf32, #tpu.memory_space<hbm>>) dst(%arg15 : memref<40x128xf32, #tpu.memory_space<vmem>>)
      %mul3A_125 = arith.constant 40 : i32
      %mul3A_126 = arith.muli %add3A_107, %mul3A_125 : i32
      %add3A_127 = arith.addi %mul3A_2, %mul3A_126 : i32
      %dma_start3A_128 = arith.constant 0 : i32
      %dma_start3A_129 = tpu.memref_slice %arg6[%add3A_127, %dma_start3A_128] : memref<160000x128xf32, #tpu.memory_space<hbm>> -> memref<40x128xf32, #tpu.memory_space<hbm>>
      %dma_start3A_130 = arith.constant 0 : i32
      %dma_start3A_131 = tpu.memref_slice %arg6[%add3A_127, %dma_start3A_130] : memref<160000x128xf32, #tpu.memory_space<hbm>> -> memref<40x128xf32, #tpu.memory_space<hbm>>
      tpu.enqueue_dma source(%arg14 : memref<40x128xf32, #tpu.memory_space<vmem>>) target(%dma_start3A_131 : memref<40x128xf32, #tpu.memory_space<hbm>>) target_semaphore(%arg23 : memref<!tpu.dma_semaphore, #tpu.memory_space<semaphore_mem>>)
      %dma_start3A_132 = arith.constant 0 : i32
      %dma_start3A_133 = tpu.memref_slice %arg7[%add3A_127, %dma_start3A_132] : memref<160000x128xf32, #tpu.memory_space<hbm>> -> memref<40x128xf32, #tpu.memory_space<hbm>>
      %dma_start3A_134 = arith.constant 0 : i32
      %dma_start3A_135 = tpu.memref_slice %arg7[%add3A_127, %dma_start3A_134] : memref<160000x128xf32, #tpu.memory_space<hbm>> -> memref<40x128xf32, #tpu.memory_space<hbm>>
      tpu.enqueue_dma source(%arg15 : memref<40x128xf32, #tpu.memory_space<vmem>>) target(%dma_start3A_135 : memref<40x128xf32, #tpu.memory_space<hbm>>) target_semaphore(%arg23 : memref<!tpu.dma_semaphore, #tpu.memory_space<semaphore_mem>>)
      %add3A_136 = arith.constant 2 : i32
      %add3A_137 = arith.addi %add3A_107, %add3A_136 : i32
      %lt3A_138 = arith.constant 125 : i32
      %lt3A_139 = arith.cmpi slt, %add3A_137, %lt3A_138 : i32
      %convert_element_type3A_140 = arith.extui %lt3A_139 : i1 to i32
      %cond3A_141 = arith.constant 0 : i32
      %cond3A_142 = arith.cmpi ne, %convert_element_type3A_140, %cond3A_141 : i32
      scf.if %cond3A_142 {
        %add3A_143 = arith.constant 2 : i32
        %add3A_144 = arith.addi %add3A_107, %add3A_143 : i32
        %mul3A_145 = arith.constant 40 : i32
        %mul3A_146 = arith.muli %add3A_144, %mul3A_145 : i32
        %add3A_147 = arith.addi %mul3A_2, %mul3A_146 : i32
        %dma_start3A_148 = tpu.memref_slice %arg2[%add3A_147] : memref<160000xi32, #tpu.memory_space<hbm>> -> memref<40xi32, #tpu.memory_space<hbm>>
        %dma_start3A_149 = tpu.memref_slice %arg2[%add3A_147] : memref<160000xi32, #tpu.memory_space<hbm>> -> memref<40xi32, #tpu.memory_space<hbm>>
        tpu.enqueue_dma source(%dma_start3A_149 : memref<40xi32, #tpu.memory_space<hbm>>) target(%arg12 : memref<40xi32, #tpu.memory_space<vmem>>) target_semaphore(%arg19 : memref<!tpu.dma_semaphore, #tpu.memory_space<semaphore_mem>>)
        %dma_start3A_150 = tpu.memref_slice %arg3[%add3A_147] : memref<160000xi32, #tpu.memory_space<hbm>> -> memref<40xi32, #tpu.memory_space<hbm>>
        %dma_start3A_151 = tpu.memref_slice %arg3[%add3A_147] : memref<160000xi32, #tpu.memory_space<hbm>> -> memref<40xi32, #tpu.memory_space<hbm>>
        tpu.enqueue_dma source(%dma_start3A_151 : memref<40xi32, #tpu.memory_space<hbm>>) target(%arg13 : memref<40xi32, #tpu.memory_space<vmem>>) target_semaphore(%arg19 : memref<!tpu.dma_semaphore, #tpu.memory_space<semaphore_mem>>)
        %add3A_152 = arith.constant 2 : i32
        %add3A_153 = arith.addi %add3A_107, %add3A_152 : i32
        %mul3A_154 = arith.constant 40 : i32
        %mul3A_155 = arith.muli %add3A_153, %mul3A_154 : i32
        %add3A_156 = arith.addi %mul3A_2, %mul3A_155 : i32
        %dma_wait3A_157 = tpu.memref_slice %arg2[%add3A_156] : memref<160000xi32, #tpu.memory_space<hbm>> -> memref<40xi32, #tpu.memory_space<hbm>>
        %dma_wait3A_158 = tpu.memref_slice %arg2[%add3A_156] : memref<160000xi32, #tpu.memory_space<hbm>> -> memref<40xi32, #tpu.memory_space<hbm>>
        tpu.wait_dma2 semaphore(%arg19 : memref<!tpu.dma_semaphore, #tpu.memory_space<semaphore_mem>>) src(%dma_wait3A_158 : memref<40xi32, #tpu.memory_space<hbm>>) dst(%arg12 : memref<40xi32, #tpu.memory_space<vmem>>)
        %dma_wait3A_159 = tpu.memref_slice %arg3[%add3A_156] : memref<160000xi32, #tpu.memory_space<hbm>> -> memref<40xi32, #tpu.memory_space<hbm>>
        %dma_wait3A_160 = tpu.memref_slice %arg3[%add3A_156] : memref<160000xi32, #tpu.memory_space<hbm>> -> memref<40xi32, #tpu.memory_space<hbm>>
        tpu.wait_dma2 semaphore(%arg19 : memref<!tpu.dma_semaphore, #tpu.memory_space<semaphore_mem>>) src(%dma_wait3A_160 : memref<40xi32, #tpu.memory_space<hbm>>) dst(%arg13 : memref<40xi32, #tpu.memory_space<vmem>>)
      } else {
      }
    }
    %scan3A_35 = arith.constant 62 : i32
    %dma_wait3A_36 = arith.constant 0 : i32
    %dma_wait3A_37 = arith.constant 0 : i32
    %dma_wait3A_38 = tpu.memref_slice %arg4[%dma_wait3A_36, %dma_wait3A_37] : memref<10000x128xf32, #tpu.memory_space<hbm>> -> memref<10000x128xf32, #tpu.memory_space<hbm>>
    tpu.wait_indirect_dma semaphore(%arg17 : memref<!tpu.dma_semaphore, #tpu.memory_space<semaphore_mem>>) src(%dma_wait3A_38 : memref<10000x128xf32, #tpu.memory_space<hbm>>) dst(%arg10 : memref<40x128xf32, #tpu.memory_space<vmem>>)
    %dma_wait3A_39 = arith.constant 0 : i32
    %dma_wait3A_40 = arith.constant 0 : i32
    %dma_wait3A_41 = tpu.memref_slice %arg5[%dma_wait3A_39, %dma_wait3A_40] : memref<10000x128xf32, #tpu.memory_space<hbm>> -> memref<10000x128xf32, #tpu.memory_space<hbm>>
    tpu.wait_indirect_dma semaphore(%arg18 : memref<!tpu.dma_semaphore, #tpu.memory_space<semaphore_mem>>) src(%dma_wait3A_41 : memref<10000x128xf32, #tpu.memory_space<hbm>>) dst(%arg11 : memref<40x128xf32, #tpu.memory_space<vmem>>)
    %add3A_42 = arith.constant 4960 : i32
    %add3A_43 = arith.addi %mul3A_2, %add3A_42 : i32
    %dma_start3A_44 = arith.constant 0 : i32
    %dma_start3A_45 = tpu.memref_slice %arg6[%add3A_43, %dma_start3A_44] : memref<160000x128xf32, #tpu.memory_space<hbm>> -> memref<40x128xf32, #tpu.memory_space<hbm>>
    %dma_start3A_46 = arith.constant 0 : i32
    %dma_start3A_47 = tpu.memref_slice %arg6[%add3A_43, %dma_start3A_46] : memref<160000x128xf32, #tpu.memory_space<hbm>> -> memref<40x128xf32, #tpu.memory_space<hbm>>
    tpu.enqueue_dma source(%arg10 : memref<40x128xf32, #tpu.memory_space<vmem>>) target(%dma_start3A_47 : memref<40x128xf32, #tpu.memory_space<hbm>>) target_semaphore(%arg22 : memref<!tpu.dma_semaphore, #tpu.memory_space<semaphore_mem>>)
    %dma_start3A_48 = arith.constant 0 : i32
    %dma_start3A_49 = tpu.memref_slice %arg7[%add3A_43, %dma_start3A_48] : memref<160000x128xf32, #tpu.memory_space<hbm>> -> memref<40x128xf32, #tpu.memory_space<hbm>>
    %dma_start3A_50 = arith.constant 0 : i32
    %dma_start3A_51 = tpu.memref_slice %arg7[%add3A_43, %dma_start3A_50] : memref<160000x128xf32, #tpu.memory_space<hbm>> -> memref<40x128xf32, #tpu.memory_space<hbm>>
    tpu.enqueue_dma source(%arg11 : memref<40x128xf32, #tpu.memory_space<vmem>>) target(%dma_start3A_51 : memref<40x128xf32, #tpu.memory_space<hbm>>) target_semaphore(%arg22 : memref<!tpu.dma_semaphore, #tpu.memory_space<semaphore_mem>>)
    %add3A_52 = arith.constant 4920 : i32
    %add3A_53 = arith.addi %mul3A_2, %add3A_52 : i32
    %dma_wait3A_54 = arith.constant 0 : i32
    %dma_wait3A_55 = tpu.memref_slice %arg6[%add3A_53, %dma_wait3A_54] : memref<160000x128xf32, #tpu.memory_space<hbm>> -> memref<40x128xf32, #tpu.memory_space<hbm>>
    %dma_wait3A_56 = arith.constant 0 : i32
    %dma_wait3A_57 = tpu.memref_slice %arg6[%add3A_53, %dma_wait3A_56] : memref<160000x128xf32, #tpu.memory_space<hbm>> -> memref<40x128xf32, #tpu.memory_space<hbm>>
    tpu.wait_dma2 semaphore(%arg23 : memref<!tpu.dma_semaphore, #tpu.memory_space<semaphore_mem>>) src(%arg14 : memref<40x128xf32, #tpu.memory_space<vmem>>) dst(%dma_wait3A_57 : memref<40x128xf32, #tpu.memory_space<hbm>>)
    %dma_wait3A_58 = arith.constant 0 : i32
    %dma_wait3A_59 = tpu.memref_slice %arg7[%add3A_53, %dma_wait3A_58] : memref<160000x128xf32, #tpu.memory_space<hbm>> -> memref<40x128xf32, #tpu.memory_space<hbm>>
    %dma_wait3A_60 = arith.constant 0 : i32
    %dma_wait3A_61 = tpu.memref_slice %arg7[%add3A_53, %dma_wait3A_60] : memref<160000x128xf32, #tpu.memory_space<hbm>> -> memref<40x128xf32, #tpu.memory_space<hbm>>
    tpu.wait_dma2 semaphore(%arg23 : memref<!tpu.dma_semaphore, #tpu.memory_space<semaphore_mem>>) src(%arg15 : memref<40x128xf32, #tpu.memory_space<vmem>>) dst(%dma_wait3A_61 : memref<40x128xf32, #tpu.memory_space<hbm>>)
    %add3A_62 = arith.constant 4960 : i32
    %add3A_63 = arith.addi %mul3A_2, %add3A_62 : i32
    %dma_wait3A_64 = arith.constant 0 : i32
    %dma_wait3A_65 = tpu.memref_slice %arg6[%add3A_63, %dma_wait3A_64] : memref<160000x128xf32, #tpu.memory_space<hbm>> -> memref<40x128xf32, #tpu.memory_space<hbm>>
    %dma_wait3A_66 = arith.constant 0 : i32
    %dma_wait3A_67 = tpu.memref_slice %arg6[%add3A_63, %dma_wait3A_66] : memref<160000x128xf32, #tpu.memory_space<hbm>> -> memref<40x128xf32, #tpu.memory_space<hbm>>
    tpu.wait_dma2 semaphore(%arg22 : memref<!tpu.dma_semaphore, #tpu.memory_space<semaphore_mem>>) src(%arg10 : memref<40x128xf32, #tpu.memory_space<vmem>>) dst(%dma_wait3A_67 : memref<40x128xf32, #tpu.memory_space<hbm>>)
    %dma_wait3A_68 = arith.constant 0 : i32
    %dma_wait3A_69 = tpu.memref_slice %arg7[%add3A_63, %dma_wait3A_68] : memref<160000x128xf32, #tpu.memory_space<hbm>> -> memref<40x128xf32, #tpu.memory_space<hbm>>
    %dma_wait3A_70 = arith.constant 0 : i32
    %dma_wait3A_71 = tpu.memref_slice %arg7[%add3A_63, %dma_wait3A_70] : memref<160000x128xf32, #tpu.memory_space<hbm>> -> memref<40x128xf32, #tpu.memory_space<hbm>>
    tpu.wait_dma2 semaphore(%arg22 : memref<!tpu.dma_semaphore, #tpu.memory_space<semaphore_mem>>) src(%arg11 : memref<40x128xf32, #tpu.memory_space<vmem>>) dst(%dma_wait3A_71 : memref<40x128xf32, #tpu.memory_space<hbm>>)
    return
  }
}

#map = affine_map<(d0, d1) -> (0)>
#map1 = affine_map<(d0, d1) -> (0, 0, 0)>
#map2 = affine_map<(d0, d1) -> (0, 0)>
module attributes {stable_mosaic.version = 14 : i64} {
  func.func @body(%arg0: i32, %arg1: i32, %arg2: memref<160000xi32, #tpu.memory_space<hbm>>, %arg3: memref<2x160000x128xf32, #tpu.memory_space<hbm>>, %arg4: memref<640x128xf32, #tpu.memory_space<hbm>>, %arg5: memref<2x10240x128xf32, #tpu.memory_space<hbm>>, %arg6: memref<80xi32, #tpu.memory_space<vmem>>, %arg7: memref<80xi32, #tpu.memory_space<vmem>>, %arg8: memref<80xi32, #tpu.memory_space<vmem>>, %arg9: memref<80xi32, #tpu.memory_space<vmem>>, %arg10: memref<80x128xf32, #tpu.memory_space<vmem>>, %arg11: memref<80x128xf32, #tpu.memory_space<vmem>>, %arg12: memref<80x128xf32, #tpu.memory_space<vmem>>, %arg13: memref<80x128xf32, #tpu.memory_space<vmem>>, %arg14: memref<10240x128xf32, #tpu.memory_space<vmem_shared>>, %arg15: memref<!tpu.dma_semaphore, #tpu.memory_space<semaphore_mem>>, %arg16: memref<!tpu.dma_semaphore, #tpu.memory_space<semaphore_mem>>, %arg17: memref<!tpu.dma_semaphore, #tpu.memory_space<semaphore_mem>>, %arg18: memref<!tpu.dma_semaphore, #tpu.memory_space<semaphore_mem>>, %arg19: memref<!tpu.dma_semaphore, #tpu.memory_space<semaphore_mem>>, %arg20: memref<!tpu.dma_semaphore, #tpu.memory_space<semaphore_mem>>, %arg21: memref<!tpu.dma_semaphore, #tpu.memory_space<semaphore_mem>>, %arg22: memref<!tpu.dma_semaphore, #tpu.memory_space<semaphore_mem>>) attributes {dimension_semantics = [#tpu.dimension_semantics<core_parallel>, #tpu.dimension_semantics<subcore_parallel>], iteration_bounds = array<i64: 2, 16>, scalar_prefetch = 0 : i64, scratch_operands = 17 : i64, tpu.core_type = #tpu.core_type<sc_vector_subcore>, window_params = [{transform_indices = #map}, {transform_indices = #map1}, {transform_indices = #map2}, {transform_indices = #map1}]} {
    %mul3A = arith.constant 640 : i32
    %mul3A_0 = arith.muli %arg1, %mul3A : i32
    "tpu.region"() ({
      %run_scoped3A = tpu.sem_alloc : memref<!tpu.dma_semaphore, #tpu.memory_space<semaphore_mem>>
      %dma_start3A_66 = arith.constant 0 : i32
      %dma_start3A_67 = tpu.memref_slice %arg14[%mul3A_0, %dma_start3A_66] : memref<10240x128xf32, #tpu.memory_space<vmem_shared>> -> memref<640x128xf32, #tpu.memory_space<vmem_shared>>
      tpu.enqueue_dma source(%arg4 : memref<640x128xf32, #tpu.memory_space<hbm>>) target(%dma_start3A_67 : memref<640x128xf32, #tpu.memory_space<vmem_shared>>) target_semaphore(%run_scoped3A : memref<!tpu.dma_semaphore, #tpu.memory_space<semaphore_mem>>)
      %dma_wait3A_68 = arith.constant 0 : i32
      %dma_wait3A_69 = tpu.memref_slice %arg14[%mul3A_0, %dma_wait3A_68] : memref<10240x128xf32, #tpu.memory_space<vmem_shared>> -> memref<640x128xf32, #tpu.memory_space<vmem_shared>>
      tpu.wait_dma2 semaphore(%run_scoped3A : memref<!tpu.dma_semaphore, #tpu.memory_space<semaphore_mem>>) src(%arg4 : memref<640x128xf32, #tpu.memory_space<hbm>>) dst(%dma_wait3A_69 : memref<640x128xf32, #tpu.memory_space<vmem_shared>>)
      tpu.yield
    }) : () -> ()
    %barrier3A = arith.constant 0 : index
    tpu.barrier barrier_id(%barrier3A)
    %mul3A_1 = arith.constant 10000 : i32
    %mul3A_2 = arith.muli %arg1, %mul3A_1 : i32
    %add3A = arith.constant 0 : i32
    %add3A_3 = arith.addi %mul3A_2, %add3A : i32
    %dma_start3A = tpu.memref_slice %arg2[%add3A_3] : memref<160000xi32, #tpu.memory_space<hbm>> -> memref<80xi32, #tpu.memory_space<hbm>>
    %dma_start3A_4 = tpu.memref_slice %arg2[%add3A_3] : memref<160000xi32, #tpu.memory_space<hbm>> -> memref<80xi32, #tpu.memory_space<hbm>>
    tpu.enqueue_dma source(%dma_start3A_4 : memref<80xi32, #tpu.memory_space<hbm>>) target(%arg6 : memref<80xi32, #tpu.memory_space<vmem>>) target_semaphore(%arg15 : memref<!tpu.dma_semaphore, #tpu.memory_space<semaphore_mem>>)
    %dma_start3A_5 = arith.constant 0 : i32
    %dma_start3A_6 = tpu.memref_slice %arg3[%arg0, %add3A_3, %dma_start3A_5] : memref<2x160000x128xf32, #tpu.memory_space<hbm>> -> memref<1x80x128xf32, #tpu.memory_space<hbm>>
    %dma_start3A_7 = tpu.memref_squeeze %dma_start3A_6 : memref<1x80x128xf32, #tpu.memory_space<hbm>> -> memref<80x128xf32, #tpu.memory_space<hbm>>
    %dma_start3A_8 = arith.constant 0 : i32
    %dma_start3A_9 = tpu.memref_slice %arg3[%arg0, %add3A_3, %dma_start3A_8] : memref<2x160000x128xf32, #tpu.memory_space<hbm>> -> memref<1x80x128xf32, #tpu.memory_space<hbm>>
    %dma_start3A_10 = tpu.memref_squeeze %dma_start3A_9 : memref<1x80x128xf32, #tpu.memory_space<hbm>> -> memref<80x128xf32, #tpu.memory_space<hbm>>
    tpu.enqueue_dma source(%dma_start3A_10 : memref<80x128xf32, #tpu.memory_space<hbm>>) target(%arg10 : memref<80x128xf32, #tpu.memory_space<vmem>>) target_semaphore(%arg15 : memref<!tpu.dma_semaphore, #tpu.memory_space<semaphore_mem>>)
    %add3A_11 = arith.constant 80 : i32
    %add3A_12 = arith.addi %mul3A_2, %add3A_11 : i32
    %dma_start3A_13 = tpu.memref_slice %arg2[%add3A_12] : memref<160000xi32, #tpu.memory_space<hbm>> -> memref<80xi32, #tpu.memory_space<hbm>>
    %dma_start3A_14 = tpu.memref_slice %arg2[%add3A_12] : memref<160000xi32, #tpu.memory_space<hbm>> -> memref<80xi32, #tpu.memory_space<hbm>>
    tpu.enqueue_dma source(%dma_start3A_14 : memref<80xi32, #tpu.memory_space<hbm>>) target(%arg7 : memref<80xi32, #tpu.memory_space<vmem>>) target_semaphore(%arg16 : memref<!tpu.dma_semaphore, #tpu.memory_space<semaphore_mem>>)
    %dma_start3A_15 = arith.constant 0 : i32
    %dma_start3A_16 = tpu.memref_slice %arg3[%arg0, %add3A_12, %dma_start3A_15] : memref<2x160000x128xf32, #tpu.memory_space<hbm>> -> memref<1x80x128xf32, #tpu.memory_space<hbm>>
    %dma_start3A_17 = tpu.memref_squeeze %dma_start3A_16 : memref<1x80x128xf32, #tpu.memory_space<hbm>> -> memref<80x128xf32, #tpu.memory_space<hbm>>
    %dma_start3A_18 = arith.constant 0 : i32
    %dma_start3A_19 = tpu.memref_slice %arg3[%arg0, %add3A_12, %dma_start3A_18] : memref<2x160000x128xf32, #tpu.memory_space<hbm>> -> memref<1x80x128xf32, #tpu.memory_space<hbm>>
    %dma_start3A_20 = tpu.memref_squeeze %dma_start3A_19 : memref<1x80x128xf32, #tpu.memory_space<hbm>> -> memref<80x128xf32, #tpu.memory_space<hbm>>
    tpu.enqueue_dma source(%dma_start3A_20 : memref<80x128xf32, #tpu.memory_space<hbm>>) target(%arg11 : memref<80x128xf32, #tpu.memory_space<vmem>>) target_semaphore(%arg16 : memref<!tpu.dma_semaphore, #tpu.memory_space<semaphore_mem>>)
    %add3A_21 = arith.constant 160 : i32
    %add3A_22 = arith.addi %mul3A_2, %add3A_21 : i32
    %dma_start3A_23 = tpu.memref_slice %arg2[%add3A_22] : memref<160000xi32, #tpu.memory_space<hbm>> -> memref<80xi32, #tpu.memory_space<hbm>>
    %dma_start3A_24 = tpu.memref_slice %arg2[%add3A_22] : memref<160000xi32, #tpu.memory_space<hbm>> -> memref<80xi32, #tpu.memory_space<hbm>>
    tpu.enqueue_dma source(%dma_start3A_24 : memref<80xi32, #tpu.memory_space<hbm>>) target(%arg8 : memref<80xi32, #tpu.memory_space<vmem>>) target_semaphore(%arg17 : memref<!tpu.dma_semaphore, #tpu.memory_space<semaphore_mem>>)
    %dma_start3A_25 = arith.constant 0 : i32
    %dma_start3A_26 = tpu.memref_slice %arg3[%arg0, %add3A_22, %dma_start3A_25] : memref<2x160000x128xf32, #tpu.memory_space<hbm>> -> memref<1x80x128xf32, #tpu.memory_space<hbm>>
    %dma_start3A_27 = tpu.memref_squeeze %dma_start3A_26 : memref<1x80x128xf32, #tpu.memory_space<hbm>> -> memref<80x128xf32, #tpu.memory_space<hbm>>
    %dma_start3A_28 = arith.constant 0 : i32
    %dma_start3A_29 = tpu.memref_slice %arg3[%arg0, %add3A_22, %dma_start3A_28] : memref<2x160000x128xf32, #tpu.memory_space<hbm>> -> memref<1x80x128xf32, #tpu.memory_space<hbm>>
    %dma_start3A_30 = tpu.memref_squeeze %dma_start3A_29 : memref<1x80x128xf32, #tpu.memory_space<hbm>> -> memref<80x128xf32, #tpu.memory_space<hbm>>
    tpu.enqueue_dma source(%dma_start3A_30 : memref<80x128xf32, #tpu.memory_space<hbm>>) target(%arg12 : memref<80x128xf32, #tpu.memory_space<vmem>>) target_semaphore(%arg17 : memref<!tpu.dma_semaphore, #tpu.memory_space<semaphore_mem>>)
    %add3A_31 = arith.constant 240 : i32
    %add3A_32 = arith.addi %mul3A_2, %add3A_31 : i32
    %dma_start3A_33 = tpu.memref_slice %arg2[%add3A_32] : memref<160000xi32, #tpu.memory_space<hbm>> -> memref<80xi32, #tpu.memory_space<hbm>>
    %dma_start3A_34 = tpu.memref_slice %arg2[%add3A_32] : memref<160000xi32, #tpu.memory_space<hbm>> -> memref<80xi32, #tpu.memory_space<hbm>>
    tpu.enqueue_dma source(%dma_start3A_34 : memref<80xi32, #tpu.memory_space<hbm>>) target(%arg9 : memref<80xi32, #tpu.memory_space<vmem>>) target_semaphore(%arg18 : memref<!tpu.dma_semaphore, #tpu.memory_space<semaphore_mem>>)
    %dma_start3A_35 = arith.constant 0 : i32
    %dma_start3A_36 = tpu.memref_slice %arg3[%arg0, %add3A_32, %dma_start3A_35] : memref<2x160000x128xf32, #tpu.memory_space<hbm>> -> memref<1x80x128xf32, #tpu.memory_space<hbm>>
    %dma_start3A_37 = tpu.memref_squeeze %dma_start3A_36 : memref<1x80x128xf32, #tpu.memory_space<hbm>> -> memref<80x128xf32, #tpu.memory_space<hbm>>
    %dma_start3A_38 = arith.constant 0 : i32
    %dma_start3A_39 = tpu.memref_slice %arg3[%arg0, %add3A_32, %dma_start3A_38] : memref<2x160000x128xf32, #tpu.memory_space<hbm>> -> memref<1x80x128xf32, #tpu.memory_space<hbm>>
    %dma_start3A_40 = tpu.memref_squeeze %dma_start3A_39 : memref<1x80x128xf32, #tpu.memory_space<hbm>> -> memref<80x128xf32, #tpu.memory_space<hbm>>
    tpu.enqueue_dma source(%dma_start3A_40 : memref<80x128xf32, #tpu.memory_space<hbm>>) target(%arg13 : memref<80x128xf32, #tpu.memory_space<vmem>>) target_semaphore(%arg18 : memref<!tpu.dma_semaphore, #tpu.memory_space<semaphore_mem>>)
    %scan3A = arith.constant 0 : i32
    %scan3A_41 = arith.constant 0 : i32
    %scan3A_42 = arith.constant 31 : i32
    %scan3A_43 = arith.addi %scan3A_41, %scan3A_42 : i32
    %scan3A_44 = arith.constant 1 : i32
    scf.for %scan3A_66 = %scan3A_41 to %scan3A_43 step %scan3A_44  : i32 {
      %mul3A_67 = arith.constant 4 : i32
      %mul3A_68 = arith.muli %mul3A_67, %scan3A_66 : i32
      %add3A_69 = arith.constant 0 : i32
      %add3A_70 = arith.addi %mul3A_68, %add3A_69 : i32
      %mul3A_71 = arith.constant 80 : i32
      %mul3A_72 = arith.muli %add3A_70, %mul3A_71 : i32
      %add3A_73 = arith.addi %mul3A_2, %mul3A_72 : i32
      %dma_wait3A_74 = tpu.memref_slice %arg2[%add3A_73] : memref<160000xi32, #tpu.memory_space<hbm>> -> memref<80xi32, #tpu.memory_space<hbm>>
      %dma_wait3A_75 = tpu.memref_slice %arg2[%add3A_73] : memref<160000xi32, #tpu.memory_space<hbm>> -> memref<80xi32, #tpu.memory_space<hbm>>
      tpu.wait_dma2 semaphore(%arg15 : memref<!tpu.dma_semaphore, #tpu.memory_space<semaphore_mem>>) src(%dma_wait3A_75 : memref<80xi32, #tpu.memory_space<hbm>>) dst(%arg6 : memref<80xi32, #tpu.memory_space<vmem>>)
      %dma_wait3A_76 = arith.constant 0 : i32
      %dma_wait3A_77 = tpu.memref_slice %arg3[%arg0, %add3A_73, %dma_wait3A_76] : memref<2x160000x128xf32, #tpu.memory_space<hbm>> -> memref<1x80x128xf32, #tpu.memory_space<hbm>>
      %dma_wait3A_78 = tpu.memref_squeeze %dma_wait3A_77 : memref<1x80x128xf32, #tpu.memory_space<hbm>> -> memref<80x128xf32, #tpu.memory_space<hbm>>
      %dma_wait3A_79 = arith.constant 0 : i32
      %dma_wait3A_80 = tpu.memref_slice %arg3[%arg0, %add3A_73, %dma_wait3A_79] : memref<2x160000x128xf32, #tpu.memory_space<hbm>> -> memref<1x80x128xf32, #tpu.memory_space<hbm>>
      %dma_wait3A_81 = tpu.memref_squeeze %dma_wait3A_80 : memref<1x80x128xf32, #tpu.memory_space<hbm>> -> memref<80x128xf32, #tpu.memory_space<hbm>>
      tpu.wait_dma2 semaphore(%arg15 : memref<!tpu.dma_semaphore, #tpu.memory_space<semaphore_mem>>) src(%dma_wait3A_81 : memref<80x128xf32, #tpu.memory_space<hbm>>) dst(%arg10 : memref<80x128xf32, #tpu.memory_space<vmem>>)
      %dma_start3A_82 = arith.constant 0 : i32
      %dma_start3A_83 = arith.constant 0 : i32
      %dma_start3A_84 = tpu.memref_slice %arg14[%dma_start3A_82, %dma_start3A_83] : memref<10240x128xf32, #tpu.memory_space<vmem_shared>> -> memref<10240x128xf32, #tpu.memory_space<vmem_shared>>
      tpu.enqueue_indirect_dma source(%arg10 : memref<80x128xf32, #tpu.memory_space<vmem>>) target(%dma_start3A_84 : memref<10240x128xf32, #tpu.memory_space<vmem_shared>>) offsets(%arg6 : memref<80xi32, #tpu.memory_space<vmem>>) semaphore(%arg19 : memref<!tpu.dma_semaphore, #tpu.memory_space<semaphore_mem>>) {add = true}
      %add3A_85 = arith.constant 1 : i32
      %add3A_86 = arith.addi %mul3A_68, %add3A_85 : i32
      %mul3A_87 = arith.constant 80 : i32
      %mul3A_88 = arith.muli %add3A_86, %mul3A_87 : i32
      %add3A_89 = arith.addi %mul3A_2, %mul3A_88 : i32
      %dma_wait3A_90 = tpu.memref_slice %arg2[%add3A_89] : memref<160000xi32, #tpu.memory_space<hbm>> -> memref<80xi32, #tpu.memory_space<hbm>>
      %dma_wait3A_91 = tpu.memref_slice %arg2[%add3A_89] : memref<160000xi32, #tpu.memory_space<hbm>> -> memref<80xi32, #tpu.memory_space<hbm>>
      tpu.wait_dma2 semaphore(%arg16 : memref<!tpu.dma_semaphore, #tpu.memory_space<semaphore_mem>>) src(%dma_wait3A_91 : memref<80xi32, #tpu.memory_space<hbm>>) dst(%arg7 : memref<80xi32, #tpu.memory_space<vmem>>)
      %dma_wait3A_92 = arith.constant 0 : i32
      %dma_wait3A_93 = tpu.memref_slice %arg3[%arg0, %add3A_89, %dma_wait3A_92] : memref<2x160000x128xf32, #tpu.memory_space<hbm>> -> memref<1x80x128xf32, #tpu.memory_space<hbm>>
      %dma_wait3A_94 = tpu.memref_squeeze %dma_wait3A_93 : memref<1x80x128xf32, #tpu.memory_space<hbm>> -> memref<80x128xf32, #tpu.memory_space<hbm>>
      %dma_wait3A_95 = arith.constant 0 : i32
      %dma_wait3A_96 = tpu.memref_slice %arg3[%arg0, %add3A_89, %dma_wait3A_95] : memref<2x160000x128xf32, #tpu.memory_space<hbm>> -> memref<1x80x128xf32, #tpu.memory_space<hbm>>
      %dma_wait3A_97 = tpu.memref_squeeze %dma_wait3A_96 : memref<1x80x128xf32, #tpu.memory_space<hbm>> -> memref<80x128xf32, #tpu.memory_space<hbm>>
      tpu.wait_dma2 semaphore(%arg16 : memref<!tpu.dma_semaphore, #tpu.memory_space<semaphore_mem>>) src(%dma_wait3A_97 : memref<80x128xf32, #tpu.memory_space<hbm>>) dst(%arg11 : memref<80x128xf32, #tpu.memory_space<vmem>>)
      %dma_start3A_98 = arith.constant 0 : i32
      %dma_start3A_99 = arith.constant 0 : i32
      %dma_start3A_100 = tpu.memref_slice %arg14[%dma_start3A_98, %dma_start3A_99] : memref<10240x128xf32, #tpu.memory_space<vmem_shared>> -> memref<10240x128xf32, #tpu.memory_space<vmem_shared>>
      tpu.enqueue_indirect_dma source(%arg11 : memref<80x128xf32, #tpu.memory_space<vmem>>) target(%dma_start3A_100 : memref<10240x128xf32, #tpu.memory_space<vmem_shared>>) offsets(%arg7 : memref<80xi32, #tpu.memory_space<vmem>>) semaphore(%arg20 : memref<!tpu.dma_semaphore, #tpu.memory_space<semaphore_mem>>) {add = true}
      %add3A_101 = arith.constant 2 : i32
      %add3A_102 = arith.addi %mul3A_68, %add3A_101 : i32
      %mul3A_103 = arith.constant 80 : i32
      %mul3A_104 = arith.muli %add3A_102, %mul3A_103 : i32
      %add3A_105 = arith.addi %mul3A_2, %mul3A_104 : i32
      %dma_wait3A_106 = tpu.memref_slice %arg2[%add3A_105] : memref<160000xi32, #tpu.memory_space<hbm>> -> memref<80xi32, #tpu.memory_space<hbm>>
      %dma_wait3A_107 = tpu.memref_slice %arg2[%add3A_105] : memref<160000xi32, #tpu.memory_space<hbm>> -> memref<80xi32, #tpu.memory_space<hbm>>
      tpu.wait_dma2 semaphore(%arg17 : memref<!tpu.dma_semaphore, #tpu.memory_space<semaphore_mem>>) src(%dma_wait3A_107 : memref<80xi32, #tpu.memory_space<hbm>>) dst(%arg8 : memref<80xi32, #tpu.memory_space<vmem>>)
      %dma_wait3A_108 = arith.constant 0 : i32
      %dma_wait3A_109 = tpu.memref_slice %arg3[%arg0, %add3A_105, %dma_wait3A_108] : memref<2x160000x128xf32, #tpu.memory_space<hbm>> -> memref<1x80x128xf32, #tpu.memory_space<hbm>>
      %dma_wait3A_110 = tpu.memref_squeeze %dma_wait3A_109 : memref<1x80x128xf32, #tpu.memory_space<hbm>> -> memref<80x128xf32, #tpu.memory_space<hbm>>
      %dma_wait3A_111 = arith.constant 0 : i32
      %dma_wait3A_112 = tpu.memref_slice %arg3[%arg0, %add3A_105, %dma_wait3A_111] : memref<2x160000x128xf32, #tpu.memory_space<hbm>> -> memref<1x80x128xf32, #tpu.memory_space<hbm>>
      %dma_wait3A_113 = tpu.memref_squeeze %dma_wait3A_112 : memref<1x80x128xf32, #tpu.memory_space<hbm>> -> memref<80x128xf32, #tpu.memory_space<hbm>>
      tpu.wait_dma2 semaphore(%arg17 : memref<!tpu.dma_semaphore, #tpu.memory_space<semaphore_mem>>) src(%dma_wait3A_113 : memref<80x128xf32, #tpu.memory_space<hbm>>) dst(%arg12 : memref<80x128xf32, #tpu.memory_space<vmem>>)
      %dma_start3A_114 = arith.constant 0 : i32
      %dma_start3A_115 = arith.constant 0 : i32
      %dma_start3A_116 = tpu.memref_slice %arg14[%dma_start3A_114, %dma_start3A_115] : memref<10240x128xf32, #tpu.memory_space<vmem_shared>> -> memref<10240x128xf32, #tpu.memory_space<vmem_shared>>
      tpu.enqueue_indirect_dma source(%arg12 : memref<80x128xf32, #tpu.memory_space<vmem>>) target(%dma_start3A_116 : memref<10240x128xf32, #tpu.memory_space<vmem_shared>>) offsets(%arg8 : memref<80xi32, #tpu.memory_space<vmem>>) semaphore(%arg21 : memref<!tpu.dma_semaphore, #tpu.memory_space<semaphore_mem>>) {add = true}
      %add3A_117 = arith.constant 3 : i32
      %add3A_118 = arith.addi %mul3A_68, %add3A_117 : i32
      %mul3A_119 = arith.constant 80 : i32
      %mul3A_120 = arith.muli %add3A_118, %mul3A_119 : i32
      %add3A_121 = arith.addi %mul3A_2, %mul3A_120 : i32
      %dma_wait3A_122 = tpu.memref_slice %arg2[%add3A_121] : memref<160000xi32, #tpu.memory_space<hbm>> -> memref<80xi32, #tpu.memory_space<hbm>>
      %dma_wait3A_123 = tpu.memref_slice %arg2[%add3A_121] : memref<160000xi32, #tpu.memory_space<hbm>> -> memref<80xi32, #tpu.memory_space<hbm>>
      tpu.wait_dma2 semaphore(%arg18 : memref<!tpu.dma_semaphore, #tpu.memory_space<semaphore_mem>>) src(%dma_wait3A_123 : memref<80xi32, #tpu.memory_space<hbm>>) dst(%arg9 : memref<80xi32, #tpu.memory_space<vmem>>)
      %dma_wait3A_124 = arith.constant 0 : i32
      %dma_wait3A_125 = tpu.memref_slice %arg3[%arg0, %add3A_121, %dma_wait3A_124] : memref<2x160000x128xf32, #tpu.memory_space<hbm>> -> memref<1x80x128xf32, #tpu.memory_space<hbm>>
      %dma_wait3A_126 = tpu.memref_squeeze %dma_wait3A_125 : memref<1x80x128xf32, #tpu.memory_space<hbm>> -> memref<80x128xf32, #tpu.memory_space<hbm>>
      %dma_wait3A_127 = arith.constant 0 : i32
      %dma_wait3A_128 = tpu.memref_slice %arg3[%arg0, %add3A_121, %dma_wait3A_127] : memref<2x160000x128xf32, #tpu.memory_space<hbm>> -> memref<1x80x128xf32, #tpu.memory_space<hbm>>
      %dma_wait3A_129 = tpu.memref_squeeze %dma_wait3A_128 : memref<1x80x128xf32, #tpu.memory_space<hbm>> -> memref<80x128xf32, #tpu.memory_space<hbm>>
      tpu.wait_dma2 semaphore(%arg18 : memref<!tpu.dma_semaphore, #tpu.memory_space<semaphore_mem>>) src(%dma_wait3A_129 : memref<80x128xf32, #tpu.memory_space<hbm>>) dst(%arg13 : memref<80x128xf32, #tpu.memory_space<vmem>>)
      %dma_start3A_130 = arith.constant 0 : i32
      %dma_start3A_131 = arith.constant 0 : i32
      %dma_start3A_132 = tpu.memref_slice %arg14[%dma_start3A_130, %dma_start3A_131] : memref<10240x128xf32, #tpu.memory_space<vmem_shared>> -> memref<10240x128xf32, #tpu.memory_space<vmem_shared>>
      tpu.enqueue_indirect_dma source(%arg13 : memref<80x128xf32, #tpu.memory_space<vmem>>) target(%dma_start3A_132 : memref<10240x128xf32, #tpu.memory_space<vmem_shared>>) offsets(%arg9 : memref<80xi32, #tpu.memory_space<vmem>>) semaphore(%arg22 : memref<!tpu.dma_semaphore, #tpu.memory_space<semaphore_mem>>) {add = true}
      %dma_wait3A_133 = arith.constant 0 : i32
      %dma_wait3A_134 = arith.constant 0 : i32
      %dma_wait3A_135 = tpu.memref_slice %arg14[%dma_wait3A_133, %dma_wait3A_134] : memref<10240x128xf32, #tpu.memory_space<vmem_shared>> -> memref<10240x128xf32, #tpu.memory_space<vmem_shared>>
      tpu.wait_indirect_dma semaphore(%arg19 : memref<!tpu.dma_semaphore, #tpu.memory_space<semaphore_mem>>) src(%arg10 : memref<80x128xf32, #tpu.memory_space<vmem>>) dst(%dma_wait3A_135 : memref<10240x128xf32, #tpu.memory_space<vmem_shared>>)
      %add3A_136 = arith.constant 0 : i32
      %add3A_137 = arith.addi %mul3A_68, %add3A_136 : i32
      %add3A_138 = arith.constant 4 : i32
      %add3A_139 = arith.addi %add3A_137, %add3A_138 : i32
      %lt3A = arith.constant 125 : i32
      %lt3A_140 = arith.cmpi slt, %add3A_139, %lt3A : i32
      %convert_element_type3A = arith.extui %lt3A_140 : i1 to i32
      %cond3A = arith.constant 0 : i32
      %cond3A_141 = arith.cmpi ne, %convert_element_type3A, %cond3A : i32
      scf.if %cond3A_141 {
        %add3A_178 = arith.constant 0 : i32
        %add3A_179 = arith.addi %mul3A_68, %add3A_178 : i32
        %add3A_180 = arith.constant 4 : i32
        %add3A_181 = arith.addi %add3A_179, %add3A_180 : i32
        %mul3A_182 = arith.constant 80 : i32
        %mul3A_183 = arith.muli %add3A_181, %mul3A_182 : i32
        %add3A_184 = arith.addi %mul3A_2, %mul3A_183 : i32
        %dma_start3A_185 = tpu.memref_slice %arg2[%add3A_184] : memref<160000xi32, #tpu.memory_space<hbm>> -> memref<80xi32, #tpu.memory_space<hbm>>
        %dma_start3A_186 = tpu.memref_slice %arg2[%add3A_184] : memref<160000xi32, #tpu.memory_space<hbm>> -> memref<80xi32, #tpu.memory_space<hbm>>
        tpu.enqueue_dma source(%dma_start3A_186 : memref<80xi32, #tpu.memory_space<hbm>>) target(%arg6 : memref<80xi32, #tpu.memory_space<vmem>>) target_semaphore(%arg15 : memref<!tpu.dma_semaphore, #tpu.memory_space<semaphore_mem>>)
        %dma_start3A_187 = arith.constant 0 : i32
        %dma_start3A_188 = tpu.memref_slice %arg3[%arg0, %add3A_184, %dma_start3A_187] : memref<2x160000x128xf32, #tpu.memory_space<hbm>> -> memref<1x80x128xf32, #tpu.memory_space<hbm>>
        %dma_start3A_189 = tpu.memref_squeeze %dma_start3A_188 : memref<1x80x128xf32, #tpu.memory_space<hbm>> -> memref<80x128xf32, #tpu.memory_space<hbm>>
        %dma_start3A_190 = arith.constant 0 : i32
        %dma_start3A_191 = tpu.memref_slice %arg3[%arg0, %add3A_184, %dma_start3A_190] : memref<2x160000x128xf32, #tpu.memory_space<hbm>> -> memref<1x80x128xf32, #tpu.memory_space<hbm>>
        %dma_start3A_192 = tpu.memref_squeeze %dma_start3A_191 : memref<1x80x128xf32, #tpu.memory_space<hbm>> -> memref<80x128xf32, #tpu.memory_space<hbm>>
        tpu.enqueue_dma source(%dma_start3A_192 : memref<80x128xf32, #tpu.memory_space<hbm>>) target(%arg10 : memref<80x128xf32, #tpu.memory_space<vmem>>) target_semaphore(%arg15 : memref<!tpu.dma_semaphore, #tpu.memory_space<semaphore_mem>>)
      } else {
      }
      %dma_wait3A_142 = arith.constant 0 : i32
      %dma_wait3A_143 = arith.constant 0 : i32
      %dma_wait3A_144 = tpu.memref_slice %arg14[%dma_wait3A_142, %dma_wait3A_143] : memref<10240x128xf32, #tpu.memory_space<vmem_shared>> -> memref<10240x128xf32, #tpu.memory_space<vmem_shared>>
      tpu.wait_indirect_dma semaphore(%arg20 : memref<!tpu.dma_semaphore, #tpu.memory_space<semaphore_mem>>) src(%arg11 : memref<80x128xf32, #tpu.memory_space<vmem>>) dst(%dma_wait3A_144 : memref<10240x128xf32, #tpu.memory_space<vmem_shared>>)
      %add3A_145 = arith.constant 1 : i32
      %add3A_146 = arith.addi %mul3A_68, %add3A_145 : i32
      %add3A_147 = arith.constant 4 : i32
      %add3A_148 = arith.addi %add3A_146, %add3A_147 : i32
      %lt3A_149 = arith.constant 125 : i32
      %lt3A_150 = arith.cmpi slt, %add3A_148, %lt3A_149 : i32
      %convert_element_type3A_151 = arith.extui %lt3A_150 : i1 to i32
      %cond3A_152 = arith.constant 0 : i32
      %cond3A_153 = arith.cmpi ne, %convert_element_type3A_151, %cond3A_152 : i32
      scf.if %cond3A_153 {
        %add3A_178 = arith.constant 1 : i32
        %add3A_179 = arith.addi %mul3A_68, %add3A_178 : i32
        %add3A_180 = arith.constant 4 : i32
        %add3A_181 = arith.addi %add3A_179, %add3A_180 : i32
        %mul3A_182 = arith.constant 80 : i32
        %mul3A_183 = arith.muli %add3A_181, %mul3A_182 : i32
        %add3A_184 = arith.addi %mul3A_2, %mul3A_183 : i32
        %dma_start3A_185 = tpu.memref_slice %arg2[%add3A_184] : memref<160000xi32, #tpu.memory_space<hbm>> -> memref<80xi32, #tpu.memory_space<hbm>>
        %dma_start3A_186 = tpu.memref_slice %arg2[%add3A_184] : memref<160000xi32, #tpu.memory_space<hbm>> -> memref<80xi32, #tpu.memory_space<hbm>>
        tpu.enqueue_dma source(%dma_start3A_186 : memref<80xi32, #tpu.memory_space<hbm>>) target(%arg7 : memref<80xi32, #tpu.memory_space<vmem>>) target_semaphore(%arg16 : memref<!tpu.dma_semaphore, #tpu.memory_space<semaphore_mem>>)
        %dma_start3A_187 = arith.constant 0 : i32
        %dma_start3A_188 = tpu.memref_slice %arg3[%arg0, %add3A_184, %dma_start3A_187] : memref<2x160000x128xf32, #tpu.memory_space<hbm>> -> memref<1x80x128xf32, #tpu.memory_space<hbm>>
        %dma_start3A_189 = tpu.memref_squeeze %dma_start3A_188 : memref<1x80x128xf32, #tpu.memory_space<hbm>> -> memref<80x128xf32, #tpu.memory_space<hbm>>
        %dma_start3A_190 = arith.constant 0 : i32
        %dma_start3A_191 = tpu.memref_slice %arg3[%arg0, %add3A_184, %dma_start3A_190] : memref<2x160000x128xf32, #tpu.memory_space<hbm>> -> memref<1x80x128xf32, #tpu.memory_space<hbm>>
        %dma_start3A_192 = tpu.memref_squeeze %dma_start3A_191 : memref<1x80x128xf32, #tpu.memory_space<hbm>> -> memref<80x128xf32, #tpu.memory_space<hbm>>
        tpu.enqueue_dma source(%dma_start3A_192 : memref<80x128xf32, #tpu.memory_space<hbm>>) target(%arg11 : memref<80x128xf32, #tpu.memory_space<vmem>>) target_semaphore(%arg16 : memref<!tpu.dma_semaphore, #tpu.memory_space<semaphore_mem>>)
      } else {
      }
      %dma_wait3A_154 = arith.constant 0 : i32
      %dma_wait3A_155 = arith.constant 0 : i32
      %dma_wait3A_156 = tpu.memref_slice %arg14[%dma_wait3A_154, %dma_wait3A_155] : memref<10240x128xf32, #tpu.memory_space<vmem_shared>> -> memref<10240x128xf32, #tpu.memory_space<vmem_shared>>
      tpu.wait_indirect_dma semaphore(%arg21 : memref<!tpu.dma_semaphore, #tpu.memory_space<semaphore_mem>>) src(%arg12 : memref<80x128xf32, #tpu.memory_space<vmem>>) dst(%dma_wait3A_156 : memref<10240x128xf32, #tpu.memory_space<vmem_shared>>)
      %add3A_157 = arith.constant 2 : i32
      %add3A_158 = arith.addi %mul3A_68, %add3A_157 : i32
      %add3A_159 = arith.constant 4 : i32
      %add3A_160 = arith.addi %add3A_158, %add3A_159 : i32
      %lt3A_161 = arith.constant 125 : i32
      %lt3A_162 = arith.cmpi slt, %add3A_160, %lt3A_161 : i32
      %convert_element_type3A_163 = arith.extui %lt3A_162 : i1 to i32
      %cond3A_164 = arith.constant 0 : i32
      %cond3A_165 = arith.cmpi ne, %convert_element_type3A_163, %cond3A_164 : i32
      scf.if %cond3A_165 {
        %add3A_178 = arith.constant 2 : i32
        %add3A_179 = arith.addi %mul3A_68, %add3A_178 : i32
        %add3A_180 = arith.constant 4 : i32
        %add3A_181 = arith.addi %add3A_179, %add3A_180 : i32
        %mul3A_182 = arith.constant 80 : i32
        %mul3A_183 = arith.muli %add3A_181, %mul3A_182 : i32
        %add3A_184 = arith.addi %mul3A_2, %mul3A_183 : i32
        %dma_start3A_185 = tpu.memref_slice %arg2[%add3A_184] : memref<160000xi32, #tpu.memory_space<hbm>> -> memref<80xi32, #tpu.memory_space<hbm>>
        %dma_start3A_186 = tpu.memref_slice %arg2[%add3A_184] : memref<160000xi32, #tpu.memory_space<hbm>> -> memref<80xi32, #tpu.memory_space<hbm>>
        tpu.enqueue_dma source(%dma_start3A_186 : memref<80xi32, #tpu.memory_space<hbm>>) target(%arg8 : memref<80xi32, #tpu.memory_space<vmem>>) target_semaphore(%arg17 : memref<!tpu.dma_semaphore, #tpu.memory_space<semaphore_mem>>)
        %dma_start3A_187 = arith.constant 0 : i32
        %dma_start3A_188 = tpu.memref_slice %arg3[%arg0, %add3A_184, %dma_start3A_187] : memref<2x160000x128xf32, #tpu.memory_space<hbm>> -> memref<1x80x128xf32, #tpu.memory_space<hbm>>
        %dma_start3A_189 = tpu.memref_squeeze %dma_start3A_188 : memref<1x80x128xf32, #tpu.memory_space<hbm>> -> memref<80x128xf32, #tpu.memory_space<hbm>>
        %dma_start3A_190 = arith.constant 0 : i32
        %dma_start3A_191 = tpu.memref_slice %arg3[%arg0, %add3A_184, %dma_start3A_190] : memref<2x160000x128xf32, #tpu.memory_space<hbm>> -> memref<1x80x128xf32, #tpu.memory_space<hbm>>
        %dma_start3A_192 = tpu.memref_squeeze %dma_start3A_191 : memref<1x80x128xf32, #tpu.memory_space<hbm>> -> memref<80x128xf32, #tpu.memory_space<hbm>>
        tpu.enqueue_dma source(%dma_start3A_192 : memref<80x128xf32, #tpu.memory_space<hbm>>) target(%arg12 : memref<80x128xf32, #tpu.memory_space<vmem>>) target_semaphore(%arg17 : memref<!tpu.dma_semaphore, #tpu.memory_space<semaphore_mem>>)
      } else {
      }
      %dma_wait3A_166 = arith.constant 0 : i32
      %dma_wait3A_167 = arith.constant 0 : i32
      %dma_wait3A_168 = tpu.memref_slice %arg14[%dma_wait3A_166, %dma_wait3A_167] : memref<10240x128xf32, #tpu.memory_space<vmem_shared>> -> memref<10240x128xf32, #tpu.memory_space<vmem_shared>>
      tpu.wait_indirect_dma semaphore(%arg22 : memref<!tpu.dma_semaphore, #tpu.memory_space<semaphore_mem>>) src(%arg13 : memref<80x128xf32, #tpu.memory_space<vmem>>) dst(%dma_wait3A_168 : memref<10240x128xf32, #tpu.memory_space<vmem_shared>>)
      %add3A_169 = arith.constant 3 : i32
      %add3A_170 = arith.addi %mul3A_68, %add3A_169 : i32
      %add3A_171 = arith.constant 4 : i32
      %add3A_172 = arith.addi %add3A_170, %add3A_171 : i32
      %lt3A_173 = arith.constant 125 : i32
      %lt3A_174 = arith.cmpi slt, %add3A_172, %lt3A_173 : i32
      %convert_element_type3A_175 = arith.extui %lt3A_174 : i1 to i32
      %cond3A_176 = arith.constant 0 : i32
      %cond3A_177 = arith.cmpi ne, %convert_element_type3A_175, %cond3A_176 : i32
      scf.if %cond3A_177 {
        %add3A_178 = arith.constant 3 : i32
        %add3A_179 = arith.addi %mul3A_68, %add3A_178 : i32
        %add3A_180 = arith.constant 4 : i32
        %add3A_181 = arith.addi %add3A_179, %add3A_180 : i32
        %mul3A_182 = arith.constant 80 : i32
        %mul3A_183 = arith.muli %add3A_181, %mul3A_182 : i32
        %add3A_184 = arith.addi %mul3A_2, %mul3A_183 : i32
        %dma_start3A_185 = tpu.memref_slice %arg2[%add3A_184] : memref<160000xi32, #tpu.memory_space<hbm>> -> memref<80xi32, #tpu.memory_space<hbm>>
        %dma_start3A_186 = tpu.memref_slice %arg2[%add3A_184] : memref<160000xi32, #tpu.memory_space<hbm>> -> memref<80xi32, #tpu.memory_space<hbm>>
        tpu.enqueue_dma source(%dma_start3A_186 : memref<80xi32, #tpu.memory_space<hbm>>) target(%arg9 : memref<80xi32, #tpu.memory_space<vmem>>) target_semaphore(%arg18 : memref<!tpu.dma_semaphore, #tpu.memory_space<semaphore_mem>>)
        %dma_start3A_187 = arith.constant 0 : i32
        %dma_start3A_188 = tpu.memref_slice %arg3[%arg0, %add3A_184, %dma_start3A_187] : memref<2x160000x128xf32, #tpu.memory_space<hbm>> -> memref<1x80x128xf32, #tpu.memory_space<hbm>>
        %dma_start3A_189 = tpu.memref_squeeze %dma_start3A_188 : memref<1x80x128xf32, #tpu.memory_space<hbm>> -> memref<80x128xf32, #tpu.memory_space<hbm>>
        %dma_start3A_190 = arith.constant 0 : i32
        %dma_start3A_191 = tpu.memref_slice %arg3[%arg0, %add3A_184, %dma_start3A_190] : memref<2x160000x128xf32, #tpu.memory_space<hbm>> -> memref<1x80x128xf32, #tpu.memory_space<hbm>>
        %dma_start3A_192 = tpu.memref_squeeze %dma_start3A_191 : memref<1x80x128xf32, #tpu.memory_space<hbm>> -> memref<80x128xf32, #tpu.memory_space<hbm>>
        tpu.enqueue_dma source(%dma_start3A_192 : memref<80x128xf32, #tpu.memory_space<hbm>>) target(%arg13 : memref<80x128xf32, #tpu.memory_space<vmem>>) target_semaphore(%arg18 : memref<!tpu.dma_semaphore, #tpu.memory_space<semaphore_mem>>)
      } else {
      }
    }
    %scan3A_45 = arith.constant 31 : i32
    %add3A_46 = arith.constant 9920 : i32
    %add3A_47 = arith.addi %mul3A_2, %add3A_46 : i32
    %dma_wait3A = tpu.memref_slice %arg2[%add3A_47] : memref<160000xi32, #tpu.memory_space<hbm>> -> memref<80xi32, #tpu.memory_space<hbm>>
    %dma_wait3A_48 = tpu.memref_slice %arg2[%add3A_47] : memref<160000xi32, #tpu.memory_space<hbm>> -> memref<80xi32, #tpu.memory_space<hbm>>
    tpu.wait_dma2 semaphore(%arg15 : memref<!tpu.dma_semaphore, #tpu.memory_space<semaphore_mem>>) src(%dma_wait3A_48 : memref<80xi32, #tpu.memory_space<hbm>>) dst(%arg6 : memref<80xi32, #tpu.memory_space<vmem>>)
    %dma_wait3A_49 = arith.constant 0 : i32
    %dma_wait3A_50 = tpu.memref_slice %arg3[%arg0, %add3A_47, %dma_wait3A_49] : memref<2x160000x128xf32, #tpu.memory_space<hbm>> -> memref<1x80x128xf32, #tpu.memory_space<hbm>>
    %dma_wait3A_51 = tpu.memref_squeeze %dma_wait3A_50 : memref<1x80x128xf32, #tpu.memory_space<hbm>> -> memref<80x128xf32, #tpu.memory_space<hbm>>
    %dma_wait3A_52 = arith.constant 0 : i32
    %dma_wait3A_53 = tpu.memref_slice %arg3[%arg0, %add3A_47, %dma_wait3A_52] : memref<2x160000x128xf32, #tpu.memory_space<hbm>> -> memref<1x80x128xf32, #tpu.memory_space<hbm>>
    %dma_wait3A_54 = tpu.memref_squeeze %dma_wait3A_53 : memref<1x80x128xf32, #tpu.memory_space<hbm>> -> memref<80x128xf32, #tpu.memory_space<hbm>>
    tpu.wait_dma2 semaphore(%arg15 : memref<!tpu.dma_semaphore, #tpu.memory_space<semaphore_mem>>) src(%dma_wait3A_54 : memref<80x128xf32, #tpu.memory_space<hbm>>) dst(%arg10 : memref<80x128xf32, #tpu.memory_space<vmem>>)
    %dma_start3A_55 = arith.constant 0 : i32
    %dma_start3A_56 = arith.constant 0 : i32
    %dma_start3A_57 = tpu.memref_slice %arg14[%dma_start3A_55, %dma_start3A_56] : memref<10240x128xf32, #tpu.memory_space<vmem_shared>> -> memref<10240x128xf32, #tpu.memory_space<vmem_shared>>
    tpu.enqueue_indirect_dma source(%arg10 : memref<80x128xf32, #tpu.memory_space<vmem>>) target(%dma_start3A_57 : memref<10240x128xf32, #tpu.memory_space<vmem_shared>>) offsets(%arg6 : memref<80xi32, #tpu.memory_space<vmem>>) semaphore(%arg19 : memref<!tpu.dma_semaphore, #tpu.memory_space<semaphore_mem>>) {add = true}
    %dma_wait3A_58 = arith.constant 0 : i32
    %dma_wait3A_59 = arith.constant 0 : i32
    %dma_wait3A_60 = tpu.memref_slice %arg14[%dma_wait3A_58, %dma_wait3A_59] : memref<10240x128xf32, #tpu.memory_space<vmem_shared>> -> memref<10240x128xf32, #tpu.memory_space<vmem_shared>>
    tpu.wait_indirect_dma semaphore(%arg19 : memref<!tpu.dma_semaphore, #tpu.memory_space<semaphore_mem>>) src(%arg10 : memref<80x128xf32, #tpu.memory_space<vmem>>) dst(%dma_wait3A_60 : memref<10240x128xf32, #tpu.memory_space<vmem_shared>>)
    %barrier3A_61 = arith.constant 0 : index
    tpu.barrier barrier_id(%barrier3A_61)
    %mul3A_62 = arith.constant 640 : i32
    %mul3A_63 = arith.muli %arg1, %mul3A_62 : i32
    %mul3A_64 = arith.constant 640 : i32
    %mul3A_65 = arith.muli %arg1, %mul3A_64 : i32
    "tpu.region"() ({
      %run_scoped3A = tpu.sem_alloc : memref<!tpu.dma_semaphore, #tpu.memory_space<semaphore_mem>>
      %dma_start3A_66 = arith.constant 0 : i32
      %dma_start3A_67 = tpu.memref_slice %arg5[%arg0, %mul3A_65, %dma_start3A_66] : memref<2x10240x128xf32, #tpu.memory_space<hbm>> -> memref<1x640x128xf32, #tpu.memory_space<hbm>>
      %dma_start3A_68 = tpu.memref_squeeze %dma_start3A_67 : memref<1x640x128xf32, #tpu.memory_space<hbm>> -> memref<640x128xf32, #tpu.memory_space<hbm>>
      %dma_start3A_69 = arith.constant 0 : i32
      %dma_start3A_70 = tpu.memref_slice %arg14[%mul3A_63, %dma_start3A_69] : memref<10240x128xf32, #tpu.memory_space<vmem_shared>> -> memref<640x128xf32, #tpu.memory_space<vmem_shared>>
      tpu.enqueue_dma source(%dma_start3A_70 : memref<640x128xf32, #tpu.memory_space<vmem_shared>>) target(%dma_start3A_68 : memref<640x128xf32, #tpu.memory_space<hbm>>) target_semaphore(%run_scoped3A : memref<!tpu.dma_semaphore, #tpu.memory_space<semaphore_mem>>)
      %dma_wait3A_71 = arith.constant 0 : i32
      %dma_wait3A_72 = tpu.memref_slice %arg5[%arg0, %mul3A_65, %dma_wait3A_71] : memref<2x10240x128xf32, #tpu.memory_space<hbm>> -> memref<1x640x128xf32, #tpu.memory_space<hbm>>
      %dma_wait3A_73 = tpu.memref_squeeze %dma_wait3A_72 : memref<1x640x128xf32, #tpu.memory_space<hbm>> -> memref<640x128xf32, #tpu.memory_space<hbm>>
      %dma_wait3A_74 = arith.constant 0 : i32
      %dma_wait3A_75 = tpu.memref_slice %arg14[%mul3A_63, %dma_wait3A_74] : memref<10240x128xf32, #tpu.memory_space<vmem_shared>> -> memref<640x128xf32, #tpu.memory_space<vmem_shared>>
      tpu.wait_dma2 semaphore(%run_scoped3A : memref<!tpu.dma_semaphore, #tpu.memory_space<semaphore_mem>>) src(%dma_wait3A_75 : memref<640x128xf32, #tpu.memory_space<vmem_shared>>) dst(%dma_wait3A_73 : memref<640x128xf32, #tpu.memory_space<hbm>>)
      tpu.yield
    }) : () -> ()
    return
  }
}

module attributes {stable_mosaic.version = 14 : i64} {
  func.func @_node_tab_body(%arg0: i32, %arg1: memref<2000x128xf32, #tpu.memory_space<vmem>>, %arg2: memref<128x128xf32, #tpu.memory_space<vmem>>, %arg3: memref<1x128xf32, #tpu.memory_space<vmem>>, %arg4: memref<2000x128xf32, #tpu.memory_space<vmem>>) attributes {dimension_semantics = [#tpu.dimension_semantics<arbitrary>], iteration_bounds = array<i64: 5>, scalar_prefetch = 0 : i64, scratch_operands = 0 : i64, tpu.core_type = #tpu.core_type<tc>, window_params = [{transform_indices = @transform_0, window_bounds = array<i64: 2000, 128>}, {pipeline_mode = #tpu.pipeline_mode<synchronous>, transform_indices = @transform_1, window_bounds = array<i64: 128, 128>}, {pipeline_mode = #tpu.pipeline_mode<synchronous>, transform_indices = @transform_2, window_bounds = array<i64: 1, 128>}, {transform_indices = @transform_3, window_bounds = array<i64: 2000, 128>}]} {
    %get3A = arith.constant 0 : index
    %get3A_0 = arith.constant 0 : index
    %get3A_1 = vector.load %arg1[%get3A, %get3A_0] : memref<2000x128xf32, #tpu.memory_space<vmem>>, vector<2000x128xf32>
    %get3A_2 = arith.constant 0 : index
    %get3A_3 = arith.constant 0 : index
    %get3A_4 = vector.load %arg2[%get3A_2, %get3A_3] : memref<128x128xf32, #tpu.memory_space<vmem>>, vector<128x128xf32>
    %dot_general3A = arith.constant dense<0.000000e+00> : vector<2000x128xf32>
    %dot_general3A_5 = tpu.matmul %get3A_1, %get3A_4, %dot_general3A {dimension_numbers = #tpu.dot_dimension_numbers<[1], [0], [0], [1], [0, 0, 1, 1], [], []>, transpose_lhs_hint = false} : vector<2000x128xf32>, vector<128x128xf32>, vector<2000x128xf32> -> vector<2000x128xf32>
    %get3A_6 = arith.constant 0 : index
    %get3A_7 = arith.constant 0 : index
    %get3A_8 = vector.load %arg3[%get3A_6, %get3A_7] : memref<1x128xf32, #tpu.memory_space<vmem>>, vector<1x128xf32>
    %add3A = vector.broadcast %get3A_8 : vector<1x128xf32> to vector<2000x128xf32>
    %add3A_9 = arith.addf %dot_general3A_5, %add3A : vector<2000x128xf32>
    %mul3A = arith.constant 2.500000e-01 : f32
    %mul3A_10 = vector.broadcast %mul3A : f32 to vector<2000x128xf32>
    %mul3A_11 = arith.mulf %add3A_9, %mul3A_10 : vector<2000x128xf32>
    %get3A_12 = arith.constant 0 : index
    %get3A_13 = arith.constant 0 : index
    %get3A_14 = vector.load %arg1[%get3A_12, %get3A_13] : memref<2000x128xf32, #tpu.memory_space<vmem>>, vector<2000x128xf32>
    %slice3A = vector.extract_strided_slice %get3A_14 {offsets = [0, 0], sizes = [2000, 64], strides = [1, 1]} : vector<2000x128xf32> to vector<2000x64xf32>
    %bitcast_convert_type3A = tpu.bitcast %slice3A : vector<2000x64xf32> -> vector<2000x64xi32>
    %slice3A_15 = vector.extract_strided_slice %get3A_14 {offsets = [0, 64], sizes = [2000, 64], strides = [1, 1]} : vector<2000x128xf32> to vector<2000x64xf32>
    %bitcast_convert_type3A_16 = tpu.bitcast %slice3A_15 : vector<2000x64xf32> -> vector<2000x64xi32>
    %add3A_17 = arith.constant 32768 : i32
    %add3A_18 = vector.broadcast %add3A_17 : i32 to vector<2000x64xi32>
    %add3A_19 = arith.addi %bitcast_convert_type3A, %add3A_18 : vector<2000x64xi32>
    %and3A = arith.constant -65536 : i32
    %and3A_20 = vector.broadcast %and3A : i32 to vector<2000x64xi32>
    %and3A_21 = arith.andi %add3A_19, %and3A_20 : vector<2000x64xi32>
    %add3A_22 = arith.constant 32768 : i32
    %add3A_23 = vector.broadcast %add3A_22 : i32 to vector<2000x64xi32>
    %add3A_24 = arith.addi %bitcast_convert_type3A_16, %add3A_23 : vector<2000x64xi32>
    %shift_right_logical3A = arith.constant 16 : i32
    %shift_right_logical3A_25 = vector.broadcast %shift_right_logical3A : i32 to vector<2000x64xi32>
    %shift_right_logical3A_26 = arith.shrui %add3A_24, %shift_right_logical3A_25 : vector<2000x64xi32>
    %and3A_27 = arith.constant 65535 : i32
    %and3A_28 = vector.broadcast %and3A_27 : i32 to vector<2000x64xi32>
    %and3A_29 = arith.andi %shift_right_logical3A_26, %and3A_28 : vector<2000x64xi32>
    %or3A = arith.ori %and3A_21, %and3A_29 : vector<2000x64xi32>
    %bitcast_convert_type3A_30 = tpu.bitcast %or3A : vector<2000x64xi32> -> vector<2000x64xf32>
    %slice3A_31 = vector.extract_strided_slice %mul3A_11 {offsets = [0, 0], sizes = [2000, 64], strides = [1, 1]} : vector<2000x128xf32> to vector<2000x64xf32>
    %bitcast_convert_type3A_32 = tpu.bitcast %slice3A_31 : vector<2000x64xf32> -> vector<2000x64xi32>
    %slice3A_33 = vector.extract_strided_slice %mul3A_11 {offsets = [0, 64], sizes = [2000, 64], strides = [1, 1]} : vector<2000x128xf32> to vector<2000x64xf32>
    %bitcast_convert_type3A_34 = tpu.bitcast %slice3A_33 : vector<2000x64xf32> -> vector<2000x64xi32>
    %add3A_35 = arith.constant 32768 : i32
    %add3A_36 = vector.broadcast %add3A_35 : i32 to vector<2000x64xi32>
    %add3A_37 = arith.addi %bitcast_convert_type3A_32, %add3A_36 : vector<2000x64xi32>
    %and3A_38 = arith.constant -65536 : i32
    %and3A_39 = vector.broadcast %and3A_38 : i32 to vector<2000x64xi32>
    %and3A_40 = arith.andi %add3A_37, %and3A_39 : vector<2000x64xi32>
    %add3A_41 = arith.constant 32768 : i32
    %add3A_42 = vector.broadcast %add3A_41 : i32 to vector<2000x64xi32>
    %add3A_43 = arith.addi %bitcast_convert_type3A_34, %add3A_42 : vector<2000x64xi32>
    %shift_right_logical3A_44 = arith.constant 16 : i32
    %shift_right_logical3A_45 = vector.broadcast %shift_right_logical3A_44 : i32 to vector<2000x64xi32>
    %shift_right_logical3A_46 = arith.shrui %add3A_43, %shift_right_logical3A_45 : vector<2000x64xi32>
    %and3A_47 = arith.constant 65535 : i32
    %and3A_48 = vector.broadcast %and3A_47 : i32 to vector<2000x64xi32>
    %and3A_49 = arith.andi %shift_right_logical3A_46, %and3A_48 : vector<2000x64xi32>
    %or3A_50 = arith.ori %and3A_40, %and3A_49 : vector<2000x64xi32>
    %bitcast_convert_type3A_51 = tpu.bitcast %or3A_50 : vector<2000x64xi32> -> vector<2000x64xf32>
    %concatenate3A = tpu.concatenate %bitcast_convert_type3A_30, %bitcast_convert_type3A_51 in 1 : vector<2000x64xf32>, vector<2000x64xf32> -> vector<2000x128xf32>
    %swap3A = arith.constant 0 : index
    %swap3A_52 = arith.constant 0 : index
    %swap3A_53 = vector.load %arg4[%swap3A, %swap3A_52] : memref<2000x128xf32, #tpu.memory_space<vmem>>, vector<2000x128xf32>
    tpu.vector_store %arg4[%swap3A, %swap3A_52], %concatenate3A {strides = array<i32>} : memref<2000x128xf32, #tpu.memory_space<vmem>>, vector<2000x128xf32>,
    return
  }
  func.func @transform_0(%arg0: i32) -> (i32, i32) {
    %c0_i32 = arith.constant 0 : i32
    %c0_i32_0 = arith.constant 0 : i32
    return %arg0, %c0_i32 : i32, i32
  }
  func.func @transform_1(%arg0: i32) -> (i32, i32) {
    %c0_i32 = arith.constant 0 : i32
    %c0_i32_0 = arith.constant 0 : i32
    %c0_i32_1 = arith.constant 0 : i32
    return %c0_i32, %c0_i32_0 : i32, i32
  }
  func.func @transform_2(%arg0: i32) -> (i32, i32) {
    %c0_i32 = arith.constant 0 : i32
    %c0_i32_0 = arith.constant 0 : i32
    %c0_i32_1 = arith.constant 0 : i32
    return %c0_i32, %c0_i32_0 : i32, i32
  }
  func.func @transform_3(%arg0: i32) -> (i32, i32) {
    %c0_i32 = arith.constant 0 : i32
    %c0_i32_0 = arith.constant 0 : i32
    return %arg0, %c0_i32 : i32, i32
  }
}

module attributes {stable_mosaic.version = 14 : i64} {
  func.func @_edge_body(%arg0: i32, %arg1: memref<4000x16xf32, #tpu.memory_space<vmem>>, %arg2: memref<4000x128xf32, #tpu.memory_space<vmem>>, %arg3: memref<4000x128xf32, #tpu.memory_space<vmem>>, %arg4: memref<1x272xf32, #tpu.memory_space<vmem>>, %arg5: memref<1x272xf32, #tpu.memory_space<vmem>>, %arg6: memref<272x128xf32, #tpu.memory_space<vmem>>, %arg7: memref<1x128xf32, #tpu.memory_space<vmem>>, %arg8: memref<272x128xf32, #tpu.memory_space<vmem>>, %arg9: memref<1x128xf32, #tpu.memory_space<vmem>>, %arg10: memref<2x4000x128xf32, #tpu.memory_space<vmem>>) attributes {dimension_semantics = [#tpu.dimension_semantics<arbitrary>], iteration_bounds = array<i64: 40>, scalar_prefetch = 0 : i64, scratch_operands = 0 : i64, tpu.core_type = #tpu.core_type<tc>, window_params = [{transform_indices = @transform_0, window_bounds = array<i64: 4000, 16>}, {transform_indices = @transform_1, window_bounds = array<i64: 4000, 128>}, {transform_indices = @transform_2, window_bounds = array<i64: 4000, 128>}, {pipeline_mode = #tpu.pipeline_mode<synchronous>, transform_indices = @transform_3, window_bounds = array<i64: 1, 272>}, {pipeline_mode = #tpu.pipeline_mode<synchronous>, transform_indices = @transform_4, window_bounds = array<i64: 1, 272>}, {pipeline_mode = #tpu.pipeline_mode<synchronous>, transform_indices = @transform_5, window_bounds = array<i64: 272, 128>}, {pipeline_mode = #tpu.pipeline_mode<synchronous>, transform_indices = @transform_6, window_bounds = array<i64: 1, 128>}, {pipeline_mode = #tpu.pipeline_mode<synchronous>, transform_indices = @transform_7, window_bounds = array<i64: 272, 128>}, {pipeline_mode = #tpu.pipeline_mode<synchronous>, transform_indices = @transform_8, window_bounds = array<i64: 1, 128>}, {transform_indices = @transform_9, window_bounds = array<i64: 2, 4000, 128>}]} {
    %get3A = arith.constant 0 : index
    %get3A_0 = arith.constant 0 : index
    %get3A_1 = vector.load %arg2[%get3A, %get3A_0] : memref<4000x128xf32, #tpu.memory_space<vmem>>, vector<4000x128xf32>
    %get3A_2 = arith.constant 0 : index
    %get3A_3 = arith.constant 0 : index
    %get3A_4 = vector.load %arg3[%get3A_2, %get3A_3] : memref<4000x128xf32, #tpu.memory_space<vmem>>, vector<4000x128xf32>
    %slice3A = vector.extract_strided_slice %get3A_4 {offsets = [0, 0], sizes = [4000, 64], strides = [1, 1]} : vector<4000x128xf32> to vector<4000x64xf32>
    %bitcast_convert_type3A = tpu.bitcast %slice3A : vector<4000x64xf32> -> vector<4000x64xi32>
    %and3A = arith.constant -65536 : i32
    %and3A_5 = vector.broadcast %and3A : i32 to vector<4000x64xi32>
    %and3A_6 = arith.andi %bitcast_convert_type3A, %and3A_5 : vector<4000x64xi32>
    %bitcast_convert_type3A_7 = tpu.bitcast %and3A_6 : vector<4000x64xi32> -> vector<4000x64xf32>
    %shift_left3A = arith.constant 16 : i32
    %shift_left3A_8 = vector.broadcast %shift_left3A : i32 to vector<4000x64xi32>
    %shift_left3A_9 = arith.shli %bitcast_convert_type3A, %shift_left3A_8 : vector<4000x64xi32>
    %bitcast_convert_type3A_10 = tpu.bitcast %shift_left3A_9 : vector<4000x64xi32> -> vector<4000x64xf32>
    %concatenate3A = tpu.concatenate %bitcast_convert_type3A_7, %bitcast_convert_type3A_10 in 1 : vector<4000x64xf32>, vector<4000x64xf32> -> vector<4000x128xf32>
    %slice3A_11 = vector.extract_strided_slice %get3A_4 {offsets = [0, 64], sizes = [4000, 64], strides = [1, 1]} : vector<4000x128xf32> to vector<4000x64xf32>
    %bitcast_convert_type3A_12 = tpu.bitcast %slice3A_11 : vector<4000x64xf32> -> vector<4000x64xi32>
    %and3A_13 = arith.constant -65536 : i32
    %and3A_14 = vector.broadcast %and3A_13 : i32 to vector<4000x64xi32>
    %and3A_15 = arith.andi %bitcast_convert_type3A_12, %and3A_14 : vector<4000x64xi32>
    %bitcast_convert_type3A_16 = tpu.bitcast %and3A_15 : vector<4000x64xi32> -> vector<4000x64xf32>
    %shift_left3A_17 = arith.constant 16 : i32
    %shift_left3A_18 = vector.broadcast %shift_left3A_17 : i32 to vector<4000x64xi32>
    %shift_left3A_19 = arith.shli %bitcast_convert_type3A_12, %shift_left3A_18 : vector<4000x64xi32>
    %bitcast_convert_type3A_20 = tpu.bitcast %shift_left3A_19 : vector<4000x64xi32> -> vector<4000x64xf32>
    %concatenate3A_21 = tpu.concatenate %bitcast_convert_type3A_16, %bitcast_convert_type3A_20 in 1 : vector<4000x64xf32>, vector<4000x64xf32> -> vector<4000x128xf32>
    %get3A_22 = arith.constant 0 : index
    %get3A_23 = arith.constant 0 : index
    %get3A_24 = vector.load %arg1[%get3A_22, %get3A_23] : memref<4000x16xf32, #tpu.memory_space<vmem>>, vector<4000x16xf32>
    %concatenate3A_25 = tpu.concatenate %get3A_24, %get3A_1, %concatenate3A in 1 : vector<4000x16xf32>, vector<4000x128xf32>, vector<4000x128xf32> -> vector<4000x272xf32>
    %reduce_sum3A = arith.constant dense<0.000000e+00> : vector<4000xf32>
    %reduce_sum3A_26 = vector.multi_reduction <add>, %concatenate3A_25, %reduce_sum3A [1] : vector<4000x272xf32> to vector<4000xf32>
    %broadcast_in_dim3A = vector.shape_cast %reduce_sum3A_26 : vector<4000xf32> to vector<4000x1xf32>
    %div3A = arith.constant 2.720000e+02 : f32
    %div3A_27 = vector.broadcast %div3A : f32 to vector<4000x1xf32>
    %div3A_28 = arith.divf %broadcast_in_dim3A, %div3A_27 : vector<4000x1xf32>
    %sub3A = vector.broadcast %div3A_28 : vector<4000x1xf32> to vector<4000x272xf32>
    %sub3A_29 = arith.subf %concatenate3A_25, %sub3A : vector<4000x272xf32>
    %mul3A = arith.mulf %sub3A_29, %sub3A_29 : vector<4000x272xf32>
    %reduce_sum3A_30 = arith.constant dense<0.000000e+00> : vector<4000xf32>
    %reduce_sum3A_31 = vector.multi_reduction <add>, %mul3A, %reduce_sum3A_30 [1] : vector<4000x272xf32> to vector<4000xf32>
    %broadcast_in_dim3A_32 = vector.shape_cast %reduce_sum3A_31 : vector<4000xf32> to vector<4000x1xf32>
    %div3A_33 = arith.constant 2.720000e+02 : f32
    %div3A_34 = vector.broadcast %div3A_33 : f32 to vector<4000x1xf32>
    %div3A_35 = arith.divf %broadcast_in_dim3A_32, %div3A_34 : vector<4000x1xf32>
    %add3A = arith.constant 9.99999974E-6 : f32
    %add3A_36 = vector.broadcast %add3A : f32 to vector<4000x1xf32>
    %add3A_37 = arith.addf %div3A_35, %add3A_36 : vector<4000x1xf32>
    %rsqrt3A = math.rsqrt %add3A_37 : vector<4000x1xf32>
    %mul3A_38 = vector.broadcast %rsqrt3A : vector<4000x1xf32> to vector<4000x272xf32>
    %mul3A_39 = arith.mulf %sub3A_29, %mul3A_38 : vector<4000x272xf32>
    %get3A_40 = arith.constant 0 : index
    %get3A_41 = arith.constant 0 : index
    %get3A_42 = vector.load %arg4[%get3A_40, %get3A_41] : memref<1x272xf32, #tpu.memory_space<vmem>>, vector<1x272xf32>
    %mul3A_43 = vector.broadcast %get3A_42 : vector<1x272xf32> to vector<4000x272xf32>
    %mul3A_44 = arith.mulf %mul3A_39, %mul3A_43 : vector<4000x272xf32>
    %get3A_45 = arith.constant 0 : index
    %get3A_46 = arith.constant 0 : index
    %get3A_47 = vector.load %arg5[%get3A_45, %get3A_46] : memref<1x272xf32, #tpu.memory_space<vmem>>, vector<1x272xf32>
    %add3A_48 = vector.broadcast %get3A_47 : vector<1x272xf32> to vector<4000x272xf32>
    %add3A_49 = arith.addf %mul3A_44, %add3A_48 : vector<4000x272xf32>
    %get3A_50 = arith.constant 0 : index
    %get3A_51 = arith.constant 0 : index
    %get3A_52 = vector.load %arg6[%get3A_50, %get3A_51] : memref<272x128xf32, #tpu.memory_space<vmem>>, vector<272x128xf32>
    %dot_general3A = arith.constant dense<0.000000e+00> : vector<4000x128xf32>
    %dot_general3A_53 = tpu.matmul %add3A_49, %get3A_52, %dot_general3A {dimension_numbers = #tpu.dot_dimension_numbers<[1], [0], [0], [1], [0, 0, 1, 1], [], []>, transpose_lhs_hint = false} : vector<4000x272xf32>, vector<272x128xf32>, vector<4000x128xf32> -> vector<4000x128xf32>
    %get3A_54 = arith.constant 0 : index
    %get3A_55 = arith.constant 0 : index
    %get3A_56 = vector.load %arg7[%get3A_54, %get3A_55] : memref<1x128xf32, #tpu.memory_space<vmem>>, vector<1x128xf32>
    %add3A_57 = vector.broadcast %get3A_56 : vector<1x128xf32> to vector<4000x128xf32>
    %add3A_58 = arith.addf %dot_general3A_53, %add3A_57 : vector<4000x128xf32>
    %get3A_59 = arith.constant 0 : index
    %get3A_60 = arith.constant 0 : index
    %get3A_61 = vector.load %arg8[%get3A_59, %get3A_60] : memref<272x128xf32, #tpu.memory_space<vmem>>, vector<272x128xf32>
    %dot_general3A_62 = arith.constant dense<0.000000e+00> : vector<4000x128xf32>
    %dot_general3A_63 = tpu.matmul %add3A_49, %get3A_61, %dot_general3A_62 {dimension_numbers = #tpu.dot_dimension_numbers<[1], [0], [0], [1], [0, 0, 1, 1], [], []>, transpose_lhs_hint = false} : vector<4000x272xf32>, vector<272x128xf32>, vector<4000x128xf32> -> vector<4000x128xf32>
    %get3A_64 = arith.constant 0 : index
    %get3A_65 = arith.constant 0 : index
    %get3A_66 = vector.load %arg9[%get3A_64, %get3A_65] : memref<1x128xf32, #tpu.memory_space<vmem>>, vector<1x128xf32>
    %add3A_67 = vector.broadcast %get3A_66 : vector<1x128xf32> to vector<4000x128xf32>
    %add3A_68 = arith.addf %dot_general3A_63, %add3A_67 : vector<4000x128xf32>
    %iota3A = tpu.iota {dimensions = array<i32: 0>} : vector<128x8xi32>
    %jit3A = arith.constant 16 : i32
    %div3A_69 = vector.broadcast %jit3A : i32 to vector<128x8xi32>
    %div3A_70 = arith.divsi %iota3A, %div3A_69 : vector<128x8xi32>
    %sign3A = arith.constant 0 : i32
    %sign3A_71 = vector.broadcast %sign3A : i32 to vector<128x8xi32>
    %sign3A_72 = arith.cmpi sgt, %iota3A, %sign3A_71 : vector<128x8xi32>
    %sign3A_73 = arith.extui %sign3A_72 : vector<128x8xi1> to vector<128x8xi32>
    %sign3A_74 = arith.constant 0 : i32
    %sign3A_75 = vector.broadcast %sign3A_74 : i32 to vector<128x8xi32>
    %sign3A_76 = arith.cmpi slt, %iota3A, %sign3A_75 : vector<128x8xi32>
    %sign3A_77 = arith.extui %sign3A_76 : vector<128x8xi1> to vector<128x8xi32>
    %sign3A_78 = arith.subi %sign3A_73, %sign3A_77 : vector<128x8xi32>
    %sign3A_79 = arith.constant 0 : i32
    %sign3A_80 = arith.cmpi sgt, %jit3A, %sign3A_79 : i32
    %sign3A_81 = arith.extui %sign3A_80 : i1 to i32
    %sign3A_82 = arith.constant 0 : i32
    %sign3A_83 = arith.cmpi slt, %jit3A, %sign3A_82 : i32
    %sign3A_84 = arith.extui %sign3A_83 : i1 to i32
    %sign3A_85 = arith.subi %sign3A_81, %sign3A_84 : i32
    %ne3A = vector.broadcast %sign3A_85 : i32 to vector<128x8xi32>
    %ne3A_86 = arith.cmpi ne, %sign3A_78, %ne3A : vector<128x8xi32>
    %rem3A = vector.broadcast %jit3A : i32 to vector<128x8xi32>
    %rem3A_87 = arith.remsi %iota3A, %rem3A : vector<128x8xi32>
    %ne3A_88 = arith.constant 0 : i32
    %ne3A_89 = vector.broadcast %ne3A_88 : i32 to vector<128x8xi32>
    %ne3A_90 = arith.cmpi ne, %rem3A_87, %ne3A_89 : vector<128x8xi32>
    %and3A_91 = arith.andi %ne3A_86, %ne3A_90 : vector<128x8xi1>
    %sub3A_92 = arith.constant 1 : i32
    %sub3A_93 = vector.broadcast %sub3A_92 : i32 to vector<128x8xi32>
    %sub3A_94 = arith.subi %div3A_70, %sub3A_93 : vector<128x8xi32>
    %select_n3A = arith.select %and3A_91, %sub3A_94, %div3A_70 : vector<128x8xi1>, vector<128x8xi32>
    %iota3A_95 = tpu.iota {dimensions = array<i32: 1>} : vector<128x8xi32>
    %eq3A = arith.cmpi eq, %select_n3A, %iota3A_95 : vector<128x8xi32>
    %convert_element_type3A = arith.extui %eq3A : vector<128x8xi1> to vector<128x8xi32>
    %convert_element_type3A_96 = arith.sitofp %convert_element_type3A : vector<128x8xi32> to vector<128x8xf32>
    %iota3A_97 = tpu.iota {dimensions = array<i32: 1>} : vector<8x128xi32>
    %jit3A_98 = arith.constant 16 : i32
    %div3A_99 = vector.broadcast %jit3A_98 : i32 to vector<8x128xi32>
    %div3A_100 = arith.divsi %iota3A_97, %div3A_99 : vector<8x128xi32>
    %sign3A_101 = arith.constant 0 : i32
    %sign3A_102 = vector.broadcast %sign3A_101 : i32 to vector<8x128xi32>
    %sign3A_103 = arith.cmpi sgt, %iota3A_97, %sign3A_102 : vector<8x128xi32>
    %sign3A_104 = arith.extui %sign3A_103 : vector<8x128xi1> to vector<8x128xi32>
    %sign3A_105 = arith.constant 0 : i32
    %sign3A_106 = vector.broadcast %sign3A_105 : i32 to vector<8x128xi32>
    %sign3A_107 = arith.cmpi slt, %iota3A_97, %sign3A_106 : vector<8x128xi32>
    %sign3A_108 = arith.extui %sign3A_107 : vector<8x128xi1> to vector<8x128xi32>
    %sign3A_109 = arith.subi %sign3A_104, %sign3A_108 : vector<8x128xi32>
    %sign3A_110 = arith.constant 0 : i32
    %sign3A_111 = arith.cmpi sgt, %jit3A_98, %sign3A_110 : i32
    %sign3A_112 = arith.extui %sign3A_111 : i1 to i32
    %sign3A_113 = arith.constant 0 : i32
    %sign3A_114 = arith.cmpi slt, %jit3A_98, %sign3A_113 : i32
    %sign3A_115 = arith.extui %sign3A_114 : i1 to i32
    %sign3A_116 = arith.subi %sign3A_112, %sign3A_115 : i32
    %ne3A_117 = vector.broadcast %sign3A_116 : i32 to vector<8x128xi32>
    %ne3A_118 = arith.cmpi ne, %sign3A_109, %ne3A_117 : vector<8x128xi32>
    %rem3A_119 = vector.broadcast %jit3A_98 : i32 to vector<8x128xi32>
    %rem3A_120 = arith.remsi %iota3A_97, %rem3A_119 : vector<8x128xi32>
    %ne3A_121 = arith.constant 0 : i32
    %ne3A_122 = vector.broadcast %ne3A_121 : i32 to vector<8x128xi32>
    %ne3A_123 = arith.cmpi ne, %rem3A_120, %ne3A_122 : vector<8x128xi32>
    %and3A_124 = arith.andi %ne3A_118, %ne3A_123 : vector<8x128xi1>
    %sub3A_125 = arith.constant 1 : i32
    %sub3A_126 = vector.broadcast %sub3A_125 : i32 to vector<8x128xi32>
    %sub3A_127 = arith.subi %div3A_100, %sub3A_126 : vector<8x128xi32>
    %select_n3A_128 = arith.select %and3A_124, %sub3A_127, %div3A_100 : vector<8x128xi1>, vector<8x128xi32>
    %iota3A_129 = tpu.iota {dimensions = array<i32: 0>} : vector<8x128xi32>
    %eq3A_130 = arith.cmpi eq, %select_n3A_128, %iota3A_129 : vector<8x128xi32>
    %convert_element_type3A_131 = arith.extui %eq3A_130 : vector<8x128xi1> to vector<8x128xi32>
    %convert_element_type3A_132 = arith.sitofp %convert_element_type3A_131 : vector<8x128xi32> to vector<8x128xf32>
    %mul3A_133 = arith.mulf %concatenate3A_21, %add3A_58 : vector<4000x128xf32>
    %dot_general3A_134 = arith.constant dense<0.000000e+00> : vector<4000x8xf32>
    %dot_general3A_135 = tpu.matmul %mul3A_133, %convert_element_type3A_96, %dot_general3A_134 {dimension_numbers = #tpu.dot_dimension_numbers<[1], [0], [0], [1], [0, 0, 1, 1], [], []>, transpose_lhs_hint = false} : vector<4000x128xf32>, vector<128x8xf32>, vector<4000x8xf32> -> vector<4000x8xf32>
    %exp3A = math.exp %dot_general3A_135 : vector<4000x8xf32>
    %dot_general3A_136 = arith.constant dense<0.000000e+00> : vector<4000x128xf32>
    %dot_general3A_137 = tpu.matmul %exp3A, %convert_element_type3A_132, %dot_general3A_136 {dimension_numbers = #tpu.dot_dimension_numbers<[1], [0], [0], [1], [0, 0, 1, 1], [], []>, transpose_lhs_hint = false} : vector<4000x8xf32>, vector<8x128xf32>, vector<4000x128xf32> -> vector<4000x128xf32>
    %mul3A_138 = arith.mulf %add3A_68, %dot_general3A_137 : vector<4000x128xf32>
    %broadcast_in_dim3A_139 = arith.constant 0.000000e+00 : f32
    %broadcast_in_dim3A_140 = vector.broadcast %broadcast_in_dim3A_139 : f32 to vector<4000x60xf32>
    %slice3A_141 = vector.extract_strided_slice %mul3A_138 {offsets = [0, 0], sizes = [4000, 64], strides = [1, 1]} : vector<4000x128xf32> to vector<4000x64xf32>
    %slice3A_142 = vector.extract_strided_slice %exp3A {offsets = [0, 0], sizes = [4000, 4], strides = [1, 1]} : vector<4000x8xf32> to vector<4000x4xf32>
    %concatenate3A_143 = tpu.concatenate %slice3A_141, %slice3A_142, %broadcast_in_dim3A_140 in 1 : vector<4000x64xf32>, vector<4000x4xf32>, vector<4000x60xf32> -> vector<4000x128xf32>
    %slice3A_144 = vector.extract_strided_slice %mul3A_138 {offsets = [0, 64], sizes = [4000, 64], strides = [1, 1]} : vector<4000x128xf32> to vector<4000x64xf32>
    %slice3A_145 = vector.extract_strided_slice %exp3A {offsets = [0, 4], sizes = [4000, 4], strides = [1, 1]} : vector<4000x8xf32> to vector<4000x4xf32>
    %concatenate3A_146 = tpu.concatenate %slice3A_144, %slice3A_145, %broadcast_in_dim3A_140 in 1 : vector<4000x64xf32>, vector<4000x4xf32>, vector<4000x60xf32> -> vector<4000x128xf32>
    %stack3A = vector.shape_cast %concatenate3A_143 : vector<4000x128xf32> to vector<1x4000x128xf32>
    %stack3A_147 = vector.shape_cast %concatenate3A_146 : vector<4000x128xf32> to vector<1x4000x128xf32>
    %stack3A_148 = tpu.concatenate %stack3A, %stack3A_147 in 0 : vector<1x4000x128xf32>, vector<1x4000x128xf32> -> vector<2x4000x128xf32>
    %swap3A = arith.constant 0 : index
    %swap3A_149 = arith.constant 0 : index
    %swap3A_150 = arith.constant 0 : index
    %swap3A_151 = vector.load %arg10[%swap3A, %swap3A_149, %swap3A_150] : memref<2x4000x128xf32, #tpu.memory_space<vmem>>, vector<2x4000x128xf32>
    tpu.vector_store %arg10[%swap3A, %swap3A_149, %swap3A_150], %stack3A_148 {strides = array<i32>} : memref<2x4000x128xf32, #tpu.memory_space<vmem>>, vector<2x4000x128xf32>,
    return
  }
  func.func @transform_0(%arg0: i32) -> (i32, i32) {
    %c0_i32 = arith.constant 0 : i32
    %c0_i32_0 = arith.constant 0 : i32
    return %arg0, %c0_i32 : i32, i32
  }
  func.func @transform_1(%arg0: i32) -> (i32, i32) {
    %c0_i32 = arith.constant 0 : i32
    %c0_i32_0 = arith.constant 0 : i32
    return %arg0, %c0_i32 : i32, i32
  }
  func.func @transform_2(%arg0: i32) -> (i32, i32) {
    %c0_i32 = arith.constant 0 : i32
    %c0_i32_0 = arith.constant 0 : i32
    return %arg0, %c0_i32 : i32, i32
  }
  func.func @transform_3(%arg0: i32) -> (i32, i32) {
    %c0_i32 = arith.constant 0 : i32
    %c0_i32_0 = arith.constant 0 : i32
    %c0_i32_1 = arith.constant 0 : i32
    return %c0_i32, %c0_i32_0 : i32, i32
  }
  func.func @transform_4(%arg0: i32) -> (i32, i32) {
    %c0_i32 = arith.constant 0 : i32
    %c0_i32_0 = arith.constant 0 : i32
    %c0_i32_1 = arith.constant 0 : i32
    return %c0_i32, %c0_i32_0 : i32, i32
  }
  func.func @transform_5(%arg0: i32) -> (i32, i32) {
    %c0_i32 = arith.constant 0 : i32
    %c0_i32_0 = arith.constant 0 : i32
    %c0_i32_1 = arith.constant 0 : i32
    return %c0_i32, %c0_i32_0 : i32, i32
  }
  func.func @transform_6(%arg0: i32) -> (i32, i32) {
    %c0_i32 = arith.constant 0 : i32
    %c0_i32_0 = arith.constant 0 : i32
    %c0_i32_1 = arith.constant 0 : i32
    return %c0_i32, %c0_i32_0 : i32, i32
  }
  func.func @transform_7(%arg0: i32) -> (i32, i32) {
    %c0_i32 = arith.constant 0 : i32
    %c0_i32_0 = arith.constant 0 : i32
    %c0_i32_1 = arith.constant 0 : i32
    return %c0_i32, %c0_i32_0 : i32, i32
  }
  func.func @transform_8(%arg0: i32) -> (i32, i32) {
    %c0_i32 = arith.constant 0 : i32
    %c0_i32_0 = arith.constant 0 : i32
    %c0_i32_1 = arith.constant 0 : i32
    return %c0_i32, %c0_i32_0 : i32, i32
  }
  func.func @transform_9(%arg0: i32) -> (i32, i32, i32) {
    %c0_i32 = arith.constant 0 : i32
    %c0_i32_0 = arith.constant 0 : i32
    %c0_i32_1 = arith.constant 0 : i32
    return %c0_i32, %arg0, %c0_i32_0 : i32, i32, i32
  }
}

module attributes {stable_mosaic.version = 14 : i64} {
  func.func @_final_body(%arg0: i32, %arg1: memref<4x2000x128xf32, #tpu.memory_space<vmem>>, %arg2: memref<128x256xf32, #tpu.memory_space<vmem>>, %arg3: memref<1x256xf32, #tpu.memory_space<vmem>>, %arg4: memref<256x128xf32, #tpu.memory_space<vmem>>, %arg5: memref<1x128xf32, #tpu.memory_space<vmem>>, %arg6: memref<2000x128xf32, #tpu.memory_space<vmem>>) attributes {dimension_semantics = [#tpu.dimension_semantics<arbitrary>], iteration_bounds = array<i64: 5>, scalar_prefetch = 0 : i64, scratch_operands = 0 : i64, tpu.core_type = #tpu.core_type<tc>, window_params = [{transform_indices = @transform_0, window_bounds = array<i64: 4, 2000, 128>}, {pipeline_mode = #tpu.pipeline_mode<synchronous>, transform_indices = @transform_1, window_bounds = array<i64: 128, 256>}, {pipeline_mode = #tpu.pipeline_mode<synchronous>, transform_indices = @transform_2, window_bounds = array<i64: 1, 256>}, {pipeline_mode = #tpu.pipeline_mode<synchronous>, transform_indices = @transform_3, window_bounds = array<i64: 256, 128>}, {pipeline_mode = #tpu.pipeline_mode<synchronous>, transform_indices = @transform_4, window_bounds = array<i64: 1, 128>}, {transform_indices = @transform_5, window_bounds = array<i64: 2000, 128>}]} {
    %get3A = arith.constant 0 : index
    %get3A_0 = arith.constant 0 : index
    %get3A_1 = arith.constant 0 : index
    %get3A_2 = vector.load %arg1[%get3A, %get3A_0, %get3A_1] : memref<4x2000x128xf32, #tpu.memory_space<vmem>>, vector<1x2000x128xf32>
    %get3A_3 = vector.shape_cast %get3A_2 : vector<1x2000x128xf32> to vector<2000x128xf32>
    %get3A_4 = arith.constant 2 : index
    %get3A_5 = arith.constant 0 : index
    %get3A_6 = arith.constant 0 : index
    %get3A_7 = vector.load %arg1[%get3A_4, %get3A_5, %get3A_6] : memref<4x2000x128xf32, #tpu.memory_space<vmem>>, vector<1x2000x128xf32>
    %get3A_8 = vector.shape_cast %get3A_7 : vector<1x2000x128xf32> to vector<2000x128xf32>
    %add3A = arith.addf %get3A_3, %get3A_8 : vector<2000x128xf32>
    %get3A_9 = arith.constant 1 : index
    %get3A_10 = arith.constant 0 : index
    %get3A_11 = arith.constant 0 : index
    %get3A_12 = vector.load %arg1[%get3A_9, %get3A_10, %get3A_11] : memref<4x2000x128xf32, #tpu.memory_space<vmem>>, vector<1x2000x128xf32>
    %get3A_13 = vector.shape_cast %get3A_12 : vector<1x2000x128xf32> to vector<2000x128xf32>
    %get3A_14 = arith.constant 3 : index
    %get3A_15 = arith.constant 0 : index
    %get3A_16 = arith.constant 0 : index
    %get3A_17 = vector.load %arg1[%get3A_14, %get3A_15, %get3A_16] : memref<4x2000x128xf32, #tpu.memory_space<vmem>>, vector<1x2000x128xf32>
    %get3A_18 = vector.shape_cast %get3A_17 : vector<1x2000x128xf32> to vector<2000x128xf32>
    %add3A_19 = arith.addf %get3A_13, %get3A_18 : vector<2000x128xf32>
    %slice3A = vector.extract_strided_slice %add3A {offsets = [0, 0], sizes = [2000, 64], strides = [1, 1]} : vector<2000x128xf32> to vector<2000x64xf32>
    %slice3A_20 = vector.extract_strided_slice %add3A_19 {offsets = [0, 0], sizes = [2000, 64], strides = [1, 1]} : vector<2000x128xf32> to vector<2000x64xf32>
    %concatenate3A = tpu.concatenate %slice3A, %slice3A_20 in 1 : vector<2000x64xf32>, vector<2000x64xf32> -> vector<2000x128xf32>
    %slice3A_21 = vector.extract_strided_slice %add3A {offsets = [0, 64], sizes = [2000, 4], strides = [1, 1]} : vector<2000x128xf32> to vector<2000x4xf32>
    %slice3A_22 = vector.extract_strided_slice %add3A_19 {offsets = [0, 64], sizes = [2000, 4], strides = [1, 1]} : vector<2000x128xf32> to vector<2000x4xf32>
    %concatenate3A_23 = tpu.concatenate %slice3A_21, %slice3A_22 in 1 : vector<2000x4xf32>, vector<2000x4xf32> -> vector<2000x8xf32>
    %iota3A = tpu.iota {dimensions = array<i32: 1>} : vector<8x128xi32>
    %jit3A = arith.constant 16 : i32
    %div3A = vector.broadcast %jit3A : i32 to vector<8x128xi32>
    %div3A_24 = arith.divsi %iota3A, %div3A : vector<8x128xi32>
    %sign3A = arith.constant 0 : i32
    %sign3A_25 = vector.broadcast %sign3A : i32 to vector<8x128xi32>
    %sign3A_26 = arith.cmpi sgt, %iota3A, %sign3A_25 : vector<8x128xi32>
    %sign3A_27 = arith.extui %sign3A_26 : vector<8x128xi1> to vector<8x128xi32>
    %sign3A_28 = arith.constant 0 : i32
    %sign3A_29 = vector.broadcast %sign3A_28 : i32 to vector<8x128xi32>
    %sign3A_30 = arith.cmpi slt, %iota3A, %sign3A_29 : vector<8x128xi32>
    %sign3A_31 = arith.extui %sign3A_30 : vector<8x128xi1> to vector<8x128xi32>
    %sign3A_32 = arith.subi %sign3A_27, %sign3A_31 : vector<8x128xi32>
    %sign3A_33 = arith.constant 0 : i32
    %sign3A_34 = arith.cmpi sgt, %jit3A, %sign3A_33 : i32
    %sign3A_35 = arith.extui %sign3A_34 : i1 to i32
    %sign3A_36 = arith.constant 0 : i32
    %sign3A_37 = arith.cmpi slt, %jit3A, %sign3A_36 : i32
    %sign3A_38 = arith.extui %sign3A_37 : i1 to i32
    %sign3A_39 = arith.subi %sign3A_35, %sign3A_38 : i32
    %ne3A = vector.broadcast %sign3A_39 : i32 to vector<8x128xi32>
    %ne3A_40 = arith.cmpi ne, %sign3A_32, %ne3A : vector<8x128xi32>
    %rem3A = vector.broadcast %jit3A : i32 to vector<8x128xi32>
    %rem3A_41 = arith.remsi %iota3A, %rem3A : vector<8x128xi32>
    %ne3A_42 = arith.constant 0 : i32
    %ne3A_43 = vector.broadcast %ne3A_42 : i32 to vector<8x128xi32>
    %ne3A_44 = arith.cmpi ne, %rem3A_41, %ne3A_43 : vector<8x128xi32>
    %and3A = arith.andi %ne3A_40, %ne3A_44 : vector<8x128xi1>
    %sub3A = arith.constant 1 : i32
    %sub3A_45 = vector.broadcast %sub3A : i32 to vector<8x128xi32>
    %sub3A_46 = arith.subi %div3A_24, %sub3A_45 : vector<8x128xi32>
    %select_n3A = arith.select %and3A, %sub3A_46, %div3A_24 : vector<8x128xi1>, vector<8x128xi32>
    %iota3A_47 = tpu.iota {dimensions = array<i32: 0>} : vector<8x128xi32>
    %eq3A = arith.cmpi eq, %select_n3A, %iota3A_47 : vector<8x128xi32>
    %convert_element_type3A = arith.extui %eq3A : vector<8x128xi1> to vector<8x128xi32>
    %convert_element_type3A_48 = arith.sitofp %convert_element_type3A : vector<8x128xi32> to vector<8x128xf32>
    %dot_general3A = arith.constant dense<0.000000e+00> : vector<2000x128xf32>
    %dot_general3A_49 = tpu.matmul %concatenate3A_23, %convert_element_type3A_48, %dot_general3A {dimension_numbers = #tpu.dot_dimension_numbers<[1], [0], [0], [1], [0, 0, 1, 1], [], []>, transpose_lhs_hint = false} : vector<2000x8xf32>, vector<8x128xf32>, vector<2000x128xf32> -> vector<2000x128xf32>
    %max3A = arith.constant 1.000000e-30 : f32
    %max3A_50 = vector.broadcast %max3A : f32 to vector<2000x128xf32>
    %max3A_51 = arith.maximumf %dot_general3A_49, %max3A_50 : vector<2000x128xf32>
    %div3A_52 = arith.divf %concatenate3A, %max3A_51 : vector<2000x128xf32>
    %get3A_53 = arith.constant 0 : index
    %get3A_54 = arith.constant 0 : index
    %get3A_55 = vector.load %arg2[%get3A_53, %get3A_54] : memref<128x256xf32, #tpu.memory_space<vmem>>, vector<128x256xf32>
    %dot_general3A_56 = arith.constant dense<0.000000e+00> : vector<2000x256xf32>
    %dot_general3A_57 = tpu.matmul %div3A_52, %get3A_55, %dot_general3A_56 {dimension_numbers = #tpu.dot_dimension_numbers<[1], [0], [0], [1], [0, 0, 1, 1], [], []>, transpose_lhs_hint = false} : vector<2000x128xf32>, vector<128x256xf32>, vector<2000x256xf32> -> vector<2000x256xf32>
    %get3A_58 = arith.constant 0 : index
    %get3A_59 = arith.constant 0 : index
    %get3A_60 = vector.load %arg3[%get3A_58, %get3A_59] : memref<1x256xf32, #tpu.memory_space<vmem>>, vector<1x256xf32>
    %add3A_61 = vector.broadcast %get3A_60 : vector<1x256xf32> to vector<2000x256xf32>
    %add3A_62 = arith.addf %dot_general3A_57, %add3A_61 : vector<2000x256xf32>
    %logistic3A = arith.negf %add3A_62 : vector<2000x256xf32>
    %logistic3A_63 = math.exp %logistic3A : vector<2000x256xf32>
    %logistic3A_64 = arith.constant 1.000000e+00 : f32
    %logistic3A_65 = vector.broadcast %logistic3A_64 : f32 to vector<2000x256xf32>
    %logistic3A_66 = arith.addf %logistic3A_65, %logistic3A_63 : vector<2000x256xf32>
    %logistic3A_67 = arith.divf %logistic3A_65, %logistic3A_66 : vector<2000x256xf32>
    %mul3A = arith.mulf %add3A_62, %logistic3A_67 : vector<2000x256xf32>
    %get3A_68 = arith.constant 0 : index
    %get3A_69 = arith.constant 0 : index
    %get3A_70 = vector.load %arg4[%get3A_68, %get3A_69] : memref<256x128xf32, #tpu.memory_space<vmem>>, vector<256x128xf32>
    %dot_general3A_71 = arith.constant dense<0.000000e+00> : vector<2000x128xf32>
    %dot_general3A_72 = tpu.matmul %mul3A, %get3A_70, %dot_general3A_71 {dimension_numbers = #tpu.dot_dimension_numbers<[1], [0], [0], [1], [0, 0, 1, 1], [], []>, transpose_lhs_hint = false} : vector<2000x256xf32>, vector<256x128xf32>, vector<2000x128xf32> -> vector<2000x128xf32>
    %get3A_73 = arith.constant 0 : index
    %get3A_74 = arith.constant 0 : index
    %get3A_75 = vector.load %arg5[%get3A_73, %get3A_74] : memref<1x128xf32, #tpu.memory_space<vmem>>, vector<1x128xf32>
    %add3A_76 = vector.broadcast %get3A_75 : vector<1x128xf32> to vector<2000x128xf32>
    %add3A_77 = arith.addf %dot_general3A_72, %add3A_76 : vector<2000x128xf32>
    %swap3A = arith.constant 0 : index
    %swap3A_78 = arith.constant 0 : index
    %swap3A_79 = vector.load %arg6[%swap3A, %swap3A_78] : memref<2000x128xf32, #tpu.memory_space<vmem>>, vector<2000x128xf32>
    tpu.vector_store %arg6[%swap3A, %swap3A_78], %add3A_77 {strides = array<i32>} : memref<2000x128xf32, #tpu.memory_space<vmem>>, vector<2000x128xf32>,
    return
  }
  func.func @transform_0(%arg0: i32) -> (i32, i32, i32) {
    %c0_i32 = arith.constant 0 : i32
    %c0_i32_0 = arith.constant 0 : i32
    %c0_i32_1 = arith.constant 0 : i32
    return %c0_i32, %arg0, %c0_i32_0 : i32, i32, i32
  }
  func.func @transform_1(%arg0: i32) -> (i32, i32) {
    %c0_i32 = arith.constant 0 : i32
    %c0_i32_0 = arith.constant 0 : i32
    %c0_i32_1 = arith.constant 0 : i32
    return %c0_i32, %c0_i32_0 : i32, i32
  }
  func.func @transform_2(%arg0: i32) -> (i32, i32) {
    %c0_i32 = arith.constant 0 : i32
    %c0_i32_0 = arith.constant 0 : i32
    %c0_i32_1 = arith.constant 0 : i32
    return %c0_i32, %c0_i32_0 : i32, i32
  }
  func.func @transform_3(%arg0: i32) -> (i32, i32) {
    %c0_i32 = arith.constant 0 : i32
    %c0_i32_0 = arith.constant 0 : i32
    %c0_i32_1 = arith.constant 0 : i32
    return %c0_i32, %c0_i32_0 : i32, i32
  }
  func.func @transform_4(%arg0: i32) -> (i32, i32) {
    %c0_i32 = arith.constant 0 : i32
    %c0_i32_0 = arith.constant 0 : i32
    %c0_i32_1 = arith.constant 0 : i32
    return %c0_i32, %c0_i32_0 : i32, i32
  }
  func.func @transform_5(%arg0: i32) -> (i32, i32) {
    %c0_i32 = arith.constant 0 : i32
    %c0_i32_0 = arith.constant 0 : i32
    return %arg0, %c0_i32 : i32, i32
  }
}

</mosaic_0001>

<sc_bundles>
// kernel: kernel.10.cloned.1.call-start
scs
__scs_entry_jumppad:
0x0: {  	(pc) =	sbr.rel $0x88, $3  }
0x1: {  	(tag) =	ssettag $0x0;
	lr =	simm.s32 $0x1  }
0x2: {  	[smem:$0x3F92] =	sst lr;
	_ =	strace $0xD0000000  }
0x3: {  	_ = 	snop  }
0x4: {  	_ = 	snop  }
0x5: {  	_ = 	snop  }
0x6: {  	_ = 	snop  }
0x7: {  	_ = 	snop  }
__scs_overlays_trampoline_lowered:
0x8: {  	[smem:$0x3FA1] =	sst s0  }
0x9: {  	[smem:$0x3FA2] =	sst s1  }
0xa: {  	[smem:$0x3FA3] =	sst s2  }
0xb: {  	[smem:$0x3FA4] =	sst s3  }
0xc: {  	[smem:$0x3FA5] =	sst s4  }
0xd: {  	[smem:$0x3FA6] =	sst s5  }
0xe: {  	[smem:$0x3FA7] =	sst s6  }
0xf: {  	[smem:$0x3FA8] =	sst s7  }
0x10: {  	[smem:$0x3FA9] =	sst s8  }
0x11: {  	[smem:$0x3FAA] =	sst s9;
	s0 =	simm.s32 @!p0 $0x0  }
0x12: {  	s1 =	sld [smem:$0x3F90];
	s0 =	simm.s32 @p0 $0x1  }
0x13: {  	[smem:$0x3FAB] =	sst s0;
	s0 =	simm.s32 @!p1 $0x0  }
0x14: {  	s2 =	sld [smem:$0x3F8F];
	s0 =	simm.s32 @p1 $0x1  }
0x15: {  	[smem:$0x3FAC] =	sst s0;
	s0 =	simm.s32 @!p2 $0x0  }
0x16: {  	s3 =	sld [smem:$0x3FDB];
	s0 =	simm.s32 @p2 $0x1  }
0x17: {  	s4 =	simm.s32 $0x1BF5;
	[smem:$0x3FAE] =	sst s0  }
0x18: {  	s0 =	sld [smem:$0x3F91];
	_ =	swait.ge [sflag:s4], $0x0  }
0x19: {  	s7 =	sld [smem:$0x3F92]  }
0x1a: {  	s8 =	sadd.s32 $0xFFFFE003, lr  }
0x1b: {  	s9 =	sadd.s32 $0xFFFFFEF7, lr;
	s5 =	simm.s32 $0xFFFFFFFF;
	p2 =	slt.u32 s8, $0xFFFFF086  }
0x1c: {  	p1 =	slt.u32 s9, $0xF7A;
	s5 =	simm.s32 @!p2 $0x0  }
0x1d: {  	s5 =	simm.s32 @p1 $0x1;
	p0 =	seq.s32 s7, s2  }
0x1e: {  	s7 =	smul.u32 @!p0 $0xF7A, s2;
	p2 =	seq.s32 @!p0 s5, $0x0  }
0x1f: {  	s9 =	smul.u32 $0xF7A, s1;
	s8 =	simm.s32 @!p0 $0x1BF5;
	p2 =	por !p2, p0  }
0x20: {  	[sflag:s8] =	ssyncset.s32 @!p0 $0xFFFFF086;
	s6 =	sadd.s32 @!p0 s3, s7;
	s7 =	simm.s32 @!p0 $0x108  }
0x21: {  	s3 =	sadd.s32 s3, s9;
	s6 =	sadd.s32 @!p0 $0x88, s6;
	s7 =	simm.s32 @p2 $0x1082  }
0x22: {  	[simem:s7], [sflag:s8] =	dma.local @!p0 [hbm:s6], $0xF7A  }
0x23: {  	s9 =	sor.u32 $0xD0000000, s2;
	s6 =	simm.s32 $0x108;
	_ =	swait.ge @!p0 [sflag:s8], $0x0  }
0x24: {  	s3 =	sadd.s32 $0x88, s3;
	s6 =	simm.s32 @!p1 $0x1082;
	[sflag:s4] =	ssyncset.s32 $0xFFFFF086  }
0x25: {  	[simem:s6], [sflag:s4] =	dma.local [hbm:s3], $0xF7A  }
0x26: {  	[smem:$0x3F92] =	sst s1;
	(tag) =	ssettag s2;
	_ =	strace s9  }
0x27: {  	s1 =	sld [smem:$0x3FA2]  }
0x28: {  	s2 =	sld [smem:$0x3FA3]  }
0x29: {  	s4 =	sld [smem:$0x3FA5]  }
0x2a: {  	p0 =	seq.s32 s5, $0x0;
	s5 =	sld [smem:$0x3FA6]  }
0x2b: {  	s6 =	sld [smem:$0x3FA7]  }
0x2c: {  	s7 =	sld [smem:$0x3FA8]  }
0x2d: {  	s3 =	simm.s32 $0x108;
	s8 =	sld [smem:$0x3FA9]  }
0x2e: {  	s3 =	simm.s32 @!p0 $0x1082;
	s9 =	sld [smem:$0x3FAA]  }
0x2f: {  	lr =	sadd.s32 s0, s3;
	s0 =	sld [smem:$0x3FA1]  }
0x30: {  	s3 =	sld [smem:$0x3FA4]  }
0x31: {  	[smem:$0x3FAD] =	sst s10  }
0x32: {  	s10 =	sld [smem:$0x3FAB];
	_ =	sdelay $0x3  }
0x33: {  	p0 =	seq.s32 s10, $0x1;
	s10 =	sld [smem:$0x3FAD];
	_ =	sdelay $0x3  }
0x34: {  	[smem:$0x3FAD] =	sst s10  }
0x35: {  	s10 =	sld [smem:$0x3FAC];
	_ =	sdelay $0x3  }
0x36: {  	p1 =	seq.s32 s10, $0x1;
	s10 =	sld [smem:$0x3FAD];
	_ =	sdelay $0x3  }
0x37: {  	[smem:$0x3FAD] =	sst s10  }
0x38: {  	s10 =	sld [smem:$0x3FAE]  }
0x39: {  	_ = 	snop;
	(pc) =	sbr.ind lr, $3  }
0x3a: {  	_ = 	snop  }
0x3b: {  	_ = 	snop  }
0x3c: {  	p2 =	seq.s32 s10, $0x1;
	s10 =	sld [smem:$0x3FAD]  }
0x3d: {  	_ =	shalt  }
0x3e: {  	_ =	shalt  }
0x3f: {  	_ =	shalt  }
0x40: {  	_ =	shalt  }
0x41: {  	_ =	shalt  }
0x42: {  	_ =	shalt  }
0x43: {  	_ =	shalt  }
0x44: {  	_ =	shalt  }
0x45: {  	_ =	shalt  }
0x46: {  	_ =	shalt  }
0x47: {  	_ =	shalt  }
0x48: {  	_ =	shalt  }
0x49: {  	_ =	shalt  }
0x4a: {  	_ =	shalt  }
0x4b: {  	_ =	shalt  }
0x4c: {  	_ =	shalt  }
0x4d: {  	_ =	shalt  }
0x4e: {  	_ =	shalt  }
0x4f: {  	_ =	shalt  }
0x50: {  	_ =	shalt  }
0x51: {  	_ =	shalt  }
0x52: {  	_ =	shalt  }
0x53: {  	_ =	shalt  }
0x54: {  	_ =	shalt  }
0x55: {  	_ =	shalt  }
0x56: {  	_ =	shalt  }
0x57: {  	_ =	shalt  }
0x58: {  	_ =	shalt  }
0x59: {  	_ =	shalt  }
0x5a: {  	_ =	shalt  }
0x5b: {  	_ =	shalt  }
0x5c: {  	_ =	shalt  }
0x5d: {  	_ =	shalt  }
0x5e: {  	_ =	shalt  }
0x5f: {  	_ =	shalt  }
0x60: {  	_ =	shalt  }
0x61: {  	_ =	shalt  }
0x62: {  	_ =	shalt  }
0x63: {  	_ =	shalt  }
0x64: {  	_ =	shalt  }
0x65: {  	_ =	shalt  }
0x66: {  	_ =	shalt  }
0x67: {  	_ =	shalt  }
0x68: {  	_ =	shalt  }
0x69: {  	_ =	shalt  }
0x6a: {  	_ =	shalt  }
0x6b: {  	_ =	shalt  }
0x6c: {  	_ =	shalt  }
0x6d: {  	_ =	shalt  }
0x6e: {  	_ =	shalt  }
0x6f: {  	_ =	shalt  }
0x70: {  	_ =	shalt  }
0x71: {  	_ =	shalt  }
0x72: {  	_ =	shalt  }
0x73: {  	_ =	shalt  }
0x74: {  	_ =	shalt  }
0x75: {  	_ =	shalt  }
0x76: {  	_ =	shalt  }
0x77: {  	_ =	shalt  }
0x78: {  	_ =	shalt  }
0x79: {  	_ =	shalt  }
0x7a: {  	_ =	shalt  }
0x7b: {  	_ =	shalt  }
0x7c: {  	_ =	shalt  }
0x7d: {  	_ =	shalt  }
0x7e: {  	_ =	shalt  }
0x7f: {  	_ =	shalt  }
0x80: {  	_ =	shalt  }
0x81: {  	_ =	shalt  }
0x82: {  	_ =	shalt  }
0x83: {  	_ =	shalt  }
0x84: {  	_ =	shalt  }
0x85: {  	_ =	shalt  }
0x86: {  	_ =	shalt  }
0x87: {  	_ =	shalt  }
.Lfunc_end0:
.L_simem_size_0:
called_computation_lowered:
.L_overlay_start_0:
0x88: {  	s2 =	sld [smem:$0x3FD9]  }
0x89: {  	s3 =	sld [smem:$0x3FFE];
	_ =	sdelay $0x1  }
0x8a: {  	s1 =	srdreg.scid  }
0x8b: {  	s0 =	sand.u32 $0x1, s1  }
0x8c: {  	s17 =	sshll.u32 s0, $0xA;
	s2 =	sadd.s32 s3, s2  }
0x8d: {  	s2 =	sadd.s32 s2, s17  }
0x8e: {  	[smem:$0x3FB9] =	sst s2  }
0x8f: {  	_ = 	snop  }
0x90: {  	s2 =	sld [smem:$0x3FC9]  }
0x91: {  	s18 =	sld [smem:$0x3FD0];
	(tm) =	ssettm $0x1  }
0x92: {  	s4 =	sld [smem:$0x3FFB];
	_ =	sdelay $0x3  }
0x93: {  	_ =	strace s4  }
0x94: {  	s4 =	sld [smem:$0x3FFC];
	_ =	sdelay $0x3  }
0x95: {  	_ =	strace s4  }
0x96: {  	s4 =	sld [smem:$0x3FFD];
	_ =	sdelay $0x3  }
0x97: {  	_ =	strace s4  }
0x98: {  	_ =	strace $0x8FFFFFFF  }
0x99: {  	s19 =	sld [smem:$0x3FDB];
	_ =	sdelay $0x1  }
0x9a: {  	s5 =	simm.s32 $_scs_section_size  }
0x9b: {  	s6 =	simm.s32 $_size__tile_overlayer_lowered;
	s7 =	simm.s32 $_tile_overlayer_lowered  }
0x9c: {  	s22 =	simm.s32 $0x1BFF;
	s21 =	sshll.u32 s7, $0x1;
	s4 =	sadd.s32 s5, s19  }
0x9d: {  	s8 =	simm.s32 $0x0;
	s20 =	sshll.u32 s6, $0x1;
	s6 =	sadd.s32 s21, s4  }
0x9e: {  	[timem:s8], [sflag:s22] =	dma.local [hbm:s6], s20  }
0x9f: {  	_ =	swait.ge [sflag:s22], s20  }
0xa0: {  	s5 =	ssub.s32 $0x0, s20;
	[sflag:s22] =	ssyncset.done $0x0  }
0xa1: {  	[sflag:s22] =	ssyncadd.s32 s5;
	_ =	sdelay $0x1  }
0xa2: {  	s23 =	simm.s32 $0x1B8B  }
0xa3: {  	_ =	swait.ge [sflag:s23], $0x1  }
0xa4: {  	[sflag:s23] =	ssyncset.done $0x0  }
0xa5: {  	s25 =	simm.s32 $0x1B8E;
	s24 =	sld [smem:$0x3FFE];
	[sflag:s23] =	ssyncadd.s32 $0xFFFFFFFF  }
0xa6: {  	s26 =	simm.s32 $execute0_lowered;
	[smem:$0x3FD2] =	sst s25  }
0xa7: {  	s6 =	sshll.u32 s26, $0x1;
	_ =	strace $0x80000046;
	[dreg:$0x1] =	wrdreg $0xFFFFFFFF  }
0xa8: {  	s28 =	simm.s32 $_size_execute0_lowered;
	s4 =	sadd.s32 s4, s6;
	[dreg:$0x0] =	wrdreg $0x0  }
0xa9: {  	s6 =	sshll.u32 s28, $0x1;
	[dreg:$0x2] =	wrdreg s4  }
0xaa: {  	[dreg:$0x3] =	wrdreg s6  }
0xab: {  	[dreg:$0x4] =	wrdreg $0xC0  }
0xac: {  	_ =	task [dreg:s8], $0x5FFFF  }
0xad: {  	[dreg:$0x1] =	wrdreg $0xFFFFFFFF  }
0xae: {  	[dreg:$0x0] =	wrdreg $0x60  }
0xaf: {  	[dreg:$0x2] =	wrdreg s24  }
0xb0: {  	[dreg:$0x3] =	wrdreg s2  }
0xb1: {  	[dreg:$0x4] =	wrdreg s18  }
0xb2: {  	[dreg:$0x5] =	wrdreg $0x9  }
0xb3: {  	_ =	task.clear_ibuf [dreg:s8], $0x6FFFF;
	_ =	strace $0x90000046  }
0xb4: {  	s29 =	simm.s32 $0x9;
	_ =	strace $0x80000048  }
0xb5: {  	_ =	swait.ge [sflag:s29], $0x1  }
0xb6: {  	[sflag:s29] =	ssyncadd.s32 $0xFFFFFFFF  }
0xb7: {  	_ =	strace $0x90000048  }
0xb8: {  	_ =	sfence  }
0xb9: {  	s30 =	sld [smem:$0x0];
	_ =	sdelay $0x2  }
0xba: {  	s31 =	sshll.u32 s1, $0xD;
	s1 =	sshrl.u32 s1, $0x2  }
0xbb: {  	s3 =	sand.u32 $0x4000, s31;
	s1 =	sadd.s32 s1, s30  }
0xbc: {  	s0 =	sor.u32 s3, s0;
	s1 =	sshll.u32 s1, $0x11  }
0xbd: {  	s0 =	sor.u32 s1, s0  }
0xbe: {  	s0 =	sadd.s32 $0x8F2B, s0  }
0xbf: {  	[sflag:s0] =	ssyncadd.remote.s32 $0x1  }
0xc0: {  	_ =	sfence.sel $0xFFFF  }
0xc1: {  	[dreg:$0x0] =	wrdreg $0xFFFFFFFF;
	(pc) =	sbr.abs _section_cstart, $3  }
0xc2: {  	[dreg:$0x1] =	wrdreg $0xFFFFFFFF  }
0xc3: {  	_ =	task.clear_ibuf [dreg:s8], $0x2FFFF;
	_ =	strace $0x9FFFFFFF  }
0xc4: {  	(tm) =	ssettm $0x7FFFFFFF  }
0xc5: {  	_ =	shalt  }
tec
execute0_lowered:
.L_overlay_start_1:
0x0: {  	(tag) =	ssettag $0x1  }
0x1: {  	s0 =	rddreg [dreg:$0x0]  }
0x2: {  	s1 =	rddreg [dreg:$0x1]  }
0x3: {  	s3 =	rddreg [dreg:$0x2];
	s4 =	simm.s32 $0x0  }
0x4: {  	s2 =	srdreg.scid;
	s14 =	stileid.u32;
	s28 =	simm.s32 $0x2A00  }
0x5: {  	s29 =	simm.s32 $0x3E00;
	s30 =	simm.s32 $0x2;
	s31 =	simm.s32 $0x3  }
0x6: {  	[smem:$0x7FF] =	sst s4;
	s2 =	sand.u32 $0x1, s2;
	s18 =	smul.u32 $0x2710, s14  }
0x7: {  	s6 =	sshll.u32 s14, $0x1;
	s5 =	sadd.s32 $0x4C00, s0;
	s23 =	smul.u32 $0x27100, s14  }
0x8: {  	s10 =	sadd.s32 $0xEC00, s0;
	_ =	strace $0x80000047;
	s13 =	smul.u32 $0x1388, s2  }
0x9: {  	s7 =	sor.u32 s2, s6;
	s8 =	ssub.s32 $0x2, s2;
	s2 =	smul.u32 $0x13880, s2  }
0xa: {  	s6 =	sadd.s32 $0x9C00, s0;
	s0 =	sadd.s32 $0x27FC00, s0;
	s9 =	smul.u32 $0x1388, s7  }
0xb: {  	s11 =	sshrl.u32 s8, $0x1;
	s7 =	smul.u32 $0x9C400, s7;
	s25 =	sadd.s32 s23, s10  }
0xc: {  	s8 =	ssub.s32 s8, s11;
	s21 =	sadd.s32 s13, s18;
	s16 =	sadd.s32 s2, s25  }
0xd: {  	s25 =	simm.s32 $0x1500;
	s17 =	sshrl.u32 s9, $0x3;
	s8 =	smax.u32 s8, $0x1  }
0xe: {  	s9 =	sadd.s32 $0x28, s9;
	s26 =	sadd.s32 $0x50, s21;
	[dreg:$0xa] =	wrdreg s8  }
0xf: {  	s7 =	sshrl.u32 s7, $0x3;
	s12 =	sadd.s32 s5, s17;
	[dreg:$0xd] =	wrdreg s26  }
0x10: {  	s9 =	sshrl.u32 s9, $0x3;
	s11 =	sadd.s32 s6, s17;
	[dreg:$0x4] =	wrdreg s12  }
0x11: {  	s22 =	sadd.s32 $0x78, s21;
	[dreg:$0x5] =	wrdreg s11;
	s19 =	sadd.s32 s5, s9  }
0x12: {  	s7 =	sadd.s32 $0x13600, s7;
	s9 =	sadd.s32 s6, s9;
	[dreg:$0x6] =	wrdreg s19  }
0x13: {  	s21 =	simm.s32 $0x2980;
	s20 =	sadd.s32 s10, s7;
	[dreg:$0x7] =	wrdreg s9  }
0x14: {  	s26 =	simm.s32 $0x4;
	s7 =	sadd.s32 s0, s7;
	[dreg:$0x8] =	wrdreg s20  }
0x15: {  	s0 =	sadd.s32 s23, s0;
	s23 =	simm.s32 $0x28;
	[dreg:$0x9] =	wrdreg s7  }
.Ltmp0:
0x16: {  	s7 =	sshrl.u32 s22, $0x3;
	s17 =	sadd.s32 s2, s0;
	(pc) =	sbr.rel .LBB2_1-.Ltmp0, $4  }
0x17: {  	s19 =	simm.s32 $0x80;
	s20 =	simm.s32 $0x2900;
	s22 =	simm.s32 $0x1  }
0x18: {  	s0 =	simm.s32 $0x7;
	s2 =	simm.s32 $0x5;
	s24 =	sadd.s32 s7, s6  }
0x19: {  	s9 =	simm.s32 $0x0;
	s7 =	sadd.s32 s7, s5;
	[dreg:$0xb] =	wrdreg s24  }
0x1a: {  	[dreg:$0xc] =	wrdreg s7;
	s24 =	simm.s32 $0x100;
	s7 =	simm.s32 $0x6  }
.LBB2_4:
0x1b: {  	_ =	swait.ge [sflag:s30], $0x1400  }
0x1c: {  	[sflag:s30] =	ssyncset.done $0x0  }
0x1d: {  	[sflag:s30] =	ssyncadd.s32 $0xFFFFEC00  }
0x1e: {  	_ =	swait.ge [sflag:s31], $0x1400  }
0x1f: {  	[sflag:s31] =	ssyncset.done $0x0  }
0x20: {  	s8 =	rddreg [dreg:$0x8];
	[sflag:s31] =	ssyncadd.s32 $0xFFFFEC00  }
0x21: {  	[hbm4b:s8+s4] =	stream.linear.scatter [tilespmem:s24], [sflag:$0x7], $0x1400, $0x38;
	[tilespmem:$0x5200] =	vst v63  }
0x22: {  	s15 =	simm.s32 $0x8;
	s14 =	rddreg [dreg:$0x9]  }
0x23: {  	[hbm4b:s14+s4] =	stream.linear.scatter [tilespmem:s25], [sflag:$0x7], $0x1400, $0x38;
	[tilespmem:$0x5200] =	vst v63  }
0x24: {  	_ =	swait.ge [sflag:s15], $0x1400  }
0x25: {  	[sflag:s15] =	ssyncset.done $0x0  }
0x26: {  	[sflag:s15] =	ssyncadd.s32 $0xFFFFEC00  }
0x27: {  	_ =	swait.ge [sflag:s15], $0x1400  }
0x28: {  	[sflag:s15] =	ssyncset.done $0x0  }
0x29: {  	[sflag:s15] =	ssyncadd.s32 $0xFFFFEC00  }
0x2a: {  	_ =	swait.ge [sflag:s0], $0x1400  }
0x2b: {  	[sflag:s0] =	ssyncset.done $0x0  }
0x2c: {  	[sflag:s0] =	ssyncadd.s32 $0xFFFFEC00  }
0x2d: {  	_ =	swait.ge [sflag:s0], $0x1400  }
0x2e: {  	s9 =	sadd.s32 $0x1, s9;
	s18 =	rddreg [dreg:$0xa]  }
0x2f: {  	p0 =	sne.s32 s9, s18  }
.Ltmp1:
0x30: {  	_ = 	snop;
	(pc) =	sbr.rel @!p0 .LBB2_5-.Ltmp1, $3  }
0x31: {  	_ =	sdelay $0x1  }
0x32: {  	[sflag:s0] =	ssyncset.done $0x0  }
0x33: {  	[sflag:s0] =	ssyncadd.s32 $0xFFFFEC00  }
.LBB2_1:
0x34: {  	s8 =	rddreg [dreg:$0x4]  }
0x35: {  	[tilespmem:s4], [sflag:$0x1] =	stream.linear.gather [hbm4b:s8+s4], $0x28, $0x38;
	[tilespmem:$0x5200] =	vst v63  }
0x36: {  	s14 =	rddreg [dreg:$0x5]  }
0x37: {  	[tilespmem:s19], [sflag:$0x1] =	stream.linear.gather [hbm4b:s14+s4], $0x28, $0x38;
	[tilespmem:$0x5200] =	vst v63  }
0x38: {  	s15 =	rddreg [dreg:$0x6]  }
0x39: {  	[tilespmem:s20], [sflag:$0x4] =	stream.linear.gather [hbm4b:s15+s4], $0x28, $0x38;
	[tilespmem:$0x5200] =	vst v63  }
0x3a: {  	s18 =	rddreg [dreg:$0x7]  }
0x3b: {  	[tilespmem:s21], [sflag:$0x4] =	stream.linear.gather [hbm4b:s18+s4], $0x28, $0x38;
	[tilespmem:$0x5200] =	vst v63  }
0x3c: {  	_ =	swait.ge [sflag:s22], $0x28  }
0x3d: {  	[sflag:s22] =	ssyncset.done $0x0  }
0x3e: {  	[sflag:s22] =	ssyncadd.s32 $0xFFFFFFD8  }
0x3f: {  	_ =	swait.ge [sflag:s22], $0x28  }
0x40: {  	[sflag:s22] =	ssyncset.done $0x0  }
0x41: {  	[sflag:s22] =	ssyncadd.s32 $0xFFFFFFD8  }
0x42: {  	[tilespmem:s24], [sflag:$0x2] =	stream.indirect.gather [hbm4b:s1+s23], $0x80, s4, s23, $0xb8;
	[tilespmem:$0x5200] =	vst v63  }
0x43: {  	_ = 	snop  }
0x44: {  	[tilespmem:s25], [sflag:$0x3] =	stream.indirect.gather [hbm4b:s3+s23], $0x80, s19, s23, $0xb8;
	[tilespmem:$0x5200] =	vst v63  }
0x45: {  	_ =	swait.ge [sflag:s26], $0x28  }
0x46: {  	[sflag:s26] =	ssyncset.done $0x0  }
0x47: {  	[sflag:s26] =	ssyncadd.s32 $0xFFFFFFD8  }
0x48: {  	_ =	swait.ge [sflag:s26], $0x28  }
0x49: {  	s18 =	rddreg [dreg:$0xd]  }
0x4a: {  	[sflag:s26] =	ssyncset.done $0x0;
	s15 =	rddreg [dreg:$0xc]  }
0x4b: {  	s11 =	simm.s32 $0x0;
	s14 =	rddreg [dreg:$0xb];
	[sflag:s26] =	ssyncadd.s32 $0xFFFFFFD8  }
.LBB2_2:
0x4c: {  	p0 =	seq.s32 s11, $0x0  }
0x4d: {  	s13 =	simm.s32 @!p0 $0x8  }
0x4e: {  	_ =	swait.ge @!p0 [sflag:s13], $0x1400  }
0x4f: {  	[sflag:s13] =	ssyncset.done @!p0 $0x0  }
0x50: {  	[sflag:s13] =	ssyncadd.s32 @!p0 $0xFFFFEC00  }
0x51: {  	_ =	swait.ge @!p0 [sflag:s13], $0x1400  }
0x52: {  	[sflag:s13] =	ssyncset.done @!p0 $0x0  }
0x53: {  	[sflag:s13] =	ssyncadd.s32 @!p0 $0xFFFFEC00  }
0x54: {  	[tilespmem:s28], [sflag:$0x5] =	stream.indirect.gather [hbm4b:s1+s23], $0x80, s20, s23, $0xb8;
	[tilespmem:$0x5200] =	vst v63  }
0x55: {  	_ = 	snop  }
0x56: {  	[tilespmem:s29], [sflag:$0x6] =	stream.indirect.gather [hbm4b:s3+s23], $0x80, s21, s23, $0xb8;
	[tilespmem:$0x5200] =	vst v63  }
0x57: {  	_ =	swait.ge [sflag:s30], $0x1400  }
0x58: {  	[sflag:s30] =	ssyncset.done $0x0  }
0x59: {  	[sflag:s30] =	ssyncadd.s32 $0xFFFFEC00  }
0x5a: {  	_ =	swait.ge [sflag:s31], $0x1400  }
0x5b: {  	[sflag:s31] =	ssyncset.done $0x0  }
0x5c: {  	s13 =	sadd.s32 s11, s16;
	[sflag:s31] =	ssyncadd.s32 $0xFFFFEC00  }
0x5d: {  	[hbm4b:s13+s4] =	stream.linear.scatter [tilespmem:s24], [sflag:$0x7], $0x1400, $0x38;
	[tilespmem:$0x5200] =	vst v63  }
0x5e: {  	s12 =	sadd.s32 s11, s17;
	s10 =	sshrl.u32 s18, $0x3  }
0x5f: {  	[hbm4b:s12+s4] =	stream.linear.scatter [tilespmem:s25], [sflag:$0x7], $0x1400, $0x38;
	[tilespmem:$0x5200] =	vst v63  }
0x60: {  	s8 =	sadd.s32 s5, s10  }
0x61: {  	[tilespmem:s4], [sflag:$0x1] =	stream.linear.gather [hbm4b:s8+s4], $0x28, $0x38;
	[tilespmem:$0x5200] =	vst v63  }
0x62: {  	s10 =	sadd.s32 s6, s10  }
0x63: {  	[tilespmem:s19], [sflag:$0x1] =	stream.linear.gather [hbm4b:s10+s4], $0x28, $0x38;
	[tilespmem:$0x5200] =	vst v63  }
0x64: {  	_ =	swait.ge [sflag:s22], $0x28  }
0x65: {  	[sflag:s22] =	ssyncset.done $0x0  }
0x66: {  	[sflag:s22] =	ssyncadd.s32 $0xFFFFFFD8  }
0x67: {  	_ =	swait.ge [sflag:s22], $0x28  }
0x68: {  	[sflag:s22] =	ssyncset.done $0x0  }
0x69: {  	[sflag:s22] =	ssyncadd.s32 $0xFFFFFFD8  }
0x6a: {  	_ =	swait.ge [sflag:s0], $0x1400  }
0x6b: {  	[sflag:s0] =	ssyncset.done $0x0  }
0x6c: {  	[sflag:s0] =	ssyncadd.s32 $0xFFFFEC00  }
0x6d: {  	_ =	swait.ge [sflag:s0], $0x1400  }
0x6e: {  	[sflag:s0] =	ssyncset.done $0x0  }
0x6f: {  	[sflag:s0] =	ssyncadd.s32 $0xFFFFEC00  }
0x70: {  	[tilespmem:s24], [sflag:$0x2] =	stream.indirect.gather [hbm4b:s1+s23], $0x80, s4, s23, $0xb8;
	[tilespmem:$0x5200] =	vst v63  }
0x71: {  	_ = 	snop  }
0x72: {  	[tilespmem:s25], [sflag:$0x3] =	stream.indirect.gather [hbm4b:s3+s23], $0x80, s19, s23, $0xb8;
	[tilespmem:$0x5200] =	vst v63  }
0x73: {  	_ =	swait.ge [sflag:s2], $0x1400  }
0x74: {  	[sflag:s2] =	ssyncset.done $0x0  }
0x75: {  	[sflag:s2] =	ssyncadd.s32 $0xFFFFEC00  }
0x76: {  	p0 =	seq.s32 s11, $0x13100;
	_ =	swait.ge [sflag:s7], $0x1400  }
.Ltmp2:
0x77: {  	[sflag:s7] =	ssyncset.done $0x0;
	(pc) =	sbr.rel @p0 .LBB2_4-.Ltmp2, $4  }
0x78: {  	s10 =	sadd.s32 $0x280, s13;
	[sflag:s7] =	ssyncadd.s32 $0xFFFFEC00  }
0x79: {  	[hbm4b:s10+s4] =	stream.linear.scatter [tilespmem:s28], [sflag:$0x8], $0x1400, $0x38;
	[tilespmem:$0x5200] =	vst v63  }
0x7a: {  	s13 =	sadd.s32 $0x280, s12  }
0x7b: {  	[hbm4b:s13+s4] =	stream.linear.scatter [tilespmem:s29], [sflag:$0x8], $0x1400, $0x38;
	[tilespmem:$0x5200] =	vst v63  }
0x7c: {  	[tilespmem:s20], [sflag:$0x4] =	stream.linear.gather [hbm4b:s15+s4], $0x28, $0x38;
	[tilespmem:$0x5200] =	vst v63  }
0x7d: {  	_ = 	snop  }
0x7e: {  	[tilespmem:s21], [sflag:$0x4] =	stream.linear.gather [hbm4b:s14+s4], $0x28, $0x38;
	[tilespmem:$0x5200] =	vst v63  }
0x7f: {  	_ =	swait.ge [sflag:s26], $0x28  }
.Ltmp3:
0x80: {  	[sflag:s26] =	ssyncset.done $0x0;
	(pc) =	sbr.rel .LBB2_2-.Ltmp3, $4  }
0x81: {  	[sflag:s26] =	ssyncadd.s32 $0xFFFFFFD8  }
0x82: {  	_ =	swait.ge [sflag:s26], $0x28  }
0x83: {  	s15 =	sadd.s32 $0xA, s15;
	s11 =	sadd.s32 $0x500, s11;
	[sflag:s26] =	ssyncset.done $0x0  }
0x84: {  	s18 =	sadd.s32 $0x50, s18;
	s14 =	sadd.s32 $0xA, s14;
	[sflag:s26] =	ssyncadd.s32 $0xFFFFFFD8  }
.LBB2_5:
0x85: {  	_ =	sfence.sel $0x180000  }
0x86: {  	[bflag:$0x0] =	sbarrier.arrive $0xFFFF  }
0x87: {  	_ =	strace $0x90000047  }
0x88: {  	s0 =	stileid.u32;
	[bflag:$0x2] =	sbarrier.arrive $0xFFFF  }
0x89: {  	p0 =	sne.s32 s0, $0x0;
	s0 =	rddreg [dreg:$0x3]  }
0x8a: {  	s0 =	sadd.s32 @!p0 $0x100000, s0  }
0x8b: {  	[sflag:s0] =	ssyncadd.tile.s32 @!p0 $0x1;
	_ =	shalt  }
.Lfunc_end2:
_tile_overlayer_lowered:
.L_overlay_start_2:
0x8c: {  	(tag) =	ssettag $0x2  }
0x8d: {  	s0 =	rddreg [dreg:$0x0];
	s2 =	stileid.u32  }
0x8e: {  	s1 =	rddreg [dreg:$0x1];
	p0 =	sne.s32 s2, $0x0  }
0x8f: {  	s3 =	rddreg [dreg:$0x2];
	[bflag:$0x3] =	sbarrier.arrive $0xFFFF;
	s2 =	simm.s32 @!p0 $0x1C09  }
0x90: {  	[timem:s3], [sflag:s2] =	dma.local @!p0 [hbm:s0], s1  }
0x91: {  	s0 =	simm.s32 @!p0 $0x9  }
0x92: {  	_ =	swait.ge @!p0 [sflag:s0], s1  }
0x93: {  	s1 =	ssub.s32 @!p0 $0x0, s1;
	[sflag:s0] =	ssyncset.done @!p0 $0x0  }
0x94: {  	[sflag:s0] =	ssyncadd.s32 @!p0 s1  }
0x95: {  	[bflag:$0x3] =	sbarrier.arrive $0xFFFF  }
0x96: {  	_ =	shalt  }

// kernel: kernel.13.cloned.1.call-start
scs
__scs_entry_jumppad:
0x0: {  	(pc) =	sbr.rel $0x88, $3  }
0x1: {  	(tag) =	ssettag $0x0;
	lr =	simm.s32 $0x1  }
0x2: {  	[smem:$0x3F92] =	sst lr;
	_ =	strace $0xD0000000  }
0x3: {  	_ = 	snop  }
0x4: {  	_ = 	snop  }
0x5: {  	_ = 	snop  }
0x6: {  	_ = 	snop  }
0x7: {  	_ = 	snop  }
__scs_overlays_trampoline_lowered:
0x8: {  	[smem:$0x3FA1] =	sst s0  }
0x9: {  	[smem:$0x3FA2] =	sst s1  }
0xa: {  	[smem:$0x3FA3] =	sst s2  }
0xb: {  	[smem:$0x3FA4] =	sst s3  }
0xc: {  	[smem:$0x3FA5] =	sst s4  }
0xd: {  	[smem:$0x3FA6] =	sst s5  }
0xe: {  	[smem:$0x3FA7] =	sst s6  }
0xf: {  	[smem:$0x3FA8] =	sst s7  }
0x10: {  	[smem:$0x3FA9] =	sst s8  }
0x11: {  	[smem:$0x3FAA] =	sst s9;
	s0 =	simm.s32 @!p0 $0x0  }
0x12: {  	s1 =	sld [smem:$0x3F90];
	s0 =	simm.s32 @p0 $0x1  }
0x13: {  	[smem:$0x3FAB] =	sst s0;
	s0 =	simm.s32 @!p1 $0x0  }
0x14: {  	s2 =	sld [smem:$0x3F8F];
	s0 =	simm.s32 @p1 $0x1  }
0x15: {  	[smem:$0x3FAC] =	sst s0;
	s0 =	simm.s32 @!p2 $0x0  }
0x16: {  	s3 =	sld [smem:$0x3FDB];
	s0 =	simm.s32 @p2 $0x1  }
0x17: {  	s4 =	simm.s32 $0x1BF5;
	[smem:$0x3FAE] =	sst s0  }
0x18: {  	s0 =	sld [smem:$0x3F91];
	_ =	swait.ge [sflag:s4], $0x0  }
0x19: {  	s7 =	sld [smem:$0x3F92]  }
0x1a: {  	s8 =	sadd.s32 $0xFFFFE003, lr  }
0x1b: {  	s9 =	sadd.s32 $0xFFFFFEF7, lr;
	s5 =	simm.s32 $0xFFFFFFFF;
	p2 =	slt.u32 s8, $0xFFFFF086  }
0x1c: {  	p1 =	slt.u32 s9, $0xF7A;
	s5 =	simm.s32 @!p2 $0x0  }
0x1d: {  	s5 =	simm.s32 @p1 $0x1;
	p0 =	seq.s32 s7, s2  }
0x1e: {  	s7 =	smul.u32 @!p0 $0xF7A, s2;
	p2 =	seq.s32 @!p0 s5, $0x0  }
0x1f: {  	s9 =	smul.u32 $0xF7A, s1;
	s8 =	simm.s32 @!p0 $0x1BF5;
	p2 =	por !p2, p0  }
0x20: {  	[sflag:s8] =	ssyncset.s32 @!p0 $0xFFFFF086;
	s6 =	sadd.s32 @!p0 s3, s7;
	s7 =	simm.s32 @!p0 $0x108  }
0x21: {  	s3 =	sadd.s32 s3, s9;
	s6 =	sadd.s32 @!p0 $0x88, s6;
	s7 =	simm.s32 @p2 $0x1082  }
0x22: {  	[simem:s7], [sflag:s8] =	dma.local @!p0 [hbm:s6], $0xF7A  }
0x23: {  	s9 =	sor.u32 $0xD0000000, s2;
	s6 =	simm.s32 $0x108;
	_ =	swait.ge @!p0 [sflag:s8], $0x0  }
0x24: {  	s3 =	sadd.s32 $0x88, s3;
	s6 =	simm.s32 @!p1 $0x1082;
	[sflag:s4] =	ssyncset.s32 $0xFFFFF086  }
0x25: {  	[simem:s6], [sflag:s4] =	dma.local [hbm:s3], $0xF7A  }
0x26: {  	[smem:$0x3F92] =	sst s1;
	(tag) =	ssettag s2;
	_ =	strace s9  }
0x27: {  	s1 =	sld [smem:$0x3FA2]  }
0x28: {  	s2 =	sld [smem:$0x3FA3]  }
0x29: {  	s4 =	sld [smem:$0x3FA5]  }
0x2a: {  	p0 =	seq.s32 s5, $0x0;
	s5 =	sld [smem:$0x3FA6]  }
0x2b: {  	s6 =	sld [smem:$0x3FA7]  }
0x2c: {  	s7 =	sld [smem:$0x3FA8]  }
0x2d: {  	s3 =	simm.s32 $0x108;
	s8 =	sld [smem:$0x3FA9]  }
0x2e: {  	s3 =	simm.s32 @!p0 $0x1082;
	s9 =	sld [smem:$0x3FAA]  }
0x2f: {  	lr =	sadd.s32 s0, s3;
	s0 =	sld [smem:$0x3FA1]  }
0x30: {  	s3 =	sld [smem:$0x3FA4]  }
0x31: {  	[smem:$0x3FAD] =	sst s10  }
0x32: {  	s10 =	sld [smem:$0x3FAB];
	_ =	sdelay $0x3  }
0x33: {  	p0 =	seq.s32 s10, $0x1;
	s10 =	sld [smem:$0x3FAD];
	_ =	sdelay $0x3  }
0x34: {  	[smem:$0x3FAD] =	sst s10  }
0x35: {  	s10 =	sld [smem:$0x3FAC];
	_ =	sdelay $0x3  }
0x36: {  	p1 =	seq.s32 s10, $0x1;
	s10 =	sld [smem:$0x3FAD];
	_ =	sdelay $0x3  }
0x37: {  	[smem:$0x3FAD] =	sst s10  }
0x38: {  	s10 =	sld [smem:$0x3FAE]  }
0x39: {  	_ = 	snop;
	(pc) =	sbr.ind lr, $3  }
0x3a: {  	_ = 	snop  }
0x3b: {  	_ = 	snop  }
0x3c: {  	p2 =	seq.s32 s10, $0x1;
	s10 =	sld [smem:$0x3FAD]  }
0x3d: {  	_ =	shalt  }
0x3e: {  	_ =	shalt  }
0x3f: {  	_ =	shalt  }
0x40: {  	_ =	shalt  }
0x41: {  	_ =	shalt  }
0x42: {  	_ =	shalt  }
0x43: {  	_ =	shalt  }
0x44: {  	_ =	shalt  }
0x45: {  	_ =	shalt  }
0x46: {  	_ =	shalt  }
0x47: {  	_ =	shalt  }
0x48: {  	_ =	shalt  }
0x49: {  	_ =	shalt  }
0x4a: {  	_ =	shalt  }
0x4b: {  	_ =	shalt  }
0x4c: {  	_ =	shalt  }
0x4d: {  	_ =	shalt  }
0x4e: {  	_ =	shalt  }
0x4f: {  	_ =	shalt  }
0x50: {  	_ =	shalt  }
0x51: {  	_ =	shalt  }
0x52: {  	_ =	shalt  }
0x53: {  	_ =	shalt  }
0x54: {  	_ =	shalt  }
0x55: {  	_ =	shalt  }
0x56: {  	_ =	shalt  }
0x57: {  	_ =	shalt  }
0x58: {  	_ =	shalt  }
0x59: {  	_ =	shalt  }
0x5a: {  	_ =	shalt  }
0x5b: {  	_ =	shalt  }
0x5c: {  	_ =	shalt  }
0x5d: {  	_ =	shalt  }
0x5e: {  	_ =	shalt  }
0x5f: {  	_ =	shalt  }
0x60: {  	_ =	shalt  }
0x61: {  	_ =	shalt  }
0x62: {  	_ =	shalt  }
0x63: {  	_ =	shalt  }
0x64: {  	_ =	shalt  }
0x65: {  	_ =	shalt  }
0x66: {  	_ =	shalt  }
0x67: {  	_ =	shalt  }
0x68: {  	_ =	shalt  }
0x69: {  	_ =	shalt  }
0x6a: {  	_ =	shalt  }
0x6b: {  	_ =	shalt  }
0x6c: {  	_ =	shalt  }
0x6d: {  	_ =	shalt  }
0x6e: {  	_ =	shalt  }
0x6f: {  	_ =	shalt  }
0x70: {  	_ =	shalt  }
0x71: {  	_ =	shalt  }
0x72: {  	_ =	shalt  }
0x73: {  	_ =	shalt  }
0x74: {  	_ =	shalt  }
0x75: {  	_ =	shalt  }
0x76: {  	_ =	shalt  }
0x77: {  	_ =	shalt  }
0x78: {  	_ =	shalt  }
0x79: {  	_ =	shalt  }
0x7a: {  	_ =	shalt  }
0x7b: {  	_ =	shalt  }
0x7c: {  	_ =	shalt  }
0x7d: {  	_ =	shalt  }
0x7e: {  	_ =	shalt  }
0x7f: {  	_ =	shalt  }
0x80: {  	_ =	shalt  }
0x81: {  	_ =	shalt  }
0x82: {  	_ =	shalt  }
0x83: {  	_ =	shalt  }
0x84: {  	_ =	shalt  }
0x85: {  	_ =	shalt  }
0x86: {  	_ =	shalt  }
0x87: {  	_ =	shalt  }
.Lfunc_end0:
.L_simem_size_0:
called_computation.1_lowered:
.L_overlay_start_0:
0x88: {  	s2 =	sld [smem:$0x3FD9]  }
0x89: {  	s3 =	sld [smem:$0x3FFE];
	_ =	sdelay $0x1  }
0x8a: {  	s1 =	srdreg.scid  }
0x8b: {  	s0 =	sand.u32 $0x1, s1  }
0x8c: {  	s17 =	sshll.u32 s0, $0xA;
	s2 =	sadd.s32 s3, s2  }
0x8d: {  	s2 =	sadd.s32 s2, s17  }
0x8e: {  	[smem:$0x3FB9] =	sst s2  }
0x8f: {  	_ = 	snop  }
0x90: {  	(tm) =	ssettm $0x1  }
0x91: {  	s18 =	sld [smem:$0x3FFB];
	_ =	sdelay $0x3  }
0x92: {  	_ =	strace s18  }
0x93: {  	s2 =	sld [smem:$0x3FFC];
	_ =	sdelay $0x3  }
0x94: {  	_ =	strace s2  }
0x95: {  	s2 =	sld [smem:$0x3FFD];
	_ =	sdelay $0x3  }
0x96: {  	_ =	strace s2  }
0x97: {  	_ =	strace $0x8FFFFFFF  }
0x98: {  	s19 =	sld [smem:$0x3FDB];
	_ =	sdelay $0x1  }
0x99: {  	s20 =	simm.s32 $_scs_section_size  }
0x9a: {  	s4 =	simm.s32 $_size__tile_overlayer_lowered;
	s5 =	simm.s32 $_tile_overlayer_lowered  }
0x9b: {  	s6 =	simm.s32 $0x1BFF;
	s21 =	sshll.u32 s5, $0x1;
	s3 =	sadd.s32 s20, s19  }
0x9c: {  	s22 =	simm.s32 $0x0;
	s4 =	sshll.u32 s4, $0x1;
	s5 =	sadd.s32 s21, s3  }
0x9d: {  	[timem:s22], [sflag:s6] =	dma.local [hbm:s5], s4  }
0x9e: {  	_ =	swait.ge [sflag:s6], s4  }
0x9f: {  	s4 =	ssub.s32 $0x0, s4;
	[sflag:s6] =	ssyncset.done $0x0  }
0xa0: {  	[sflag:s6] =	ssyncadd.s32 s4;
	_ =	sdelay $0x1  }
0xa1: {  	s23 =	simm.s32 $0x1B8B  }
0xa2: {  	_ =	swait.ge [sflag:s23], $0x1  }
0xa3: {  	[sflag:s23] =	ssyncset.done $0x0  }
0xa4: {  	[sflag:s23] =	ssyncadd.s32 $0xFFFFFFFF  }
0xa5: {  	s4 =	sld [smem:$0x0]  }
0xa6: {  	s5 =	sand.u32 $0xFFFFFFFE, s1  }
0xa7: {  	p0 =	sne.s32 s1, s5  }
0xa8: {  	s5 =	sshll.u32 @p0 s5, $0xE  }
0xa9: {  	s5 =	sadd.s32 @p0 $0x11B8D, s5;
	s6 =	sshll.u32 @p0 s4, $0x11  }
0xaa: {  	s5 =	sor.u32 @p0 s6, s5  }
0xab: {  	[sflag:s5] =	ssyncadd.remote.s32 @p0 $0x1;
	_ =	sdelay $0x1  }
0xac: {  	s5 =	simm.s32 @p0 $0x1B8D  }
0xad: {  	_ =	swait.eq @p0 [sflag:s5], $0x1  }
0xae: {  	[sflag:s5] =	ssyncadd.s32 @p0 $0xFFFFFFFF  }
0xaf: {  	s6 =	sshll.u32 @!p0 s1, $0xE  }
0xb0: {  	s6 =	sor.u32 @!p0 $0x4000, s6;
	s5 =	simm.s32 @!p0 $0x1B8D  }
0xb1: {  	s4 =	sshll.u32 @!p0 s4, $0x11;
	s6 =	sadd.s32 @!p0 $0x11B8D, s6;
	_ =	swait.eq @!p0 [sflag:s5], $0x1  }
0xb2: {  	s4 =	sor.u32 @!p0 s4, s6;
	[sflag:s5] =	ssyncadd.s32 @!p0 $0xFFFFFFFF  }
0xb3: {  	s25 =	simm.s32 $0x1B8E;
	s24 =	sld [smem:$0x3FFE];
	[sflag:s4] =	ssyncadd.remote.s32 @!p0 $0x1  }
0xb4: {  	s26 =	simm.s32 $execute0_lowered;
	[smem:$0x3FD2] =	sst s25  }
0xb5: {  	s5 =	sshll.u32 s26, $0x1;
	_ =	strace $0x8000004C;
	[dreg:$0x1] =	wrdreg $0xFFFFFFFF  }
0xb6: {  	s28 =	simm.s32 $_size_execute0_lowered;
	s3 =	sadd.s32 s3, s5;
	[dreg:$0x0] =	wrdreg $0x0  }
0xb7: {  	s5 =	sshll.u32 s28, $0x1;
	[dreg:$0x2] =	wrdreg s3  }
0xb8: {  	[dreg:$0x3] =	wrdreg s5  }
0xb9: {  	[dreg:$0x4] =	wrdreg $0xC0  }
0xba: {  	_ =	task [dreg:s22], $0x5FFFF  }
0xbb: {  	[dreg:$0x1] =	wrdreg $0xFFFFFFFF  }
0xbc: {  	[dreg:$0x0] =	wrdreg $0x60  }
0xbd: {  	[dreg:$0x2] =	wrdreg s24  }
0xbe: {  	[dreg:$0x3] =	wrdreg $0xA2000  }
0xbf: {  	[dreg:$0x4] =	wrdreg $0x9  }
0xc0: {  	_ =	task.clear_ibuf [dreg:s22], $0x5FFFF;
	_ =	strace $0x9000004C  }
0xc1: {  	s29 =	simm.s32 $0x9;
	_ =	strace $0x8000004E  }
0xc2: {  	_ =	swait.ge [sflag:s29], $0x1  }
0xc3: {  	[sflag:s29] =	ssyncadd.s32 $0xFFFFFFFF  }
0xc4: {  	_ =	strace $0x9000004E  }
0xc5: {  	_ =	sfence  }
0xc6: {  	s30 =	sld [smem:$0x0];
	_ =	sdelay $0x2  }
0xc7: {  	s31 =	sshll.u32 s1, $0xD;
	s1 =	sshrl.u32 s1, $0x2  }
0xc8: {  	s4 =	sand.u32 $0x4000, s31;
	s1 =	sadd.s32 s1, s30  }
0xc9: {  	s0 =	sor.u32 s4, s0;
	s1 =	sshll.u32 s1, $0x11  }
0xca: {  	s0 =	sor.u32 s1, s0  }
0xcb: {  	s0 =	sadd.s32 $0x8F2B, s0  }
0xcc: {  	[sflag:s0] =	ssyncadd.remote.s32 $0x1  }
0xcd: {  	_ =	sfence.sel $0xFFFF  }
0xce: {  	[dreg:$0x0] =	wrdreg $0xFFFFFFFF;
	(pc) =	sbr.abs _section_cstart, $3  }
0xcf: {  	[dreg:$0x1] =	wrdreg $0xFFFFFFFF  }
0xd0: {  	_ =	task.clear_ibuf [dreg:s22], $0x2FFFF;
	_ =	strace $0x9FFFFFFF  }
0xd1: {  	(tm) =	ssettm $0x7FFFFFFF  }
tec
execute0_lowered:
.L_overlay_start_1:
0x0: {  	(tag) =	ssettag $0x1  }
0x1: {  	s0 =	rddreg [dreg:$0x0]  }
0x2: {  	s1 =	rddreg [dreg:$0x1];
	s3 =	simm.s32 $0x0  }
0x3: {  	s2 =	srdreg.scid;
	s13 =	stileid.u32;
	s28 =	simm.s32 $0x100  }
0x4: {  	s29 =	simm.s32 $0x5200;
	s30 =	simm.s32 $0x180;
	s6 =	smul.u32 $0x14000, s13  }
0x5: {  	s31 =	simm.s32 $0x7A00;
	[smem:$0x7FF] =	sst s3;
	s20 =	smul.u32 $0x50000, s13  }
0x6: {  	s2 =	sand.u32 $0x1, s2;
	s4 =	sadd.s32 $0xC9C200, s0;
	s10 =	smul.u32 $0x2710, s13  }
0x7: {  	s8 =	sadd.s32 $0x9C00, s0;
	s7 =	sadd.s32 $0x4C00, s0;
	s24 =	smul.u32 $0x138800, s13  }
0x8: {  	s23 =	sshll.u32 s13, $0x6;
	s5 =	smul.u32 $0x140000, s2;
	_ =	strace $0x8000004D  }
0x9: {  	[dreg:$0x3] =	wrdreg s7;
	s19 =	ssub.s32 $0x2, s2;
	s2 =	smul.u32 $0x1388000, s2  }
0xa: {  	s7 =	sor.u32 $0x1C09, s23;
	s9 =	sshrl.u32 s19, $0x1;
	s22 =	sshrl.u32 s20, $0x2  }
0xb: {  	s25 =	sadd.s32 $0x50, s10;
	s11 =	sshrl.u32 s10, $0x3;
	s15 =	sadd.s32 $0xA0, s10  }
0xc: {  	s10 =	sadd.s32 $0xF0, s10;
	s5 =	sadd.s32 s6, s5;
	s21 =	ssub.s32 s19, s9  }
0xd: {  	s6 =	sadd.s32 s22, s1;
	s9 =	sadd.s32 s24, s2;
	s12 =	sshll.u32 s25, $0x7  }
0xe: {  	s11 =	sadd.s32 s8, s11;
	s16 =	sshrl.u32 s15, $0x3;
	s17 =	sshll.u32 s10, $0x7  }
0xf: {  	s10 =	sshrl.u32 s10, $0x3;
	s5 =	sshrl.u32 s5, $0x3;
	[dreg:$0x4] =	wrdreg s6  }
0x10: {  	[dreg:$0x5] =	wrdreg s11;
	s26 =	sshrl.u32 s9, $0x3;
	s12 =	sadd.s32 s2, s12  }
0x11: {  	s6 =	sshrl.u32 s25, $0x3;
	s18 =	sadd.s32 s8, s10;
	s19 =	sadd.s32 $0x11800, s9  }
0x12: {  	s20 =	smax.u32 s21, $0x1;
	s21 =	smul.u32 $0x4E2, s13;
	s22 =	sadd.s32 $0xF000, s9  }
0x13: {  	s23 =	sadd.s32 $0xC800, s9;
	s10 =	simm.s32 $0x6;
	s13 =	simm.s32 $0x0  }
0x14: {  	s0 =	sadd.s32 s5, s0;
	s11 =	sadd.s32 s4, s26;
	[dreg:$0xb] =	wrdreg s18  }
0x15: {  	s12 =	sshrl.u32 s12, $0x3;
	s6 =	sadd.s32 s8, s6;
	[dreg:$0xe] =	wrdreg s20  }
0x16: {  	s24 =	sshrl.u32 s23, $0x3;
	s26 =	sadd.s32 $0xA000, s9;
	s23 =	simm.s32 $0x9  }
0x17: {  	s5 =	simm.s32 $0x2;
	s9 =	simm.s32 $0x5;
	[dreg:$0x6] =	wrdreg s11  }
0x18: {  	[dreg:$0x7] =	wrdreg s6;
	s14 =	sadd.s32 s4, s12;
	s6 =	sshll.u32 s15, $0x7  }
0x19: {  	s11 =	sadd.s32 s8, s16;
	s0 =	sadd.s32 $0xA2AE00, s0;
	[dreg:$0x12] =	wrdreg s26  }
0x1a: {  	s25 =	sadd.s32 s24, s4;
	s24 =	simm.s32 $0x200;
	[dreg:$0x8] =	wrdreg s14  }
0x1b: {  	s26 =	simm.s32 $0x2A00;
	s12 =	simm.s32 $0x8;
	[dreg:$0x9] =	wrdreg s11  }
0x1c: {  	s6 =	sadd.s32 s2, s6;
	s2 =	sadd.s32 s2, s17;
	[dreg:$0xd] =	wrdreg s0  }
0x1d: {  	s0 =	sshrl.u32 s19, $0x3;
	s19 =	sadd.s32 s21, s8;
	[dreg:$0x11] =	wrdreg s25  }
0x1e: {  	s25 =	simm.s32 $0x80;
	s8 =	simm.s32 $0x4;
	s11 =	simm.s32 $0x7  }
.Ltmp0:
0x1f: {  	s6 =	sshrl.u32 s6, $0x3;
	s0 =	sadd.s32 s0, s4;
	(pc) =	sbr.rel .LBB2_1-.Ltmp0, $4  }
0x20: {  	s2 =	sshrl.u32 s2, $0x3;
	s6 =	sadd.s32 s4, s6;
	[dreg:$0xf] =	wrdreg s0  }
0x21: {  	s2 =	sadd.s32 s4, s2;
	s0 =	sshrl.u32 s22, $0x3;
	[dreg:$0xa] =	wrdreg s6  }
0x22: {  	[dreg:$0xc] =	wrdreg s2;
	s0 =	sadd.s32 s0, s4;
	s2 =	simm.s32 $0x50  }
0x23: {  	s6 =	simm.s32 $0x3;
	[dreg:$0x10] =	wrdreg s0;
	s0 =	simm.s32 $0x1  }
.LBB2_4:
0x24: {  	_ =	swait.ge [sflag:s11], $0x2800  }
0x25: {  	[sflag:s11] =	ssyncset.done $0x0  }
0x26: {  	[sflag:s11] =	ssyncadd.s32 $0xFFFFD800  }
0x27: {  	_ =	swait.ge [sflag:s12], $0x2800  }
0x28: {  	[sflag:s12] =	ssyncset.done $0x0  }
0x29: {  	[sflag:s12] =	ssyncadd.s32 $0xFFFFD800  }
0x2a: {  	_ =	swait.ge [sflag:s0], $0x50  }
0x2b: {  	[sflag:s0] =	ssyncset.done $0x0  }
0x2c: {  	[sflag:s0] =	ssyncadd.s32 $0xFFFFFFB0  }
0x2d: {  	_ =	swait.ge [sflag:s0], $0x2800  }
0x2e: {  	[sflag:s0] =	ssyncset.done $0x0  }
0x2f: {  	[sflag:s0] =	ssyncadd.s32 $0xFFFFD800  }
0x30: {  	[spmem:s1] =	stream.indirect.scatter.add.f32 [tilespmem:s24], [sflag:$0x5], $0x80, s3, s2, $0xb8;
	[tilespmem:$0x1E200] =	vst v63  }
0x31: {  	_ =	swait.ge [sflag:s9], $0x2800  }
0x32: {  	[sflag:s9] =	ssyncset.done $0x0  }
0x33: {  	[sflag:s9] =	ssyncadd.s32 $0xFFFFD800  }
0x34: {  	[bflag:$0x0] =	sbarrier.arrive $0xFFFF  }
0x35: {  	s15 =	rddreg [dreg:$0xd]  }
0x36: {  	[hbm:s15], [sflag:s7] =	dma.local [spmem:s14], $0x2800  }
0x37: {  	_ =	swait.ge [sflag:s23], $0x2800  }
0x38: {  	s13 =	sadd.s32 $0x1, s13;
	s22 =	rddreg [dreg:$0xe]  }
0x39: {  	p0 =	sne.s32 s13, s22  }
.Ltmp1:
0x3a: {  	_ = 	snop;
	(pc) =	sbr.rel @!p0 .LBB2_5-.Ltmp1, $3  }
0x3b: {  	_ =	sdelay $0x1  }
0x3c: {  	[sflag:s23] =	ssyncset.done $0x0  }
0x3d: {  	[sflag:s23] =	ssyncadd.s32 $0xFFFFD800  }
.LBB2_1:
0x3e: {  	s14 =	rddreg [dreg:$0x4]  }
0x3f: {  	s15 =	rddreg [dreg:$0x3];
	s14 =	sshrl.u32 s14, $0x3  }
0x40: {  	[spmem:s14], [sflag:s7] =	dma.local [hbm:s15], $0x2800  }
0x41: {  	_ =	swait.ge [sflag:s23], $0x2800  }
0x42: {  	[sflag:s23] =	ssyncset.done $0x0  }
0x43: {  	[sflag:s23] =	ssyncadd.s32 $0xFFFFD800  }
0x44: {  	[bflag:$0x0] =	sbarrier.arrive $0xFFFF  }
0x45: {  	s21 =	rddreg [dreg:$0x5]  }
0x46: {  	s22 =	rddreg [dreg:$0x6]  }
0x47: {  	s16 =	rddreg [dreg:$0x7]  }
0x48: {  	s17 =	rddreg [dreg:$0x8]  }
0x49: {  	[tilespmem:s3], [sflag:$0x1] =	stream.linear.gather [hbm4b:s21+s3], $0x50, $0x38;
	[tilespmem:$0x1E200] =	vst v63  }
0x4a: {  	s18 =	rddreg [dreg:$0x9]  }
0x4b: {  	[tilespmem:s24], [sflag:$0x1] =	stream.linear.gather [hbm4b:s22+s3], $0x2800, $0x38;
	[tilespmem:$0x1E200] =	vst v63  }
0x4c: {  	s20 =	rddreg [dreg:$0xa]  }
0x4d: {  	[tilespmem:s25], [sflag:$0x2] =	stream.linear.gather [hbm4b:s16+s3], $0x50, $0x38;
	[tilespmem:$0x1E200] =	vst v63  }
0x4e: {  	s21 =	rddreg [dreg:$0xb]  }
0x4f: {  	[tilespmem:s26], [sflag:$0x2] =	stream.linear.gather [hbm4b:s17+s3], $0x2800, $0x38;
	[tilespmem:$0x1E200] =	vst v63  }
0x50: {  	s22 =	rddreg [dreg:$0xc]  }
0x51: {  	[tilespmem:s28], [sflag:$0x3] =	stream.linear.gather [hbm4b:s18+s3], $0x50, $0x38;
	[tilespmem:$0x1E200] =	vst v63  }
0x52: {  	s17 =	rddreg [dreg:$0xf]  }
0x53: {  	[tilespmem:s29], [sflag:$0x3] =	stream.linear.gather [hbm4b:s20+s3], $0x2800, $0x38;
	[tilespmem:$0x1E200] =	vst v63  }
0x54: {  	s20 =	rddreg [dreg:$0x10]  }
0x55: {  	[tilespmem:s30], [sflag:$0x4] =	stream.linear.gather [hbm4b:s21+s3], $0x50, $0x38;
	[tilespmem:$0x1E200] =	vst v63  }
0x56: {  	s21 =	rddreg [dreg:$0x11]  }
0x57: {  	[tilespmem:s31], [sflag:$0x4] =	stream.linear.gather [hbm4b:s22+s3], $0x2800, $0x38;
	[tilespmem:$0x1E200] =	vst v63  }
0x58: {  	s18 =	simm.s32 $0x0;
	s22 =	rddreg [dreg:$0x12]  }
.LBB2_2:
0x59: {  	_ =	swait.ge [sflag:s0], $0x50  }
0x5a: {  	[sflag:s0] =	ssyncset.done $0x0  }
0x5b: {  	[sflag:s0] =	ssyncadd.s32 $0xFFFFFFB0  }
0x5c: {  	_ =	swait.ge [sflag:s0], $0x2800  }
0x5d: {  	[sflag:s0] =	ssyncset.done $0x0  }
0x5e: {  	[sflag:s0] =	ssyncadd.s32 $0xFFFFD800  }
0x5f: {  	[spmem:s1] =	stream.indirect.scatter.add.f32 [tilespmem:s24], [sflag:$0x5], $0x80, s3, s2, $0xb8;
	[tilespmem:$0x1E200] =	vst v63  }
0x60: {  	_ =	swait.ge [sflag:s5], $0x50  }
0x61: {  	[sflag:s5] =	ssyncset.done $0x0  }
0x62: {  	[sflag:s5] =	ssyncadd.s32 $0xFFFFFFB0  }
0x63: {  	_ =	swait.ge [sflag:s5], $0x2800  }
0x64: {  	[sflag:s5] =	ssyncset.done $0x0  }
0x65: {  	[sflag:s5] =	ssyncadd.s32 $0xFFFFD800  }
0x66: {  	[spmem:s1] =	stream.indirect.scatter.add.f32 [tilespmem:s26], [sflag:$0x6], $0x80, s25, s2, $0xb8;
	[tilespmem:$0x1E200] =	vst v63  }
0x67: {  	_ =	swait.ge [sflag:s6], $0x50  }
0x68: {  	[sflag:s6] =	ssyncset.done $0x0  }
0x69: {  	[sflag:s6] =	ssyncadd.s32 $0xFFFFFFB0  }
0x6a: {  	_ =	swait.ge [sflag:s6], $0x2800  }
0x6b: {  	[sflag:s6] =	ssyncset.done $0x0  }
0x6c: {  	[sflag:s6] =	ssyncadd.s32 $0xFFFFD800  }
0x6d: {  	[spmem:s1] =	stream.indirect.scatter.add.f32 [tilespmem:s29], [sflag:$0x7], $0x80, s28, s2, $0xb8;
	[tilespmem:$0x1E200] =	vst v63  }
0x6e: {  	_ =	swait.ge [sflag:s8], $0x50  }
0x6f: {  	[sflag:s8] =	ssyncset.done $0x0  }
0x70: {  	[sflag:s8] =	ssyncadd.s32 $0xFFFFFFB0  }
0x71: {  	_ =	swait.ge [sflag:s8], $0x2800  }
0x72: {  	[sflag:s8] =	ssyncset.done $0x0  }
0x73: {  	[sflag:s8] =	ssyncadd.s32 $0xFFFFD800  }
0x74: {  	[spmem:s1] =	stream.indirect.scatter.add.f32 [tilespmem:s31], [sflag:$0x8], $0x80, s30, s2, $0xb8;
	[tilespmem:$0x1E200] =	vst v63  }
0x75: {  	_ =	swait.ge [sflag:s9], $0x2800  }
0x76: {  	s16 =	sadd.s32 s18, s19;
	[sflag:s9] =	ssyncset.done $0x0  }
0x77: {  	s15 =	sadd.s32 $0x28, s16;
	[sflag:s9] =	ssyncadd.s32 $0xFFFFD800  }
0x78: {  	[tilespmem:s3], [sflag:$0x1] =	stream.linear.gather [hbm4b:s15+s3], $0x50, $0x38;
	[tilespmem:$0x1E200] =	vst v63  }
0x79: {  	p0 =	seq.s32 s18, $0x4B0;
	s15 =	sshrl.u32 s22, $0x3  }
.Ltmp2:
0x7a: {  	s15 =	sadd.s32 s4, s15;
	(pc) =	sbr.rel @p0 .LBB2_4-.Ltmp2, $4  }
0x7b: {  	[tilespmem:s24], [sflag:$0x1] =	stream.linear.gather [hbm4b:s15+s3], $0x2800, $0x38;
	[tilespmem:$0x1E200] =	vst v63  }
0x7c: {  	_ =	swait.ge [sflag:s10], $0x2800  }
0x7d: {  	[sflag:s10] =	ssyncset.done $0x0  }
0x7e: {  	[sflag:s10] =	ssyncadd.s32 $0xFFFFD800  }
0x7f: {  	s15 =	sadd.s32 $0x32, s16  }
0x80: {  	[tilespmem:s25], [sflag:$0x2] =	stream.linear.gather [hbm4b:s15+s3], $0x50, $0x38;
	[tilespmem:$0x1E200] =	vst v63  }
0x81: {  	_ = 	snop  }
0x82: {  	[tilespmem:s26], [sflag:$0x2] =	stream.linear.gather [hbm4b:s21+s3], $0x2800, $0x38;
	[tilespmem:$0x1E200] =	vst v63  }
0x83: {  	_ =	swait.ge [sflag:s11], $0x2800  }
0x84: {  	[sflag:s11] =	ssyncset.done $0x0  }
0x85: {  	s15 =	sadd.s32 $0x3C, s16;
	[sflag:s11] =	ssyncadd.s32 $0xFFFFD800  }
0x86: {  	[tilespmem:s28], [sflag:$0x3] =	stream.linear.gather [hbm4b:s15+s3], $0x50, $0x38;
	[tilespmem:$0x1E200] =	vst v63  }
0x87: {  	_ = 	snop  }
0x88: {  	[tilespmem:s29], [sflag:$0x3] =	stream.linear.gather [hbm4b:s20+s3], $0x2800, $0x38;
	[tilespmem:$0x1E200] =	vst v63  }
0x89: {  	_ =	swait.ge [sflag:s12], $0x2800  }
0x8a: {  	[sflag:s12] =	ssyncset.done $0x0  }
.Ltmp3:
0x8b: {  	s16 =	sadd.s32 $0x46, s16;
	[sflag:s12] =	ssyncadd.s32 $0xFFFFD800;
	(pc) =	sbr.rel .LBB2_2-.Ltmp3, $4  }
0x8c: {  	[tilespmem:s30], [sflag:$0x4] =	stream.linear.gather [hbm4b:s16+s3], $0x50, $0x38;
	[tilespmem:$0x1E200] =	vst v63  }
0x8d: {  	s18 =	sadd.s32 $0x28, s18;
	s22 =	sadd.s32 $0xA000, s22  }
0x8e: {  	[tilespmem:s31], [sflag:$0x4] =	stream.linear.gather [hbm4b:s17+s3], $0x2800, $0x38;
	[tilespmem:$0x1E200] =	vst v63  }
0x8f: {  	s21 =	sadd.s32 $0x1400, s21;
	s20 =	sadd.s32 $0x1400, s20;
	s17 =	sadd.s32 $0x1400, s17  }
.LBB2_5:
0x90: {  	_ =	sfence.sel $0x180000  }
0x91: {  	[bflag:$0x0] =	sbarrier.arrive $0xFFFF  }
0x92: {  	_ =	strace $0x9000004D  }
0x93: {  	s0 =	stileid.u32;
	[bflag:$0x2] =	sbarrier.arrive $0xFFFF  }
0x94: {  	p0 =	sne.s32 s0, $0x0;
	s0 =	rddreg [dreg:$0x2]  }
0x95: {  	s0 =	sadd.s32 @!p0 $0x100000, s0  }
0x96: {  	[sflag:s0] =	ssyncadd.tile.s32 @!p0 $0x1;
	_ =	shalt  }
.Lfunc_end2:
_tile_overlayer_lowered:
.L_overlay_start_2:
0x97: {  	(tag) =	ssettag $0x2  }
0x98: {  	s0 =	rddreg [dreg:$0x0];
	s2 =	stileid.u32  }
0x99: {  	s1 =	rddreg [dreg:$0x1];
	p0 =	sne.s32 s2, $0x0  }
0x9a: {  	s3 =	rddreg [dreg:$0x2];
	[bflag:$0x3] =	sbarrier.arrive $0xFFFF;
	s2 =	simm.s32 @!p0 $0x1C09  }
0x9b: {  	[timem:s3], [sflag:s2] =	dma.local @!p0 [hbm:s0], s1  }
0x9c: {  	s0 =	simm.s32 @!p0 $0x9  }
0x9d: {  	_ =	swait.ge @!p0 [sflag:s0], s1  }
0x9e: {  	s1 =	ssub.s32 @!p0 $0x0, s1;
	[sflag:s0] =	ssyncset.done @!p0 $0x0  }
0x9f: {  	[sflag:s0] =	ssyncadd.s32 @!p0 s1  }
0xa0: {  	[bflag:$0x3] =	sbarrier.arrive $0xFFFF  }
0xa1: {  	_ =	shalt  }

// kernel: kernel.16.cloned.1.call-start
scs
__scs_entry_jumppad:
0x0: {  	(pc) =	sbr.rel $0x88, $3  }
0x1: {  	(tag) =	ssettag $0x0;
	lr =	simm.s32 $0x1  }
0x2: {  	[smem:$0x3F92] =	sst lr;
	_ =	strace $0xD0000000  }
0x3: {  	_ = 	snop  }
0x4: {  	_ = 	snop  }
0x5: {  	_ = 	snop  }
0x6: {  	_ = 	snop  }
0x7: {  	_ = 	snop  }
__scs_overlays_trampoline_lowered:
0x8: {  	[smem:$0x3FA1] =	sst s0  }
0x9: {  	[smem:$0x3FA2] =	sst s1  }
0xa: {  	[smem:$0x3FA3] =	sst s2  }
0xb: {  	[smem:$0x3FA4] =	sst s3  }
0xc: {  	[smem:$0x3FA5] =	sst s4  }
0xd: {  	[smem:$0x3FA6] =	sst s5  }
0xe: {  	[smem:$0x3FA7] =	sst s6  }
0xf: {  	[smem:$0x3FA8] =	sst s7  }
0x10: {  	[smem:$0x3FA9] =	sst s8  }
0x11: {  	[smem:$0x3FAA] =	sst s9;
	s0 =	simm.s32 @!p0 $0x0  }
0x12: {  	s1 =	sld [smem:$0x3F90];
	s0 =	simm.s32 @p0 $0x1  }
0x13: {  	[smem:$0x3FAB] =	sst s0;
	s0 =	simm.s32 @!p1 $0x0  }
0x14: {  	s2 =	sld [smem:$0x3F8F];
	s0 =	simm.s32 @p1 $0x1  }
0x15: {  	[smem:$0x3FAC] =	sst s0;
	s0 =	simm.s32 @!p2 $0x0  }
0x16: {  	s3 =	sld [smem:$0x3FDB];
	s0 =	simm.s32 @p2 $0x1  }
0x17: {  	s4 =	simm.s32 $0x1BF5;
	[smem:$0x3FAE] =	sst s0  }
0x18: {  	s0 =	sld [smem:$0x3F91];
	_ =	swait.ge [sflag:s4], $0x0  }
0x19: {  	s7 =	sld [smem:$0x3F92]  }
0x1a: {  	s8 =	sadd.s32 $0xFFFFE003, lr  }
0x1b: {  	s9 =	sadd.s32 $0xFFFFFEF7, lr;
	s5 =	simm.s32 $0xFFFFFFFF;
	p2 =	slt.u32 s8, $0xFFFFF086  }
0x1c: {  	p1 =	slt.u32 s9, $0xF7A;
	s5 =	simm.s32 @!p2 $0x0  }
0x1d: {  	s5 =	simm.s32 @p1 $0x1;
	p0 =	seq.s32 s7, s2  }
0x1e: {  	s7 =	smul.u32 @!p0 $0xF7A, s2;
	p2 =	seq.s32 @!p0 s5, $0x0  }
0x1f: {  	s9 =	smul.u32 $0xF7A, s1;
	s8 =	simm.s32 @!p0 $0x1BF5;
	p2 =	por !p2, p0  }
0x20: {  	[sflag:s8] =	ssyncset.s32 @!p0 $0xFFFFF086;
	s6 =	sadd.s32 @!p0 s3, s7;
	s7 =	simm.s32 @!p0 $0x108  }
0x21: {  	s3 =	sadd.s32 s3, s9;
	s6 =	sadd.s32 @!p0 $0x88, s6;
	s7 =	simm.s32 @p2 $0x1082  }
0x22: {  	[simem:s7], [sflag:s8] =	dma.local @!p0 [hbm:s6], $0xF7A  }
0x23: {  	s9 =	sor.u32 $0xD0000000, s2;
	s6 =	simm.s32 $0x108;
	_ =	swait.ge @!p0 [sflag:s8], $0x0  }
0x24: {  	s3 =	sadd.s32 $0x88, s3;
	s6 =	simm.s32 @!p1 $0x1082;
	[sflag:s4] =	ssyncset.s32 $0xFFFFF086  }
0x25: {  	[simem:s6], [sflag:s4] =	dma.local [hbm:s3], $0xF7A  }
0x26: {  	[smem:$0x3F92] =	sst s1;
	(tag) =	ssettag s2;
	_ =	strace s9  }
0x27: {  	s1 =	sld [smem:$0x3FA2]  }
0x28: {  	s2 =	sld [smem:$0x3FA3]  }
0x29: {  	s4 =	sld [smem:$0x3FA5]  }
0x2a: {  	p0 =	seq.s32 s5, $0x0;
	s5 =	sld [smem:$0x3FA6]  }
0x2b: {  	s6 =	sld [smem:$0x3FA7]  }
0x2c: {  	s7 =	sld [smem:$0x3FA8]  }
0x2d: {  	s3 =	simm.s32 $0x108;
	s8 =	sld [smem:$0x3FA9]  }
0x2e: {  	s3 =	simm.s32 @!p0 $0x1082;
	s9 =	sld [smem:$0x3FAA]  }
0x2f: {  	lr =	sadd.s32 s0, s3;
	s0 =	sld [smem:$0x3FA1]  }
0x30: {  	s3 =	sld [smem:$0x3FA4]  }
0x31: {  	[smem:$0x3FAD] =	sst s10  }
0x32: {  	s10 =	sld [smem:$0x3FAB];
	_ =	sdelay $0x3  }
0x33: {  	p0 =	seq.s32 s10, $0x1;
	s10 =	sld [smem:$0x3FAD];
	_ =	sdelay $0x3  }
0x34: {  	[smem:$0x3FAD] =	sst s10  }
0x35: {  	s10 =	sld [smem:$0x3FAC];
	_ =	sdelay $0x3  }
0x36: {  	p1 =	seq.s32 s10, $0x1;
	s10 =	sld [smem:$0x3FAD];
	_ =	sdelay $0x3  }
0x37: {  	[smem:$0x3FAD] =	sst s10  }
0x38: {  	s10 =	sld [smem:$0x3FAE]  }
0x39: {  	_ = 	snop;
	(pc) =	sbr.ind lr, $3  }
0x3a: {  	_ = 	snop  }
0x3b: {  	_ = 	snop  }
0x3c: {  	p2 =	seq.s32 s10, $0x1;
	s10 =	sld [smem:$0x3FAD]  }
0x3d: {  	_ =	shalt  }
0x3e: {  	_ =	shalt  }
0x3f: {  	_ =	shalt  }
0x40: {  	_ =	shalt  }
0x41: {  	_ =	shalt  }
0x42: {  	_ =	shalt  }
0x43: {  	_ =	shalt  }
0x44: {  	_ =	shalt  }
0x45: {  	_ =	shalt  }
0x46: {  	_ =	shalt  }
0x47: {  	_ =	shalt  }
0x48: {  	_ =	shalt  }
0x49: {  	_ =	shalt  }
0x4a: {  	_ =	shalt  }
0x4b: {  	_ =	shalt  }
0x4c: {  	_ =	shalt  }
0x4d: {  	_ =	shalt  }
0x4e: {  	_ =	shalt  }
0x4f: {  	_ =	shalt  }
0x50: {  	_ =	shalt  }
0x51: {  	_ =	shalt  }
0x52: {  	_ =	shalt  }
0x53: {  	_ =	shalt  }
0x54: {  	_ =	shalt  }
0x55: {  	_ =	shalt  }
0x56: {  	_ =	shalt  }
0x57: {  	_ =	shalt  }
0x58: {  	_ =	shalt  }
0x59: {  	_ =	shalt  }
0x5a: {  	_ =	shalt  }
0x5b: {  	_ =	shalt  }
0x5c: {  	_ =	shalt  }
0x5d: {  	_ =	shalt  }
0x5e: {  	_ =	shalt  }
0x5f: {  	_ =	shalt  }
0x60: {  	_ =	shalt  }
0x61: {  	_ =	shalt  }
0x62: {  	_ =	shalt  }
0x63: {  	_ =	shalt  }
0x64: {  	_ =	shalt  }
0x65: {  	_ =	shalt  }
0x66: {  	_ =	shalt  }
0x67: {  	_ =	shalt  }
0x68: {  	_ =	shalt  }
0x69: {  	_ =	shalt  }
0x6a: {  	_ =	shalt  }
0x6b: {  	_ =	shalt  }
0x6c: {  	_ =	shalt  }
0x6d: {  	_ =	shalt  }
0x6e: {  	_ =	shalt  }
0x6f: {  	_ =	shalt  }
0x70: {  	_ =	shalt  }
0x71: {  	_ =	shalt  }
0x72: {  	_ =	shalt  }
0x73: {  	_ =	shalt  }
0x74: {  	_ =	shalt  }
0x75: {  	_ =	shalt  }
0x76: {  	_ =	shalt  }
0x77: {  	_ =	shalt  }
0x78: {  	_ =	shalt  }
0x79: {  	_ =	shalt  }
0x7a: {  	_ =	shalt  }
0x7b: {  	_ =	shalt  }
0x7c: {  	_ =	shalt  }
0x7d: {  	_ =	shalt  }
0x7e: {  	_ =	shalt  }
0x7f: {  	_ =	shalt  }
0x80: {  	_ =	shalt  }
0x81: {  	_ =	shalt  }
0x82: {  	_ =	shalt  }
0x83: {  	_ =	shalt  }
0x84: {  	_ =	shalt  }
0x85: {  	_ =	shalt  }
0x86: {  	_ =	shalt  }
0x87: {  	_ =	shalt  }
.Lfunc_end0:
.L_simem_size_0:
called_computation.2_lowered:
.L_overlay_start_0:
0x88: {  	s2 =	sld [smem:$0x3FD9]  }
0x89: {  	s3 =	sld [smem:$0x3FFE];
	_ =	sdelay $0x1  }
0x8a: {  	s1 =	srdreg.scid  }
0x8b: {  	s0 =	sand.u32 $0x1, s1  }
0x8c: {  	s17 =	sshll.u32 s0, $0xA;
	s2 =	sadd.s32 s3, s2  }
0x8d: {  	s2 =	sadd.s32 s2, s17  }
0x8e: {  	[smem:$0x3FB9] =	sst s2  }
0x8f: {  	_ = 	snop  }
0x90: {  	s18 =	sld [smem:$0x3FC9]  }
0x91: {  	s4 =	sld [smem:$0x3FD0];
	(tm) =	ssettm $0x1  }
0x92: {  	s19 =	sld [smem:$0x3FFB];
	_ =	sdelay $0x3  }
0x93: {  	_ =	strace s19  }
0x94: {  	s2 =	sld [smem:$0x3FFC];
	_ =	sdelay $0x3  }
0x95: {  	_ =	strace s2  }
0x96: {  	s2 =	sld [smem:$0x3FFD];
	_ =	sdelay $0x3  }
0x97: {  	_ =	strace s2  }
0x98: {  	_ =	strace $0x8FFFFFFF  }
0x99: {  	s20 =	sld [smem:$0x3FDB];
	_ =	sdelay $0x1  }
0x9a: {  	s5 =	simm.s32 $_scs_section_size  }
0x9b: {  	s6 =	simm.s32 $_size__tile_overlayer_lowered;
	s7 =	simm.s32 $_tile_overlayer_lowered  }
0x9c: {  	s8 =	simm.s32 $0x1BFF;
	s21 =	sshll.u32 s7, $0x1;
	s5 =	sadd.s32 s5, s20  }
0x9d: {  	s22 =	simm.s32 $0x0;
	s6 =	sshll.u32 s6, $0x1;
	s7 =	sadd.s32 s21, s5  }
0x9e: {  	[timem:s22], [sflag:s8] =	dma.local [hbm:s7], s6  }
0x9f: {  	_ =	swait.ge [sflag:s8], s6  }
0xa0: {  	s6 =	ssub.s32 $0x0, s6;
	[sflag:s8] =	ssyncset.done $0x0  }
0xa1: {  	[sflag:s8] =	ssyncadd.s32 s6;
	_ =	sdelay $0x1  }
0xa2: {  	s23 =	simm.s32 $0x1B8B  }
0xa3: {  	_ =	swait.ge [sflag:s23], $0x1  }
0xa4: {  	[sflag:s23] =	ssyncset.done $0x0  }
0xa5: {  	[sflag:s23] =	ssyncadd.s32 $0xFFFFFFFF  }
0xa6: {  	s6 =	sld [smem:$0x0]  }
0xa7: {  	s7 =	sand.u32 $0xFFFFFFFE, s1  }
0xa8: {  	p0 =	sne.s32 s1, s7  }
0xa9: {  	s7 =	sshll.u32 @p0 s7, $0xE  }
0xaa: {  	s7 =	sadd.s32 @p0 $0x11B8D, s7;
	s8 =	sshll.u32 @p0 s6, $0x11  }
0xab: {  	s7 =	sor.u32 @p0 s8, s7  }
0xac: {  	[sflag:s7] =	ssyncadd.remote.s32 @p0 $0x1;
	_ =	sdelay $0x1  }
0xad: {  	s7 =	simm.s32 @p0 $0x1B8D  }
0xae: {  	_ =	swait.eq @p0 [sflag:s7], $0x1  }
0xaf: {  	[sflag:s7] =	ssyncadd.s32 @p0 $0xFFFFFFFF  }
0xb0: {  	s8 =	sshll.u32 @!p0 s1, $0xE  }
0xb1: {  	s8 =	sor.u32 @!p0 $0x4000, s8;
	s7 =	simm.s32 @!p0 $0x1B8D  }
0xb2: {  	s6 =	sshll.u32 @!p0 s6, $0x11;
	s8 =	sadd.s32 @!p0 $0x11B8D, s8;
	_ =	swait.eq @!p0 [sflag:s7], $0x1  }
0xb3: {  	s6 =	sor.u32 @!p0 s6, s8;
	[sflag:s7] =	ssyncadd.s32 @!p0 $0xFFFFFFFF  }
0xb4: {  	s25 =	simm.s32 $0x1B8E;
	s24 =	sld [smem:$0x3FFE];
	[sflag:s6] =	ssyncadd.remote.s32 @!p0 $0x1  }
0xb5: {  	s26 =	simm.s32 $execute0_lowered;
	[smem:$0x3FD2] =	sst s25  }
0xb6: {  	s7 =	sshll.u32 s26, $0x1;
	_ =	strace $0x80000049;
	[dreg:$0x1] =	wrdreg $0xFFFFFFFF  }
0xb7: {  	s28 =	simm.s32 $_size_execute0_lowered;
	s5 =	sadd.s32 s5, s7;
	[dreg:$0x0] =	wrdreg $0x0  }
0xb8: {  	s7 =	sshll.u32 s28, $0x1;
	[dreg:$0x2] =	wrdreg s5  }
0xb9: {  	[dreg:$0x3] =	wrdreg s7  }
0xba: {  	[dreg:$0x4] =	wrdreg $0xC0  }
0xbb: {  	_ =	task [dreg:s22], $0x5FFFF  }
0xbc: {  	[dreg:$0x1] =	wrdreg $0xFFFFFFFF  }
0xbd: {  	[dreg:$0x0] =	wrdreg $0x60  }
0xbe: {  	[dreg:$0x2] =	wrdreg s24  }
0xbf: {  	[dreg:$0x3] =	wrdreg s18  }
0xc0: {  	[dreg:$0x4] =	wrdreg s4  }
0xc1: {  	[dreg:$0x5] =	wrdreg $0xA  }
0xc2: {  	_ =	task.clear_ibuf [dreg:s22], $0x6FFFF;
	_ =	strace $0x90000049  }
0xc3: {  	s29 =	simm.s32 $0xA;
	_ =	strace $0x8000004B  }
0xc4: {  	_ =	swait.ge [sflag:s29], $0x1  }
0xc5: {  	[sflag:s29] =	ssyncadd.s32 $0xFFFFFFFF  }
0xc6: {  	_ =	strace $0x9000004B  }
0xc7: {  	_ =	sfence  }
0xc8: {  	s30 =	sld [smem:$0x0];
	_ =	sdelay $0x2  }
0xc9: {  	s31 =	sshll.u32 s1, $0xD;
	s1 =	sshrl.u32 s1, $0x2  }
0xca: {  	s4 =	sand.u32 $0x4000, s31;
	s1 =	sadd.s32 s1, s30  }
0xcb: {  	s0 =	sor.u32 s4, s0;
	s1 =	sshll.u32 s1, $0x11  }
0xcc: {  	s0 =	sor.u32 s1, s0  }
0xcd: {  	s0 =	sadd.s32 $0x8F2B, s0  }
0xce: {  	[sflag:s0] =	ssyncadd.remote.s32 $0x1  }
0xcf: {  	_ =	sfence.sel $0xFFFF  }
0xd0: {  	[dreg:$0x0] =	wrdreg $0xFFFFFFFF;
	(pc) =	sbr.abs _section_cstart, $3  }
0xd1: {  	[dreg:$0x1] =	wrdreg $0xFFFFFFFF  }
0xd2: {  	_ =	task.clear_ibuf [dreg:s22], $0x2FFFF;
	_ =	strace $0x9FFFFFFF  }
0xd3: {  	(tm) =	ssettm $0x7FFFFFFF  }
tec
execute0_lowered:
.L_overlay_start_1:
0x0: {  	(tag) =	ssettag $0x1  }
0x1: {  	s0 =	rddreg [dreg:$0x0]  }
0x2: {  	s1 =	rddreg [dreg:$0x1]  }
0x3: {  	s3 =	rddreg [dreg:$0x2];
	s4 =	simm.s32 $0x0  }
0x4: {  	s2 =	srdreg.scid;
	s14 =	stileid.u32;
	s28 =	simm.s32 $0x2A00  }
0x5: {  	s29 =	simm.s32 $0x3E00;
	s30 =	simm.s32 $0x2;
	[smem:$0x7FF] =	sst s4  }
0x6: {  	s2 =	sand.u32 $0x1, s2;
	s5 =	sadd.s32 $0x4F5C00, s0;
	s18 =	smul.u32 $0x2710, s14  }
0x7: {  	s6 =	sshll.u32 s14, $0x1;
	s10 =	sadd.s32 $0x4FAC00, s0;
	s23 =	smul.u32 $0x27100, s14  }
0x8: {  	_ =	strace $0x8000004A;
	s7 =	sor.u32 s2, s6;
	s13 =	smul.u32 $0x1388, s2  }
0x9: {  	s6 =	sadd.s32 $0x4F0C00, s0;
	s8 =	ssub.s32 $0x2, s2;
	s2 =	smul.u32 $0x13880, s2  }
0xa: {  	s31 =	simm.s32 $0x3;
	s0 =	sadd.s32 $0x76BC00, s0;
	s9 =	smul.u32 $0x1388, s7  }
0xb: {  	s11 =	sshrl.u32 s8, $0x1;
	s7 =	smul.u32 $0x9C400, s7;
	s25 =	sadd.s32 s23, s10  }
0xc: {  	s8 =	ssub.s32 s8, s11;
	s21 =	sadd.s32 s13, s18;
	s16 =	sadd.s32 s2, s25  }
0xd: {  	s25 =	simm.s32 $0x1500;
	s17 =	sshrl.u32 s9, $0x3;
	s8 =	smax.u32 s8, $0x1  }
0xe: {  	s9 =	sadd.s32 $0x28, s9;
	s26 =	sadd.s32 $0x50, s21;
	[dreg:$0xa] =	wrdreg s8  }
0xf: {  	s7 =	sshrl.u32 s7, $0x3;
	s12 =	sadd.s32 s5, s17;
	[dreg:$0xd] =	wrdreg s26  }
0x10: {  	s9 =	sshrl.u32 s9, $0x3;
	s11 =	sadd.s32 s6, s17;
	[dreg:$0x4] =	wrdreg s12  }
0x11: {  	s22 =	sadd.s32 $0x78, s21;
	[dreg:$0x5] =	wrdreg s11;
	s19 =	sadd.s32 s5, s9  }
0x12: {  	s7 =	sadd.s32 $0x13600, s7;
	s9 =	sadd.s32 s6, s9;
	[dreg:$0x6] =	wrdreg s19  }
0x13: {  	s21 =	simm.s32 $0x2980;
	s20 =	sadd.s32 s10, s7;
	[dreg:$0x7] =	wrdreg s9  }
0x14: {  	s26 =	simm.s32 $0x4;
	s7 =	sadd.s32 s0, s7;
	[dreg:$0x8] =	wrdreg s20  }
0x15: {  	s0 =	sadd.s32 s23, s0;
	s23 =	simm.s32 $0x28;
	[dreg:$0x9] =	wrdreg s7  }
.Ltmp0:
0x16: {  	s7 =	sshrl.u32 s22, $0x3;
	s17 =	sadd.s32 s2, s0;
	(pc) =	sbr.rel .LBB2_1-.Ltmp0, $4  }
0x17: {  	s19 =	simm.s32 $0x80;
	s20 =	simm.s32 $0x2900;
	s22 =	simm.s32 $0x1  }
0x18: {  	s0 =	simm.s32 $0x7;
	s2 =	simm.s32 $0x5;
	s24 =	sadd.s32 s7, s6  }
0x19: {  	s9 =	simm.s32 $0x0;
	s7 =	sadd.s32 s7, s5;
	[dreg:$0xb] =	wrdreg s24  }
0x1a: {  	[dreg:$0xc] =	wrdreg s7;
	s24 =	simm.s32 $0x100;
	s7 =	simm.s32 $0x6  }
.LBB2_4:
0x1b: {  	_ =	swait.ge [sflag:s30], $0x1400  }
0x1c: {  	[sflag:s30] =	ssyncset.done $0x0  }
0x1d: {  	[sflag:s30] =	ssyncadd.s32 $0xFFFFEC00  }
0x1e: {  	_ =	swait.ge [sflag:s31], $0x1400  }
0x1f: {  	[sflag:s31] =	ssyncset.done $0x0  }
0x20: {  	s8 =	rddreg [dreg:$0x8];
	[sflag:s31] =	ssyncadd.s32 $0xFFFFEC00  }
0x21: {  	[hbm4b:s8+s4] =	stream.linear.scatter [tilespmem:s24], [sflag:$0x7], $0x1400, $0x38;
	[tilespmem:$0x5200] =	vst v63  }
0x22: {  	s15 =	simm.s32 $0x8;
	s14 =	rddreg [dreg:$0x9]  }
0x23: {  	[hbm4b:s14+s4] =	stream.linear.scatter [tilespmem:s25], [sflag:$0x7], $0x1400, $0x38;
	[tilespmem:$0x5200] =	vst v63  }
0x24: {  	_ =	swait.ge [sflag:s15], $0x1400  }
0x25: {  	[sflag:s15] =	ssyncset.done $0x0  }
0x26: {  	[sflag:s15] =	ssyncadd.s32 $0xFFFFEC00  }
0x27: {  	_ =	swait.ge [sflag:s15], $0x1400  }
0x28: {  	[sflag:s15] =	ssyncset.done $0x0  }
0x29: {  	[sflag:s15] =	ssyncadd.s32 $0xFFFFEC00  }
0x2a: {  	_ =	swait.ge [sflag:s0], $0x1400  }
0x2b: {  	[sflag:s0] =	ssyncset.done $0x0  }
0x2c: {  	[sflag:s0] =	ssyncadd.s32 $0xFFFFEC00  }
0x2d: {  	_ =	swait.ge [sflag:s0], $0x1400  }
0x2e: {  	s9 =	sadd.s32 $0x1, s9;
	s18 =	rddreg [dreg:$0xa]  }
0x2f: {  	p0 =	sne.s32 s9, s18  }
.Ltmp1:
0x30: {  	_ = 	snop;
	(pc) =	sbr.rel @!p0 .LBB2_5-.Ltmp1, $3  }
0x31: {  	_ =	sdelay $0x1  }
0x32: {  	[sflag:s0] =	ssyncset.done $0x0  }
0x33: {  	[sflag:s0] =	ssyncadd.s32 $0xFFFFEC00  }
.LBB2_1:
0x34: {  	s8 =	rddreg [dreg:$0x4]  }
0x35: {  	[tilespmem:s4], [sflag:$0x1] =	stream.linear.gather [hbm4b:s8+s4], $0x28, $0x38;
	[tilespmem:$0x5200] =	vst v63  }
0x36: {  	s14 =	rddreg [dreg:$0x5]  }
0x37: {  	[tilespmem:s19], [sflag:$0x1] =	stream.linear.gather [hbm4b:s14+s4], $0x28, $0x38;
	[tilespmem:$0x5200] =	vst v63  }
0x38: {  	s15 =	rddreg [dreg:$0x6]  }
0x39: {  	[tilespmem:s20], [sflag:$0x4] =	stream.linear.gather [hbm4b:s15+s4], $0x28, $0x38;
	[tilespmem:$0x5200] =	vst v63  }
0x3a: {  	s18 =	rddreg [dreg:$0x7]  }
0x3b: {  	[tilespmem:s21], [sflag:$0x4] =	stream.linear.gather [hbm4b:s18+s4], $0x28, $0x38;
	[tilespmem:$0x5200] =	vst v63  }
0x3c: {  	_ =	swait.ge [sflag:s22], $0x28  }
0x3d: {  	[sflag:s22] =	ssyncset.done $0x0  }
0x3e: {  	[sflag:s22] =	ssyncadd.s32 $0xFFFFFFD8  }
0x3f: {  	_ =	swait.ge [sflag:s22], $0x28  }
0x40: {  	[sflag:s22] =	ssyncset.done $0x0  }
0x41: {  	[sflag:s22] =	ssyncadd.s32 $0xFFFFFFD8  }
0x42: {  	[tilespmem:s24], [sflag:$0x2] =	stream.indirect.gather [hbm4b:s1+s23], $0x80, s4, s23, $0xb8;
	[tilespmem:$0x5200] =	vst v63  }
0x43: {  	_ = 	snop  }
0x44: {  	[tilespmem:s25], [sflag:$0x3] =	stream.indirect.gather [hbm4b:s3+s23], $0x80, s19, s23, $0xb8;
	[tilespmem:$0x5200] =	vst v63  }
0x45: {  	_ =	swait.ge [sflag:s26], $0x28  }
0x46: {  	[sflag:s26] =	ssyncset.done $0x0  }
0x47: {  	[sflag:s26] =	ssyncadd.s32 $0xFFFFFFD8  }
0x48: {  	_ =	swait.ge [sflag:s26], $0x28  }
0x49: {  	s18 =	rddreg [dreg:$0xd]  }
0x4a: {  	[sflag:s26] =	ssyncset.done $0x0;
	s15 =	rddreg [dreg:$0xc]  }
0x4b: {  	s11 =	simm.s32 $0x0;
	s14 =	rddreg [dreg:$0xb];
	[sflag:s26] =	ssyncadd.s32 $0xFFFFFFD8  }
.LBB2_2:
0x4c: {  	p0 =	seq.s32 s11, $0x0  }
0x4d: {  	s13 =	simm.s32 @!p0 $0x8  }
0x4e: {  	_ =	swait.ge @!p0 [sflag:s13], $0x1400  }
0x4f: {  	[sflag:s13] =	ssyncset.done @!p0 $0x0  }
0x50: {  	[sflag:s13] =	ssyncadd.s32 @!p0 $0xFFFFEC00  }
0x51: {  	_ =	swait.ge @!p0 [sflag:s13], $0x1400  }
0x52: {  	[sflag:s13] =	ssyncset.done @!p0 $0x0  }
0x53: {  	[sflag:s13] =	ssyncadd.s32 @!p0 $0xFFFFEC00  }
0x54: {  	[tilespmem:s28], [sflag:$0x5] =	stream.indirect.gather [hbm4b:s1+s23], $0x80, s20, s23, $0xb8;
	[tilespmem:$0x5200] =	vst v63  }
0x55: {  	_ = 	snop  }
0x56: {  	[tilespmem:s29], [sflag:$0x6] =	stream.indirect.gather [hbm4b:s3+s23], $0x80, s21, s23, $0xb8;
	[tilespmem:$0x5200] =	vst v63  }
0x57: {  	_ =	swait.ge [sflag:s30], $0x1400  }
0x58: {  	[sflag:s30] =	ssyncset.done $0x0  }
0x59: {  	[sflag:s30] =	ssyncadd.s32 $0xFFFFEC00  }
0x5a: {  	_ =	swait.ge [sflag:s31], $0x1400  }
0x5b: {  	[sflag:s31] =	ssyncset.done $0x0  }
0x5c: {  	s13 =	sadd.s32 s11, s16;
	[sflag:s31] =	ssyncadd.s32 $0xFFFFEC00  }
0x5d: {  	[hbm4b:s13+s4] =	stream.linear.scatter [tilespmem:s24], [sflag:$0x7], $0x1400, $0x38;
	[tilespmem:$0x5200] =	vst v63  }
0x5e: {  	s12 =	sadd.s32 s11, s17;
	s10 =	sshrl.u32 s18, $0x3  }
0x5f: {  	[hbm4b:s12+s4] =	stream.linear.scatter [tilespmem:s25], [sflag:$0x7], $0x1400, $0x38;
	[tilespmem:$0x5200] =	vst v63  }
0x60: {  	s8 =	sadd.s32 s5, s10  }
0x61: {  	[tilespmem:s4], [sflag:$0x1] =	stream.linear.gather [hbm4b:s8+s4], $0x28, $0x38;
	[tilespmem:$0x5200] =	vst v63  }
0x62: {  	s10 =	sadd.s32 s6, s10  }
0x63: {  	[tilespmem:s19], [sflag:$0x1] =	stream.linear.gather [hbm4b:s10+s4], $0x28, $0x38;
	[tilespmem:$0x5200] =	vst v63  }
0x64: {  	_ =	swait.ge [sflag:s22], $0x28  }
0x65: {  	[sflag:s22] =	ssyncset.done $0x0  }
0x66: {  	[sflag:s22] =	ssyncadd.s32 $0xFFFFFFD8  }
0x67: {  	_ =	swait.ge [sflag:s22], $0x28  }
0x68: {  	[sflag:s22] =	ssyncset.done $0x0  }
0x69: {  	[sflag:s22] =	ssyncadd.s32 $0xFFFFFFD8  }
0x6a: {  	_ =	swait.ge [sflag:s0], $0x1400  }
0x6b: {  	[sflag:s0] =	ssyncset.done $0x0  }
0x6c: {  	[sflag:s0] =	ssyncadd.s32 $0xFFFFEC00  }
0x6d: {  	_ =	swait.ge [sflag:s0], $0x1400  }
0x6e: {  	[sflag:s0] =	ssyncset.done $0x0  }
0x6f: {  	[sflag:s0] =	ssyncadd.s32 $0xFFFFEC00  }
0x70: {  	[tilespmem:s24], [sflag:$0x2] =	stream.indirect.gather [hbm4b:s1+s23], $0x80, s4, s23, $0xb8;
	[tilespmem:$0x5200] =	vst v63  }
0x71: {  	_ = 	snop  }
0x72: {  	[tilespmem:s25], [sflag:$0x3] =	stream.indirect.gather [hbm4b:s3+s23], $0x80, s19, s23, $0xb8;
	[tilespmem:$0x5200] =	vst v63  }
0x73: {  	_ =	swait.ge [sflag:s2], $0x1400  }
0x74: {  	[sflag:s2] =	ssyncset.done $0x0  }
0x75: {  	[sflag:s2] =	ssyncadd.s32 $0xFFFFEC00  }
0x76: {  	p0 =	seq.s32 s11, $0x13100;
	_ =	swait.ge [sflag:s7], $0x1400  }
.Ltmp2:
0x77: {  	[sflag:s7] =	ssyncset.done $0x0;
	(pc) =	sbr.rel @p0 .LBB2_4-.Ltmp2, $4  }
0x78: {  	s10 =	sadd.s32 $0x280, s13;
	[sflag:s7] =	ssyncadd.s32 $0xFFFFEC00  }
0x79: {  	[hbm4b:s10+s4] =	stream.linear.scatter [tilespmem:s28], [sflag:$0x8], $0x1400, $0x38;
	[tilespmem:$0x5200] =	vst v63  }
0x7a: {  	s13 =	sadd.s32 $0x280, s12  }
0x7b: {  	[hbm4b:s13+s4] =	stream.linear.scatter [tilespmem:s29], [sflag:$0x8], $0x1400, $0x38;
	[tilespmem:$0x5200] =	vst v63  }
0x7c: {  	[tilespmem:s20], [sflag:$0x4] =	stream.linear.gather [hbm4b:s15+s4], $0x28, $0x38;
	[tilespmem:$0x5200] =	vst v63  }
0x7d: {  	_ = 	snop  }
0x7e: {  	[tilespmem:s21], [sflag:$0x4] =	stream.linear.gather [hbm4b:s14+s4], $0x28, $0x38;
	[tilespmem:$0x5200] =	vst v63  }
0x7f: {  	_ =	swait.ge [sflag:s26], $0x28  }
.Ltmp3:
0x80: {  	[sflag:s26] =	ssyncset.done $0x0;
	(pc) =	sbr.rel .LBB2_2-.Ltmp3, $4  }
0x81: {  	[sflag:s26] =	ssyncadd.s32 $0xFFFFFFD8  }
0x82: {  	_ =	swait.ge [sflag:s26], $0x28  }
0x83: {  	s15 =	sadd.s32 $0xA, s15;
	s11 =	sadd.s32 $0x500, s11;
	[sflag:s26] =	ssyncset.done $0x0  }
0x84: {  	s18 =	sadd.s32 $0x50, s18;
	s14 =	sadd.s32 $0xA, s14;
	[sflag:s26] =	ssyncadd.s32 $0xFFFFFFD8  }
.LBB2_5:
0x85: {  	_ =	sfence.sel $0x180000  }
0x86: {  	[bflag:$0x0] =	sbarrier.arrive $0xFFFF  }
0x87: {  	_ =	strace $0x9000004A  }
0x88: {  	s0 =	stileid.u32;
	[bflag:$0x2] =	sbarrier.arrive $0xFFFF  }
0x89: {  	p0 =	sne.s32 s0, $0x0;
	s0 =	rddreg [dreg:$0x3]  }
0x8a: {  	s0 =	sadd.s32 @!p0 $0x100000, s0  }
0x8b: {  	[sflag:s0] =	ssyncadd.tile.s32 @!p0 $0x1;
	_ =	shalt  }
.Lfunc_end2:
_tile_overlayer_lowered:
.L_overlay_start_2:
0x8c: {  	(tag) =	ssettag $0x2  }
0x8d: {  	s0 =	rddreg [dreg:$0x0];
	s2 =	stileid.u32  }
0x8e: {  	s1 =	rddreg [dreg:$0x1];
	p0 =	sne.s32 s2, $0x0  }
0x8f: {  	s3 =	rddreg [dreg:$0x2];
	[bflag:$0x3] =	sbarrier.arrive $0xFFFF;
	s2 =	simm.s32 @!p0 $0x1C09  }
0x90: {  	[timem:s3], [sflag:s2] =	dma.local @!p0 [hbm:s0], s1  }
0x91: {  	s0 =	simm.s32 @!p0 $0x9  }
0x92: {  	_ =	swait.ge @!p0 [sflag:s0], s1  }
0x93: {  	s1 =	ssub.s32 @!p0 $0x0, s1;
	[sflag:s0] =	ssyncset.done @!p0 $0x0  }
0x94: {  	[sflag:s0] =	ssyncadd.s32 @!p0 s1  }
0x95: {  	[bflag:$0x3] =	sbarrier.arrive $0xFFFF  }
0x96: {  	_ =	shalt  }

// kernel: kernel.19.cloned.1.call-start
scs
__scs_entry_jumppad:
0x0: {  	(pc) =	sbr.rel $0x88, $3  }
0x1: {  	(tag) =	ssettag $0x0;
	lr =	simm.s32 $0x1  }
0x2: {  	[smem:$0x3F92] =	sst lr;
	_ =	strace $0xD0000000  }
0x3: {  	_ = 	snop  }
0x4: {  	_ = 	snop  }
0x5: {  	_ = 	snop  }
0x6: {  	_ = 	snop  }
0x7: {  	_ = 	snop  }
__scs_overlays_trampoline_lowered:
0x8: {  	[smem:$0x3FA1] =	sst s0  }
0x9: {  	[smem:$0x3FA2] =	sst s1  }
0xa: {  	[smem:$0x3FA3] =	sst s2  }
0xb: {  	[smem:$0x3FA4] =	sst s3  }
0xc: {  	[smem:$0x3FA5] =	sst s4  }
0xd: {  	[smem:$0x3FA6] =	sst s5  }
0xe: {  	[smem:$0x3FA7] =	sst s6  }
0xf: {  	[smem:$0x3FA8] =	sst s7  }
0x10: {  	[smem:$0x3FA9] =	sst s8  }
0x11: {  	[smem:$0x3FAA] =	sst s9;
	s0 =	simm.s32 @!p0 $0x0  }
0x12: {  	s1 =	sld [smem:$0x3F90];
	s0 =	simm.s32 @p0 $0x1  }
0x13: {  	[smem:$0x3FAB] =	sst s0;
	s0 =	simm.s32 @!p1 $0x0  }
0x14: {  	s2 =	sld [smem:$0x3F8F];
	s0 =	simm.s32 @p1 $0x1  }
0x15: {  	[smem:$0x3FAC] =	sst s0;
	s0 =	simm.s32 @!p2 $0x0  }
0x16: {  	s3 =	sld [smem:$0x3FDB];
	s0 =	simm.s32 @p2 $0x1  }
0x17: {  	s4 =	simm.s32 $0x1BF5;
	[smem:$0x3FAE] =	sst s0  }
0x18: {  	s0 =	sld [smem:$0x3F91];
	_ =	swait.ge [sflag:s4], $0x0  }
0x19: {  	s7 =	sld [smem:$0x3F92]  }
0x1a: {  	s8 =	sadd.s32 $0xFFFFE003, lr  }
0x1b: {  	s9 =	sadd.s32 $0xFFFFFEF7, lr;
	s5 =	simm.s32 $0xFFFFFFFF;
	p2 =	slt.u32 s8, $0xFFFFF086  }
0x1c: {  	p1 =	slt.u32 s9, $0xF7A;
	s5 =	simm.s32 @!p2 $0x0  }
0x1d: {  	s5 =	simm.s32 @p1 $0x1;
	p0 =	seq.s32 s7, s2  }
0x1e: {  	s7 =	smul.u32 @!p0 $0xF7A, s2;
	p2 =	seq.s32 @!p0 s5, $0x0  }
0x1f: {  	s9 =	smul.u32 $0xF7A, s1;
	s8 =	simm.s32 @!p0 $0x1BF5;
	p2 =	por !p2, p0  }
0x20: {  	[sflag:s8] =	ssyncset.s32 @!p0 $0xFFFFF086;
	s6 =	sadd.s32 @!p0 s3, s7;
	s7 =	simm.s32 @!p0 $0x108  }
0x21: {  	s3 =	sadd.s32 s3, s9;
	s6 =	sadd.s32 @!p0 $0x88, s6;
	s7 =	simm.s32 @p2 $0x1082  }
0x22: {  	[simem:s7], [sflag:s8] =	dma.local @!p0 [hbm:s6], $0xF7A  }
0x23: {  	s9 =	sor.u32 $0xD0000000, s2;
	s6 =	simm.s32 $0x108;
	_ =	swait.ge @!p0 [sflag:s8], $0x0  }
0x24: {  	s3 =	sadd.s32 $0x88, s3;
	s6 =	simm.s32 @!p1 $0x1082;
	[sflag:s4] =	ssyncset.s32 $0xFFFFF086  }
0x25: {  	[simem:s6], [sflag:s4] =	dma.local [hbm:s3], $0xF7A  }
0x26: {  	[smem:$0x3F92] =	sst s1;
	(tag) =	ssettag s2;
	_ =	strace s9  }
0x27: {  	s1 =	sld [smem:$0x3FA2]  }
0x28: {  	s2 =	sld [smem:$0x3FA3]  }
0x29: {  	s4 =	sld [smem:$0x3FA5]  }
0x2a: {  	p0 =	seq.s32 s5, $0x0;
	s5 =	sld [smem:$0x3FA6]  }
0x2b: {  	s6 =	sld [smem:$0x3FA7]  }
0x2c: {  	s7 =	sld [smem:$0x3FA8]  }
0x2d: {  	s3 =	simm.s32 $0x108;
	s8 =	sld [smem:$0x3FA9]  }
0x2e: {  	s3 =	simm.s32 @!p0 $0x1082;
	s9 =	sld [smem:$0x3FAA]  }
0x2f: {  	lr =	sadd.s32 s0, s3;
	s0 =	sld [smem:$0x3FA1]  }
0x30: {  	s3 =	sld [smem:$0x3FA4]  }
0x31: {  	[smem:$0x3FAD] =	sst s10  }
0x32: {  	s10 =	sld [smem:$0x3FAB];
	_ =	sdelay $0x3  }
0x33: {  	p0 =	seq.s32 s10, $0x1;
	s10 =	sld [smem:$0x3FAD];
	_ =	sdelay $0x3  }
0x34: {  	[smem:$0x3FAD] =	sst s10  }
0x35: {  	s10 =	sld [smem:$0x3FAC];
	_ =	sdelay $0x3  }
0x36: {  	p1 =	seq.s32 s10, $0x1;
	s10 =	sld [smem:$0x3FAD];
	_ =	sdelay $0x3  }
0x37: {  	[smem:$0x3FAD] =	sst s10  }
0x38: {  	s10 =	sld [smem:$0x3FAE]  }
0x39: {  	_ = 	snop;
	(pc) =	sbr.ind lr, $3  }
0x3a: {  	_ = 	snop  }
0x3b: {  	_ = 	snop  }
0x3c: {  	p2 =	seq.s32 s10, $0x1;
	s10 =	sld [smem:$0x3FAD]  }
0x3d: {  	_ =	shalt  }
0x3e: {  	_ =	shalt  }
0x3f: {  	_ =	shalt  }
0x40: {  	_ =	shalt  }
0x41: {  	_ =	shalt  }
0x42: {  	_ =	shalt  }
0x43: {  	_ =	shalt  }
0x44: {  	_ =	shalt  }
0x45: {  	_ =	shalt  }
0x46: {  	_ =	shalt  }
0x47: {  	_ =	shalt  }
0x48: {  	_ =	shalt  }
0x49: {  	_ =	shalt  }
0x4a: {  	_ =	shalt  }
0x4b: {  	_ =	shalt  }
0x4c: {  	_ =	shalt  }
0x4d: {  	_ =	shalt  }
0x4e: {  	_ =	shalt  }
0x4f: {  	_ =	shalt  }
0x50: {  	_ =	shalt  }
0x51: {  	_ =	shalt  }
0x52: {  	_ =	shalt  }
0x53: {  	_ =	shalt  }
0x54: {  	_ =	shalt  }
0x55: {  	_ =	shalt  }
0x56: {  	_ =	shalt  }
0x57: {  	_ =	shalt  }
0x58: {  	_ =	shalt  }
0x59: {  	_ =	shalt  }
0x5a: {  	_ =	shalt  }
0x5b: {  	_ =	shalt  }
0x5c: {  	_ =	shalt  }
0x5d: {  	_ =	shalt  }
0x5e: {  	_ =	shalt  }
0x5f: {  	_ =	shalt  }
0x60: {  	_ =	shalt  }
0x61: {  	_ =	shalt  }
0x62: {  	_ =	shalt  }
0x63: {  	_ =	shalt  }
0x64: {  	_ =	shalt  }
0x65: {  	_ =	shalt  }
0x66: {  	_ =	shalt  }
0x67: {  	_ =	shalt  }
0x68: {  	_ =	shalt  }
0x69: {  	_ =	shalt  }
0x6a: {  	_ =	shalt  }
0x6b: {  	_ =	shalt  }
0x6c: {  	_ =	shalt  }
0x6d: {  	_ =	shalt  }
0x6e: {  	_ =	shalt  }
0x6f: {  	_ =	shalt  }
0x70: {  	_ =	shalt  }
0x71: {  	_ =	shalt  }
0x72: {  	_ =	shalt  }
0x73: {  	_ =	shalt  }
0x74: {  	_ =	shalt  }
0x75: {  	_ =	shalt  }
0x76: {  	_ =	shalt  }
0x77: {  	_ =	shalt  }
0x78: {  	_ =	shalt  }
0x79: {  	_ =	shalt  }
0x7a: {  	_ =	shalt  }
0x7b: {  	_ =	shalt  }
0x7c: {  	_ =	shalt  }
0x7d: {  	_ =	shalt  }
0x7e: {  	_ =	shalt  }
0x7f: {  	_ =	shalt  }
0x80: {  	_ =	shalt  }
0x81: {  	_ =	shalt  }
0x82: {  	_ =	shalt  }
0x83: {  	_ =	shalt  }
0x84: {  	_ =	shalt  }
0x85: {  	_ =	shalt  }
0x86: {  	_ =	shalt  }
0x87: {  	_ =	shalt  }
.Lfunc_end0:
.L_simem_size_0:
called_computation.3_lowered:
.L_overlay_start_0:
0x88: {  	s2 =	sld [smem:$0x3FD9]  }
0x89: {  	s3 =	sld [smem:$0x3FFE];
	_ =	sdelay $0x1  }
0x8a: {  	s1 =	srdreg.scid  }
0x8b: {  	s0 =	sand.u32 $0x1, s1  }
0x8c: {  	s17 =	sshll.u32 s0, $0xA;
	s2 =	sadd.s32 s3, s2  }
0x8d: {  	s2 =	sadd.s32 s2, s17  }
0x8e: {  	[smem:$0x3FB9] =	sst s2  }
0x8f: {  	_ = 	snop  }
0x90: {  	(tm) =	ssettm $0x1  }
0x91: {  	s18 =	sld [smem:$0x3FFB];
	_ =	sdelay $0x3  }
0x92: {  	_ =	strace s18  }
0x93: {  	s2 =	sld [smem:$0x3FFC];
	_ =	sdelay $0x3  }
0x94: {  	_ =	strace s2  }
0x95: {  	s2 =	sld [smem:$0x3FFD];
	_ =	sdelay $0x3  }
0x96: {  	_ =	strace s2  }
0x97: {  	_ =	strace $0x8FFFFFFF  }
0x98: {  	s19 =	sld [smem:$0x3FDB];
	_ =	sdelay $0x1  }
0x99: {  	s20 =	simm.s32 $_scs_section_size  }
0x9a: {  	s4 =	simm.s32 $_size__tile_overlayer_lowered;
	s5 =	simm.s32 $_tile_overlayer_lowered  }
0x9b: {  	s6 =	simm.s32 $0x1BFF;
	s21 =	sshll.u32 s5, $0x1;
	s3 =	sadd.s32 s20, s19  }
0x9c: {  	s22 =	simm.s32 $0x0;
	s4 =	sshll.u32 s4, $0x1;
	s5 =	sadd.s32 s21, s3  }
0x9d: {  	[timem:s22], [sflag:s6] =	dma.local [hbm:s5], s4  }
0x9e: {  	_ =	swait.ge [sflag:s6], s4  }
0x9f: {  	s4 =	ssub.s32 $0x0, s4;
	[sflag:s6] =	ssyncset.done $0x0  }
0xa0: {  	[sflag:s6] =	ssyncadd.s32 s4;
	_ =	sdelay $0x1  }
0xa1: {  	s23 =	simm.s32 $0x1B8B  }
0xa2: {  	_ =	swait.ge [sflag:s23], $0x1  }
0xa3: {  	[sflag:s23] =	ssyncset.done $0x0  }
0xa4: {  	[sflag:s23] =	ssyncadd.s32 $0xFFFFFFFF  }
0xa5: {  	s4 =	sld [smem:$0x0]  }
0xa6: {  	s5 =	sand.u32 $0xFFFFFFFE, s1  }
0xa7: {  	p0 =	sne.s32 s1, s5  }
0xa8: {  	s5 =	sshll.u32 @p0 s5, $0xE  }
0xa9: {  	s5 =	sadd.s32 @p0 $0x11B8D, s5;
	s6 =	sshll.u32 @p0 s4, $0x11  }
0xaa: {  	s5 =	sor.u32 @p0 s6, s5  }
0xab: {  	[sflag:s5] =	ssyncadd.remote.s32 @p0 $0x1;
	_ =	sdelay $0x1  }
0xac: {  	s5 =	simm.s32 @p0 $0x1B8D  }
0xad: {  	_ =	swait.eq @p0 [sflag:s5], $0x1  }
0xae: {  	[sflag:s5] =	ssyncadd.s32 @p0 $0xFFFFFFFF  }
0xaf: {  	s6 =	sshll.u32 @!p0 s1, $0xE  }
0xb0: {  	s6 =	sor.u32 @!p0 $0x4000, s6;
	s5 =	simm.s32 @!p0 $0x1B8D  }
0xb1: {  	s4 =	sshll.u32 @!p0 s4, $0x11;
	s6 =	sadd.s32 @!p0 $0x11B8D, s6;
	_ =	swait.eq @!p0 [sflag:s5], $0x1  }
0xb2: {  	s4 =	sor.u32 @!p0 s4, s6;
	[sflag:s5] =	ssyncadd.s32 @!p0 $0xFFFFFFFF  }
0xb3: {  	s25 =	simm.s32 $0x1B8E;
	s24 =	sld [smem:$0x3FFE];
	[sflag:s4] =	ssyncadd.remote.s32 @!p0 $0x1  }
0xb4: {  	s26 =	simm.s32 $execute0_lowered;
	[smem:$0x3FD2] =	sst s25  }
0xb5: {  	s5 =	sshll.u32 s26, $0x1;
	_ =	strace $0x8000004F;
	[dreg:$0x1] =	wrdreg $0xFFFFFFFF  }
0xb6: {  	s28 =	simm.s32 $_size_execute0_lowered;
	s3 =	sadd.s32 s3, s5;
	[dreg:$0x0] =	wrdreg $0x0  }
0xb7: {  	s5 =	sshll.u32 s28, $0x1;
	[dreg:$0x2] =	wrdreg s3  }
0xb8: {  	[dreg:$0x3] =	wrdreg s5  }
0xb9: {  	[dreg:$0x4] =	wrdreg $0xC0  }
0xba: {  	_ =	task [dreg:s22], $0x5FFFF  }
0xbb: {  	[dreg:$0x1] =	wrdreg $0xFFFFFFFF  }
0xbc: {  	[dreg:$0x0] =	wrdreg $0x60  }
0xbd: {  	[dreg:$0x2] =	wrdreg s24  }
0xbe: {  	[dreg:$0x3] =	wrdreg $0xA2000  }
0xbf: {  	[dreg:$0x4] =	wrdreg $0xA  }
0xc0: {  	_ =	task.clear_ibuf [dreg:s22], $0x5FFFF;
	_ =	strace $0x9000004F  }
0xc1: {  	s29 =	simm.s32 $0xA;
	_ =	strace $0x80000051  }
0xc2: {  	_ =	swait.ge [sflag:s29], $0x1  }
0xc3: {  	[sflag:s29] =	ssyncadd.s32 $0xFFFFFFFF  }
0xc4: {  	_ =	strace $0x90000051  }
0xc5: {  	_ =	sfence  }
0xc6: {  	s30 =	sld [smem:$0x0];
	_ =	sdelay $0x2  }
0xc7: {  	s31 =	sshll.u32 s1, $0xD;
	s1 =	sshrl.u32 s1, $0x2  }
0xc8: {  	s4 =	sand.u32 $0x4000, s31;
	s1 =	sadd.s32 s1, s30  }
0xc9: {  	s0 =	sor.u32 s4, s0;
	s1 =	sshll.u32 s1, $0x11  }
0xca: {  	s0 =	sor.u32 s1, s0  }
0xcb: {  	s0 =	sadd.s32 $0x8F2B, s0  }
0xcc: {  	[sflag:s0] =	ssyncadd.remote.s32 $0x1  }
0xcd: {  	_ =	sfence.sel $0xFFFF  }
0xce: {  	[dreg:$0x0] =	wrdreg $0xFFFFFFFF;
	(pc) =	sbr.abs _section_cstart, $3  }
0xcf: {  	[dreg:$0x1] =	wrdreg $0xFFFFFFFF  }
0xd0: {  	_ =	task.clear_ibuf [dreg:s22], $0x2FFFF;
	_ =	strace $0x9FFFFFFF  }
0xd1: {  	(tm) =	ssettm $0x7FFFFFFF  }
tec
execute0_lowered:
.L_overlay_start_1:
0x0: {  	(tag) =	ssettag $0x1  }
0x1: {  	s0 =	rddreg [dreg:$0x0]  }
0x2: {  	s1 =	rddreg [dreg:$0x1];
	s2 =	simm.s32 $0x0  }
0x3: {  	s3 =	srdreg.scid;
	s13 =	stileid.u32;
	s28 =	simm.s32 $0x100  }
0x4: {  	s29 =	simm.s32 $0x5200;
	s30 =	simm.s32 $0x180;
	s7 =	smul.u32 $0x14000, s13  }
0x5: {  	s31 =	simm.s32 $0x7A00;
	s6 =	sadd.s32 $0x4F0C00, s0;
	s20 =	smul.u32 $0x50000, s13  }
0x6: {  	[smem:$0x7FF] =	sst s2;
	s4 =	sadd.s32 $0x117E200, s0;
	s10 =	smul.u32 $0x2710, s13  }
0x7: {  	s3 =	sand.u32 $0x1, s3;
	s8 =	sadd.s32 $0x4C00, s0;
	s24 =	smul.u32 $0x138800, s13  }
0x8: {  	s23 =	sshll.u32 s13, $0x6;
	_ =	strace $0x80000050;
	s5 =	smul.u32 $0x140000, s3  }
0x9: {  	[dreg:$0x3] =	wrdreg s8;
	s19 =	ssub.s32 $0x2, s3;
	s3 =	smul.u32 $0x1388000, s3  }
0xa: {  	s9 =	sshrl.u32 s19, $0x1;
	s22 =	sshrl.u32 s20, $0x2;
	s25 =	sadd.s32 $0x50, s10  }
0xb: {  	s11 =	sshrl.u32 s10, $0x3;
	s15 =	sadd.s32 $0xA0, s10;
	s10 =	sadd.s32 $0xF0, s10  }
0xc: {  	s5 =	sadd.s32 s7, s5;
	s21 =	ssub.s32 s19, s9;
	s7 =	sadd.s32 s22, s1  }
0xd: {  	s9 =	sadd.s32 s24, s3;
	s12 =	sshll.u32 s25, $0x7;
	s11 =	sadd.s32 s6, s11  }
0xe: {  	s8 =	sshrl.u32 s25, $0x3;
	s16 =	sshrl.u32 s15, $0x3;
	s17 =	sshll.u32 s10, $0x7  }
0xf: {  	s10 =	sshrl.u32 s10, $0x3;
	s5 =	sshrl.u32 s5, $0x3;
	[dreg:$0x4] =	wrdreg s7  }
0x10: {  	s7 =	sor.u32 $0x1C09, s23;
	[dreg:$0x5] =	wrdreg s11;
	s26 =	sshrl.u32 s9, $0x3  }
0x11: {  	s12 =	sadd.s32 s3, s12;
	s8 =	sadd.s32 s6, s8;
	s18 =	sadd.s32 s6, s10  }
0x12: {  	s19 =	sadd.s32 $0x11800, s9;
	s20 =	smax.u32 s21, $0x1;
	s21 =	smul.u32 $0x4E2, s13  }
0x13: {  	s22 =	sadd.s32 $0xF000, s9;
	s23 =	sadd.s32 $0xC800, s9;
	s10 =	simm.s32 $0x6  }
0x14: {  	s13 =	simm.s32 $0x0;
	s0 =	sadd.s32 s5, s0;
	[dreg:$0x7] =	wrdreg s8  }
0x15: {  	s11 =	sadd.s32 s4, s26;
	s12 =	sshrl.u32 s12, $0x3;
	[dreg:$0xb] =	wrdreg s18  }
0x16: {  	s8 =	sshll.u32 s15, $0x7;
	[dreg:$0xe] =	wrdreg s20;
	s24 =	sshrl.u32 s23, $0x3  }
0x17: {  	s26 =	sadd.s32 $0xA000, s9;
	s23 =	simm.s32 $0x9;
	s5 =	simm.s32 $0x2  }
0x18: {  	s9 =	simm.s32 $0x5;
	[dreg:$0x6] =	wrdreg s11;
	s14 =	sadd.s32 s4, s12  }
0x19: {  	s11 =	sadd.s32 s6, s16;
	s8 =	sadd.s32 s3, s8;
	s3 =	sadd.s32 s3, s17  }
0x1a: {  	s0 =	sadd.s32 $0xA7AE00, s0;
	s25 =	sadd.s32 s24, s4;
	[dreg:$0x12] =	wrdreg s26  }
0x1b: {  	s24 =	simm.s32 $0x200;
	s26 =	simm.s32 $0x2A00;
	[dreg:$0x8] =	wrdreg s14  }
0x1c: {  	s12 =	simm.s32 $0x8;
	[dreg:$0x9] =	wrdreg s11;
	s8 =	sshrl.u32 s8, $0x3  }
0x1d: {  	s3 =	sshrl.u32 s3, $0x3;
	[dreg:$0xd] =	wrdreg s0;
	s0 =	sshrl.u32 s19, $0x3  }
0x1e: {  	s19 =	sadd.s32 s21, s6;
	[dreg:$0x11] =	wrdreg s25;
	s25 =	simm.s32 $0x80  }
.Ltmp0:
0x1f: {  	s6 =	simm.s32 $0x3;
	s8 =	sadd.s32 s4, s8;
	(pc) =	sbr.rel .LBB2_1-.Ltmp0, $4  }
0x20: {  	s11 =	simm.s32 $0x7;
	s0 =	sadd.s32 s0, s4;
	[dreg:$0xa] =	wrdreg s8  }
0x21: {  	s3 =	sadd.s32 s4, s3;
	[dreg:$0xf] =	wrdreg s0;
	s0 =	sshrl.u32 s22, $0x3  }
0x22: {  	[dreg:$0xc] =	wrdreg s3;
	s3 =	simm.s32 $0x50;
	s0 =	sadd.s32 s0, s4  }
0x23: {  	s8 =	simm.s32 $0x4;
	[dreg:$0x10] =	wrdreg s0;
	s0 =	simm.s32 $0x1  }
.LBB2_4:
0x24: {  	_ =	swait.ge [sflag:s11], $0x2800  }
0x25: {  	[sflag:s11] =	ssyncset.done $0x0  }
0x26: {  	[sflag:s11] =	ssyncadd.s32 $0xFFFFD800  }
0x27: {  	_ =	swait.ge [sflag:s12], $0x2800  }
0x28: {  	[sflag:s12] =	ssyncset.done $0x0  }
0x29: {  	[sflag:s12] =	ssyncadd.s32 $0xFFFFD800  }
0x2a: {  	_ =	swait.ge [sflag:s0], $0x50  }
0x2b: {  	[sflag:s0] =	ssyncset.done $0x0  }
0x2c: {  	[sflag:s0] =	ssyncadd.s32 $0xFFFFFFB0  }
0x2d: {  	_ =	swait.ge [sflag:s0], $0x2800  }
0x2e: {  	[sflag:s0] =	ssyncset.done $0x0  }
0x2f: {  	[sflag:s0] =	ssyncadd.s32 $0xFFFFD800  }
0x30: {  	[spmem:s1] =	stream.indirect.scatter.add.f32 [tilespmem:s24], [sflag:$0x5], $0x80, s2, s3, $0xb8;
	[tilespmem:$0x1E200] =	vst v63  }
0x31: {  	_ =	swait.ge [sflag:s9], $0x2800  }
0x32: {  	[sflag:s9] =	ssyncset.done $0x0  }
0x33: {  	[sflag:s9] =	ssyncadd.s32 $0xFFFFD800  }
0x34: {  	[bflag:$0x0] =	sbarrier.arrive $0xFFFF  }
0x35: {  	s15 =	rddreg [dreg:$0xd]  }
0x36: {  	[hbm:s15], [sflag:s7] =	dma.local [spmem:s14], $0x2800  }
0x37: {  	_ =	swait.ge [sflag:s23], $0x2800  }
0x38: {  	s13 =	sadd.s32 $0x1, s13;
	s22 =	rddreg [dreg:$0xe]  }
0x39: {  	p0 =	sne.s32 s13, s22  }
.Ltmp1:
0x3a: {  	_ = 	snop;
	(pc) =	sbr.rel @!p0 .LBB2_5-.Ltmp1, $3  }
0x3b: {  	_ =	sdelay $0x1  }
0x3c: {  	[sflag:s23] =	ssyncset.done $0x0  }
0x3d: {  	[sflag:s23] =	ssyncadd.s32 $0xFFFFD800  }
.LBB2_1:
0x3e: {  	s14 =	rddreg [dreg:$0x4]  }
0x3f: {  	s15 =	rddreg [dreg:$0x3];
	s14 =	sshrl.u32 s14, $0x3  }
0x40: {  	[spmem:s14], [sflag:s7] =	dma.local [hbm:s15], $0x2800  }
0x41: {  	_ =	swait.ge [sflag:s23], $0x2800  }
0x42: {  	[sflag:s23] =	ssyncset.done $0x0  }
0x43: {  	[sflag:s23] =	ssyncadd.s32 $0xFFFFD800  }
0x44: {  	[bflag:$0x0] =	sbarrier.arrive $0xFFFF  }
0x45: {  	s21 =	rddreg [dreg:$0x5]  }
0x46: {  	s22 =	rddreg [dreg:$0x6]  }
0x47: {  	s16 =	rddreg [dreg:$0x7]  }
0x48: {  	s17 =	rddreg [dreg:$0x8]  }
0x49: {  	[tilespmem:s2], [sflag:$0x1] =	stream.linear.gather [hbm4b:s21+s2], $0x50, $0x38;
	[tilespmem:$0x1E200] =	vst v63  }
0x4a: {  	s18 =	rddreg [dreg:$0x9]  }
0x4b: {  	[tilespmem:s24], [sflag:$0x1] =	stream.linear.gather [hbm4b:s22+s2], $0x2800, $0x38;
	[tilespmem:$0x1E200] =	vst v63  }
0x4c: {  	s20 =	rddreg [dreg:$0xa]  }
0x4d: {  	[tilespmem:s25], [sflag:$0x2] =	stream.linear.gather [hbm4b:s16+s2], $0x50, $0x38;
	[tilespmem:$0x1E200] =	vst v63  }
0x4e: {  	s21 =	rddreg [dreg:$0xb]  }
0x4f: {  	[tilespmem:s26], [sflag:$0x2] =	stream.linear.gather [hbm4b:s17+s2], $0x2800, $0x38;
	[tilespmem:$0x1E200] =	vst v63  }
0x50: {  	s22 =	rddreg [dreg:$0xc]  }
0x51: {  	[tilespmem:s28], [sflag:$0x3] =	stream.linear.gather [hbm4b:s18+s2], $0x50, $0x38;
	[tilespmem:$0x1E200] =	vst v63  }
0x52: {  	s17 =	rddreg [dreg:$0xf]  }
0x53: {  	[tilespmem:s29], [sflag:$0x3] =	stream.linear.gather [hbm4b:s20+s2], $0x2800, $0x38;
	[tilespmem:$0x1E200] =	vst v63  }
0x54: {  	s20 =	rddreg [dreg:$0x10]  }
0x55: {  	[tilespmem:s30], [sflag:$0x4] =	stream.linear.gather [hbm4b:s21+s2], $0x50, $0x38;
	[tilespmem:$0x1E200] =	vst v63  }
0x56: {  	s21 =	rddreg [dreg:$0x11]  }
0x57: {  	[tilespmem:s31], [sflag:$0x4] =	stream.linear.gather [hbm4b:s22+s2], $0x2800, $0x38;
	[tilespmem:$0x1E200] =	vst v63  }
0x58: {  	s18 =	simm.s32 $0x0;
	s22 =	rddreg [dreg:$0x12]  }
.LBB2_2:
0x59: {  	_ =	swait.ge [sflag:s0], $0x50  }
0x5a: {  	[sflag:s0] =	ssyncset.done $0x0  }
0x5b: {  	[sflag:s0] =	ssyncadd.s32 $0xFFFFFFB0  }
0x5c: {  	_ =	swait.ge [sflag:s0], $0x2800  }
0x5d: {  	[sflag:s0] =	ssyncset.done $0x0  }
0x5e: {  	[sflag:s0] =	ssyncadd.s32 $0xFFFFD800  }
0x5f: {  	[spmem:s1] =	stream.indirect.scatter.add.f32 [tilespmem:s24], [sflag:$0x5], $0x80, s2, s3, $0xb8;
	[tilespmem:$0x1E200] =	vst v63  }
0x60: {  	_ =	swait.ge [sflag:s5], $0x50  }
0x61: {  	[sflag:s5] =	ssyncset.done $0x0  }
0x62: {  	[sflag:s5] =	ssyncadd.s32 $0xFFFFFFB0  }
0x63: {  	_ =	swait.ge [sflag:s5], $0x2800  }
0x64: {  	[sflag:s5] =	ssyncset.done $0x0  }
0x65: {  	[sflag:s5] =	ssyncadd.s32 $0xFFFFD800  }
0x66: {  	[spmem:s1] =	stream.indirect.scatter.add.f32 [tilespmem:s26], [sflag:$0x6], $0x80, s25, s3, $0xb8;
	[tilespmem:$0x1E200] =	vst v63  }
0x67: {  	_ =	swait.ge [sflag:s6], $0x50  }
0x68: {  	[sflag:s6] =	ssyncset.done $0x0  }
0x69: {  	[sflag:s6] =	ssyncadd.s32 $0xFFFFFFB0  }
0x6a: {  	_ =	swait.ge [sflag:s6], $0x2800  }
0x6b: {  	[sflag:s6] =	ssyncset.done $0x0  }
0x6c: {  	[sflag:s6] =	ssyncadd.s32 $0xFFFFD800  }
0x6d: {  	[spmem:s1] =	stream.indirect.scatter.add.f32 [tilespmem:s29], [sflag:$0x7], $0x80, s28, s3, $0xb8;
	[tilespmem:$0x1E200] =	vst v63  }
0x6e: {  	_ =	swait.ge [sflag:s8], $0x50  }
0x6f: {  	[sflag:s8] =	ssyncset.done $0x0  }
0x70: {  	[sflag:s8] =	ssyncadd.s32 $0xFFFFFFB0  }
0x71: {  	_ =	swait.ge [sflag:s8], $0x2800  }
0x72: {  	[sflag:s8] =	ssyncset.done $0x0  }
0x73: {  	[sflag:s8] =	ssyncadd.s32 $0xFFFFD800  }
0x74: {  	[spmem:s1] =	stream.indirect.scatter.add.f32 [tilespmem:s31], [sflag:$0x8], $0x80, s30, s3, $0xb8;
	[tilespmem:$0x1E200] =	vst v63  }
0x75: {  	_ =	swait.ge [sflag:s9], $0x2800  }
0x76: {  	s16 =	sadd.s32 s18, s19;
	[sflag:s9] =	ssyncset.done $0x0  }
0x77: {  	s15 =	sadd.s32 $0x28, s16;
	[sflag:s9] =	ssyncadd.s32 $0xFFFFD800  }
0x78: {  	[tilespmem:s2], [sflag:$0x1] =	stream.linear.gather [hbm4b:s15+s2], $0x50, $0x38;
	[tilespmem:$0x1E200] =	vst v63  }
0x79: {  	p0 =	seq.s32 s18, $0x4B0;
	s15 =	sshrl.u32 s22, $0x3  }
.Ltmp2:
0x7a: {  	s15 =	sadd.s32 s4, s15;
	(pc) =	sbr.rel @p0 .LBB2_4-.Ltmp2, $4  }
0x7b: {  	[tilespmem:s24], [sflag:$0x1] =	stream.linear.gather [hbm4b:s15+s2], $0x2800, $0x38;
	[tilespmem:$0x1E200] =	vst v63  }
0x7c: {  	_ =	swait.ge [sflag:s10], $0x2800  }
0x7d: {  	[sflag:s10] =	ssyncset.done $0x0  }
0x7e: {  	[sflag:s10] =	ssyncadd.s32 $0xFFFFD800  }
0x7f: {  	s15 =	sadd.s32 $0x32, s16  }
0x80: {  	[tilespmem:s25], [sflag:$0x2] =	stream.linear.gather [hbm4b:s15+s2], $0x50, $0x38;
	[tilespmem:$0x1E200] =	vst v63  }
0x81: {  	_ = 	snop  }
0x82: {  	[tilespmem:s26], [sflag:$0x2] =	stream.linear.gather [hbm4b:s21+s2], $0x2800, $0x38;
	[tilespmem:$0x1E200] =	vst v63  }
0x83: {  	_ =	swait.ge [sflag:s11], $0x2800  }
0x84: {  	[sflag:s11] =	ssyncset.done $0x0  }
0x85: {  	s15 =	sadd.s32 $0x3C, s16;
	[sflag:s11] =	ssyncadd.s32 $0xFFFFD800  }
0x86: {  	[tilespmem:s28], [sflag:$0x3] =	stream.linear.gather [hbm4b:s15+s2], $0x50, $0x38;
	[tilespmem:$0x1E200] =	vst v63  }
0x87: {  	_ = 	snop  }
0x88: {  	[tilespmem:s29], [sflag:$0x3] =	stream.linear.gather [hbm4b:s20+s2], $0x2800, $0x38;
	[tilespmem:$0x1E200] =	vst v63  }
0x89: {  	_ =	swait.ge [sflag:s12], $0x2800  }
0x8a: {  	[sflag:s12] =	ssyncset.done $0x0  }
.Ltmp3:
0x8b: {  	s16 =	sadd.s32 $0x46, s16;
	[sflag:s12] =	ssyncadd.s32 $0xFFFFD800;
	(pc) =	sbr.rel .LBB2_2-.Ltmp3, $4  }
0x8c: {  	[tilespmem:s30], [sflag:$0x4] =	stream.linear.gather [hbm4b:s16+s2], $0x50, $0x38;
	[tilespmem:$0x1E200] =	vst v63  }
0x8d: {  	s18 =	sadd.s32 $0x28, s18;
	s22 =	sadd.s32 $0xA000, s22  }
0x8e: {  	[tilespmem:s31], [sflag:$0x4] =	stream.linear.gather [hbm4b:s17+s2], $0x2800, $0x38;
	[tilespmem:$0x1E200] =	vst v63  }
0x8f: {  	s21 =	sadd.s32 $0x1400, s21;
	s20 =	sadd.s32 $0x1400, s20;
	s17 =	sadd.s32 $0x1400, s17  }
.LBB2_5:
0x90: {  	_ =	sfence.sel $0x180000  }
0x91: {  	[bflag:$0x0] =	sbarrier.arrive $0xFFFF  }
0x92: {  	_ =	strace $0x90000050  }
0x93: {  	s0 =	stileid.u32;
	[bflag:$0x2] =	sbarrier.arrive $0xFFFF  }
0x94: {  	p0 =	sne.s32 s0, $0x0;
	s0 =	rddreg [dreg:$0x2]  }
0x95: {  	s0 =	sadd.s32 @!p0 $0x100000, s0  }
0x96: {  	[sflag:s0] =	ssyncadd.tile.s32 @!p0 $0x1;
	_ =	shalt  }
.Lfunc_end2:
_tile_overlayer_lowered:
.L_overlay_start_2:
0x97: {  	(tag) =	ssettag $0x2  }
0x98: {  	s0 =	rddreg [dreg:$0x0];
	s2 =	stileid.u32  }
0x99: {  	s1 =	rddreg [dreg:$0x1];
	p0 =	sne.s32 s2, $0x0  }
0x9a: {  	s3 =	rddreg [dreg:$0x2];
	[bflag:$0x3] =	sbarrier.arrive $0xFFFF;
	s2 =	simm.s32 @!p0 $0x1C09  }
0x9b: {  	[timem:s3], [sflag:s2] =	dma.local @!p0 [hbm:s0], s1  }
0x9c: {  	s0 =	simm.s32 @!p0 $0x9  }
0x9d: {  	_ =	swait.ge @!p0 [sflag:s0], s1  }
0x9e: {  	s1 =	ssub.s32 @!p0 $0x0, s1;
	[sflag:s0] =	ssyncset.done @!p0 $0x0  }
0x9f: {  	[sflag:s0] =	ssyncadd.s32 @!p0 s1  }
0xa0: {  	[bflag:$0x3] =	sbarrier.arrive $0xFFFF  }
0xa1: {  	_ =	shalt  }

</sc_bundles>
